<compile_context>
chip_gen: v7x
topology: tpu7x:2x2x1
jax: 0.10.2.dev20260603
libtpu: 0.0.44.dev20260713+nightly
codegen_flags: <defaults>
</compile_context>

<pallas_src>
import functools

import jax
import jax.numpy as jnp
from jax import lax
from jax.experimental import pallas as pl
from jax.experimental.pallas import tpu as pltpu
from jax.experimental.pallas import tpu_sc as plsc

B, L, D = 4, 4096, 1024

_info = plsc.get_sparse_core_info()
NC, NS, LANES = _info.num_cores, _info.num_subcores, _info.num_lanes
NW = NC * NS
L_PER_W = L // NW
CHUNK = 8
N_STEPS = L_PER_W // CHUNK
N_GROUPS = CHUNK * D // LANES
GROUPS_PER_ROW = D // LANES
NBUF = 3
N_MAIN = (N_STEPS - 1) // NBUF

_mesh = plsc.VectorSubcoreMesh(core_axis_name="c", subcore_axis_name="s")

_scratch = (
    [pltpu.VMEM((CHUNK, D), jnp.float32) for _ in range(NBUF * B)]
    + [pltpu.VMEM((CHUNK, D), jnp.float32) for _ in range(NBUF)]
    + [pltpu.SemaphoreType.DMA for _ in range(3 * NBUF)]
)


@functools.partial(
    pl.kernel,
    mesh=_mesh,
    out_type=jax.ShapeDtypeStruct((B, L, D), jnp.float32),
    scratch_types=_scratch,
    compiler_params=pltpu.CompilerParams(use_tc_tiling_on_sc=True),
)
def _pos_emb_add(x_hbm, emb_hbm, out_hbm, *scratch):
    xv = [scratch[s * B:(s + 1) * B] for s in range(NBUF)]
    ev = scratch[NBUF * B:NBUF * B + NBUF]
    sems = scratch[NBUF * B + NBUF:]
    sem_xin = sems[0:NBUF]
    sem_ein = sems[NBUF:2 * NBUF]
    sem_xout = sems[2 * NBUF:3 * NBUF]

    wid = lax.axis_index("s") * NC + lax.axis_index("c")
    l_base = wid * L_PER_W

    def in_descs(step, slot):
        l0 = pl.multiple_of(l_base + step * CHUNK, CHUNK)
        descs = [pltpu.make_async_copy(
            emb_hbm.at[pl.ds(l0, CHUNK), :], ev[slot], sem_ein[slot])]
        for b in range(B):
            descs.append(pltpu.make_async_copy(
                x_hbm.at[b, pl.ds(l0, CHUNK), :], xv[slot][b],
                sem_xin[slot]))
        return descs

    def out_descs(step, slot):
        l0 = pl.multiple_of(l_base + step * CHUNK, CHUNK)
        return [pltpu.make_async_copy(
            xv[slot][b], out_hbm.at[b, pl.ds(l0, CHUNK), :], sem_xout[slot])
            for b in range(B)]

    def start(descs):
        for d in descs:
            d.start()

    def wait(descs):
        for d in descs:
            d.wait()

    def compute(slot):
        e_ref = ev[slot]
        x_refs = xv[slot]

        @plsc.parallel_loop(0, N_GROUPS, unroll=2)
        def _add(i):
            r = i // GROUPS_PER_ROW
            sl = pl.ds((i % GROUPS_PER_ROW) * LANES, LANES)
            e = e_ref[r, sl]
            for b in range(B):
                plsc.addupdate(x_refs[b].at[r, sl], e)

    for s in range(NBUF - 1):
        start(in_descs(s, s))

    for s in range(NBUF - 1):
        wait(in_descs(s, s))
        compute(s)
        start(out_descs(s, s))
        if s - 1 >= 0:
            wait(out_descs(s - 1, s - 1))
        start(in_descs(s + NBUF - 1, (s + NBUF - 1) % NBUF))

    HEAD = NBUF - 1
    N_MAIN = (N_STEPS - HEAD - (NBUF - 1)) // NBUF

    def main_body(g, carry):
        for j in range(NBUF):
            s = HEAD + g * NBUF + j
            slot = (HEAD + j) % NBUF
            wait(in_descs(s, slot))
            compute(slot)
            start(out_descs(s, slot))
            wait(out_descs(s - 1, (slot + NBUF - 1) % NBUF))
            start(in_descs(s + NBUF - 1, (slot + NBUF - 1) % NBUF))
        return carry

    lax.fori_loop(0, N_MAIN, main_body, 0)

    first_tail = HEAD + N_MAIN * NBUF
    for s in range(first_tail, N_STEPS):
        wait(in_descs(s, s % NBUF))
        compute(s % NBUF)
        start(out_descs(s, s % NBUF))
    for t in range(first_tail - 1, N_STEPS):
        wait(out_descs(t, t % NBUF))


def kernel(x, emb_table):
    return _pos_emb_add(x, emb_table)

# --- scband reference (transcript-rebuilt; emitter-appended) ---
"""Pipeline reference for scband-position-embedding-45019847197272 (READ-ONLY COPY).

The authoritative reference and input builder live on the scoring server;
editing this copy changes nothing except your own understanding.
"""

import jax, jax.numpy as jnp
import numpy as np

MAX_EMBEDDINGS = 8192
HIDDEN_SIZE = 1024

def setup_inputs(seed: int = 0) -> dict:
    key = jax.random.key(seed)
    k1, k2 = jax.random.split(key)
    x = jax.random.normal(k1, (4, 4096, 1024), dtype=jnp.float32)
    emb_table = jax.random.normal(k2, (MAX_EMBEDDINGS, HIDDEN_SIZE), dtype=jnp.float32) * 0.02
    return {"x": x, "emb_table": emb_table}

def reference(x, emb_table):
    # position_ids = arange(max_embeddings)[:L]; embedding lookup is a gather
    L = x.shape[-2]
    position_ids = jnp.arange(MAX_EMBEDDINGS)[:L]
    pos_emb = jnp.take(emb_table, position_ids, axis=0)  # (L, d)
    if x.ndim == 3:
        return x + pos_emb[None, :, :]
    elif x.ndim == 4:
        b, h, l, d = x.shape
        xr = jnp.reshape(jnp.transpose(x, (0, 2, 1, 3)), (b, l, h * d))
        xr = xr + pos_emb[None, :, :]
        xr = jnp.transpose(jnp.reshape(xr, (b, l, h, d)), (0, 2, 1, 3))
        return xr

if __name__ == "__main__":
    import jax
    _d = setup_inputs()
    print(jax.jit(kernel)(*tuple(_d.values())))

</pallas_src>

<mosaic_0001>
#map = affine_map<(d0, d1) -> (0, 0, 0)>
#map1 = affine_map<(d0, d1) -> (0, 0)>
module attributes {stable_mosaic.version = 14 : i64} {
  func.func @_pos_emb_add(%arg0: i32, %arg1: i32, %arg2: memref<4x4096x1024xf32, #tpu.memory_space<hbm>>, %arg3: memref<8192x1024xf32, #tpu.memory_space<hbm>>, %arg4: memref<4x4096x1024xf32, #tpu.memory_space<hbm>>, %arg5: memref<8x1024xf32, #tpu.memory_space<vmem>>, %arg6: memref<8x1024xf32, #tpu.memory_space<vmem>>, %arg7: memref<8x1024xf32, #tpu.memory_space<vmem>>, %arg8: memref<8x1024xf32, #tpu.memory_space<vmem>>, %arg9: memref<8x1024xf32, #tpu.memory_space<vmem>>, %arg10: memref<8x1024xf32, #tpu.memory_space<vmem>>, %arg11: memref<8x1024xf32, #tpu.memory_space<vmem>>, %arg12: memref<8x1024xf32, #tpu.memory_space<vmem>>, %arg13: memref<8x1024xf32, #tpu.memory_space<vmem>>, %arg14: memref<8x1024xf32, #tpu.memory_space<vmem>>, %arg15: memref<8x1024xf32, #tpu.memory_space<vmem>>, %arg16: memref<8x1024xf32, #tpu.memory_space<vmem>>, %arg17: memref<8x1024xf32, #tpu.memory_space<vmem>>, %arg18: memref<8x1024xf32, #tpu.memory_space<vmem>>, %arg19: memref<8x1024xf32, #tpu.memory_space<vmem>>, %arg20: memref<!tpu.dma_semaphore, #tpu.memory_space<semaphore_mem>>, %arg21: memref<!tpu.dma_semaphore, #tpu.memory_space<semaphore_mem>>, %arg22: memref<!tpu.dma_semaphore, #tpu.memory_space<semaphore_mem>>, %arg23: memref<!tpu.dma_semaphore, #tpu.memory_space<semaphore_mem>>, %arg24: memref<!tpu.dma_semaphore, #tpu.memory_space<semaphore_mem>>, %arg25: memref<!tpu.dma_semaphore, #tpu.memory_space<semaphore_mem>>, %arg26: memref<!tpu.dma_semaphore, #tpu.memory_space<semaphore_mem>>, %arg27: memref<!tpu.dma_semaphore, #tpu.memory_space<semaphore_mem>>, %arg28: memref<!tpu.dma_semaphore, #tpu.memory_space<semaphore_mem>>) attributes {dimension_semantics = [#tpu.dimension_semantics<core_parallel>, #tpu.dimension_semantics<subcore_parallel>], iteration_bounds = array<i64: 2, 16>, scalar_prefetch = 0 : i64, scratch_operands = 24 : i64, tpu.core_type = #tpu.core_type<sc_vector_subcore>, window_params = [{transform_indices = #map}, {transform_indices = #map1}, {transform_indices = #map}]} {
    %mul3A = arith.constant 2 : i32
    %mul3A_0 = arith.muli %arg1, %mul3A : i32
    %add3A = arith.addi %mul3A_0, %arg0 : i32
    %mul3A_1 = arith.constant 128 : i32
    %mul3A_2 = arith.muli %add3A, %mul3A_1 : i32
    %add3A_3 = arith.constant 0 : i32
    %add3A_4 = arith.addi %mul3A_2, %add3A_3 : i32
    %multiple_of3A = tpu.assume_multiple %add3A_4, 8 : i32
    %dma_start3A = arith.constant 0 : i32
    %dma_start3A_5 = tpu.memref_slice %arg3[%multiple_of3A, %dma_start3A] : memref<8192x1024xf32, #tpu.memory_space<hbm>> -> memref<8x1024xf32, #tpu.memory_space<hbm>>
    %dma_start3A_6 = arith.constant 0 : i32
    %dma_start3A_7 = tpu.memref_slice %arg3[%multiple_of3A, %dma_start3A_6] : memref<8192x1024xf32, #tpu.memory_space<hbm>> -> memref<8x1024xf32, #tpu.memory_space<hbm>>
    tpu.enqueue_dma source(%dma_start3A_7 : memref<8x1024xf32, #tpu.memory_space<hbm>>) target(%arg17 : memref<8x1024xf32, #tpu.memory_space<vmem>>) target_semaphore(%arg23 : memref<!tpu.dma_semaphore, #tpu.memory_space<semaphore_mem>>)
    %dma_start3A_8 = arith.constant 0 : i32
    %dma_start3A_9 = arith.constant 0 : i32
    %dma_start3A_10 = tpu.memref_slice %arg2[%dma_start3A_8, %multiple_of3A, %dma_start3A_9] : memref<4x4096x1024xf32, #tpu.memory_space<hbm>> -> memref<1x8x1024xf32, #tpu.memory_space<hbm>>
    %dma_start3A_11 = tpu.memref_squeeze %dma_start3A_10 : memref<1x8x1024xf32, #tpu.memory_space<hbm>> -> memref<8x1024xf32, #tpu.memory_space<hbm>>
    %dma_start3A_12 = arith.constant 0 : i32
    %dma_start3A_13 = tpu.memref_slice %arg2[%dma_start3A_8, %multiple_of3A, %dma_start3A_12] : memref<4x4096x1024xf32, #tpu.memory_space<hbm>> -> memref<1x8x1024xf32, #tpu.memory_space<hbm>>
    %dma_start3A_14 = tpu.memref_squeeze %dma_start3A_13 : memref<1x8x1024xf32, #tpu.memory_space<hbm>> -> memref<8x1024xf32, #tpu.memory_space<hbm>>
    tpu.enqueue_dma source(%dma_start3A_14 : memref<8x1024xf32, #tpu.memory_space<hbm>>) target(%arg5 : memref<8x1024xf32, #tpu.memory_space<vmem>>) target_semaphore(%arg20 : memref<!tpu.dma_semaphore, #tpu.memory_space<semaphore_mem>>)
    %dma_start3A_15 = arith.constant 1 : i32
    %dma_start3A_16 = arith.constant 0 : i32
    %dma_start3A_17 = tpu.memref_slice %arg2[%dma_start3A_15, %multiple_of3A, %dma_start3A_16] : memref<4x4096x1024xf32, #tpu.memory_space<hbm>> -> memref<1x8x1024xf32, #tpu.memory_space<hbm>>
    %dma_start3A_18 = tpu.memref_squeeze %dma_start3A_17 : memref<1x8x1024xf32, #tpu.memory_space<hbm>> -> memref<8x1024xf32, #tpu.memory_space<hbm>>
    %dma_start3A_19 = arith.constant 0 : i32
    %dma_start3A_20 = tpu.memref_slice %arg2[%dma_start3A_15, %multiple_of3A, %dma_start3A_19] : memref<4x4096x1024xf32, #tpu.memory_space<hbm>> -> memref<1x8x1024xf32, #tpu.memory_space<hbm>>
    %dma_start3A_21 = tpu.memref_squeeze %dma_start3A_20 : memref<1x8x1024xf32, #tpu.memory_space<hbm>> -> memref<8x1024xf32, #tpu.memory_space<hbm>>
    tpu.enqueue_dma source(%dma_start3A_21 : memref<8x1024xf32, #tpu.memory_space<hbm>>) target(%arg6 : memref<8x1024xf32, #tpu.memory_space<vmem>>) target_semaphore(%arg20 : memref<!tpu.dma_semaphore, #tpu.memory_space<semaphore_mem>>)
    %dma_start3A_22 = arith.constant 2 : i32
    %dma_start3A_23 = arith.constant 0 : i32
    %dma_start3A_24 = tpu.memref_slice %arg2[%dma_start3A_22, %multiple_of3A, %dma_start3A_23] : memref<4x4096x1024xf32, #tpu.memory_space<hbm>> -> memref<1x8x1024xf32, #tpu.memory_space<hbm>>
    %dma_start3A_25 = tpu.memref_squeeze %dma_start3A_24 : memref<1x8x1024xf32, #tpu.memory_space<hbm>> -> memref<8x1024xf32, #tpu.memory_space<hbm>>
    %dma_start3A_26 = arith.constant 0 : i32
    %dma_start3A_27 = tpu.memref_slice %arg2[%dma_start3A_22, %multiple_of3A, %dma_start3A_26] : memref<4x4096x1024xf32, #tpu.memory_space<hbm>> -> memref<1x8x1024xf32, #tpu.memory_space<hbm>>
    %dma_start3A_28 = tpu.memref_squeeze %dma_start3A_27 : memref<1x8x1024xf32, #tpu.memory_space<hbm>> -> memref<8x1024xf32, #tpu.memory_space<hbm>>
    tpu.enqueue_dma source(%dma_start3A_28 : memref<8x1024xf32, #tpu.memory_space<hbm>>) target(%arg7 : memref<8x1024xf32, #tpu.memory_space<vmem>>) target_semaphore(%arg20 : memref<!tpu.dma_semaphore, #tpu.memory_space<semaphore_mem>>)
    %dma_start3A_29 = arith.constant 3 : i32
    %dma_start3A_30 = arith.constant 0 : i32
    %dma_start3A_31 = tpu.memref_slice %arg2[%dma_start3A_29, %multiple_of3A, %dma_start3A_30] : memref<4x4096x1024xf32, #tpu.memory_space<hbm>> -> memref<1x8x1024xf32, #tpu.memory_space<hbm>>
    %dma_start3A_32 = tpu.memref_squeeze %dma_start3A_31 : memref<1x8x1024xf32, #tpu.memory_space<hbm>> -> memref<8x1024xf32, #tpu.memory_space<hbm>>
    %dma_start3A_33 = arith.constant 0 : i32
    %dma_start3A_34 = tpu.memref_slice %arg2[%dma_start3A_29, %multiple_of3A, %dma_start3A_33] : memref<4x4096x1024xf32, #tpu.memory_space<hbm>> -> memref<1x8x1024xf32, #tpu.memory_space<hbm>>
    %dma_start3A_35 = tpu.memref_squeeze %dma_start3A_34 : memref<1x8x1024xf32, #tpu.memory_space<hbm>> -> memref<8x1024xf32, #tpu.memory_space<hbm>>
    tpu.enqueue_dma source(%dma_start3A_35 : memref<8x1024xf32, #tpu.memory_space<hbm>>) target(%arg8 : memref<8x1024xf32, #tpu.memory_space<vmem>>) target_semaphore(%arg20 : memref<!tpu.dma_semaphore, #tpu.memory_space<semaphore_mem>>)
    %add3A_36 = arith.constant 8 : i32
    %add3A_37 = arith.addi %mul3A_2, %add3A_36 : i32
    %multiple_of3A_38 = tpu.assume_multiple %add3A_37, 8 : i32
    %dma_start3A_39 = arith.constant 0 : i32
    %dma_start3A_40 = tpu.memref_slice %arg3[%multiple_of3A_38, %dma_start3A_39] : memref<8192x1024xf32, #tpu.memory_space<hbm>> -> memref<8x1024xf32, #tpu.memory_space<hbm>>
    %dma_start3A_41 = arith.constant 0 : i32
    %dma_start3A_42 = tpu.memref_slice %arg3[%multiple_of3A_38, %dma_start3A_41] : memref<8192x1024xf32, #tpu.memory_space<hbm>> -> memref<8x1024xf32, #tpu.memory_space<hbm>>
    tpu.enqueue_dma source(%dma_start3A_42 : memref<8x1024xf32, #tpu.memory_space<hbm>>) target(%arg18 : memref<8x1024xf32, #tpu.memory_space<vmem>>) target_semaphore(%arg24 : memref<!tpu.dma_semaphore, #tpu.memory_space<semaphore_mem>>)
    %dma_start3A_43 = arith.constant 0 : i32
    %dma_start3A_44 = arith.constant 0 : i32
    %dma_start3A_45 = tpu.memref_slice %arg2[%dma_start3A_43, %multiple_of3A_38, %dma_start3A_44] : memref<4x4096x1024xf32, #tpu.memory_space<hbm>> -> memref<1x8x1024xf32, #tpu.memory_space<hbm>>
    %dma_start3A_46 = tpu.memref_squeeze %dma_start3A_45 : memref<1x8x1024xf32, #tpu.memory_space<hbm>> -> memref<8x1024xf32, #tpu.memory_space<hbm>>
    %dma_start3A_47 = arith.constant 0 : i32
    %dma_start3A_48 = tpu.memref_slice %arg2[%dma_start3A_43, %multiple_of3A_38, %dma_start3A_47] : memref<4x4096x1024xf32, #tpu.memory_space<hbm>> -> memref<1x8x1024xf32, #tpu.memory_space<hbm>>
    %dma_start3A_49 = tpu.memref_squeeze %dma_start3A_48 : memref<1x8x1024xf32, #tpu.memory_space<hbm>> -> memref<8x1024xf32, #tpu.memory_space<hbm>>
    tpu.enqueue_dma source(%dma_start3A_49 : memref<8x1024xf32, #tpu.memory_space<hbm>>) target(%arg9 : memref<8x1024xf32, #tpu.memory_space<vmem>>) target_semaphore(%arg21 : memref<!tpu.dma_semaphore, #tpu.memory_space<semaphore_mem>>)
    %dma_start3A_50 = arith.constant 1 : i32
    %dma_start3A_51 = arith.constant 0 : i32
    %dma_start3A_52 = tpu.memref_slice %arg2[%dma_start3A_50, %multiple_of3A_38, %dma_start3A_51] : memref<4x4096x1024xf32, #tpu.memory_space<hbm>> -> memref<1x8x1024xf32, #tpu.memory_space<hbm>>
    %dma_start3A_53 = tpu.memref_squeeze %dma_start3A_52 : memref<1x8x1024xf32, #tpu.memory_space<hbm>> -> memref<8x1024xf32, #tpu.memory_space<hbm>>
    %dma_start3A_54 = arith.constant 0 : i32
    %dma_start3A_55 = tpu.memref_slice %arg2[%dma_start3A_50, %multiple_of3A_38, %dma_start3A_54] : memref<4x4096x1024xf32, #tpu.memory_space<hbm>> -> memref<1x8x1024xf32, #tpu.memory_space<hbm>>
    %dma_start3A_56 = tpu.memref_squeeze %dma_start3A_55 : memref<1x8x1024xf32, #tpu.memory_space<hbm>> -> memref<8x1024xf32, #tpu.memory_space<hbm>>
    tpu.enqueue_dma source(%dma_start3A_56 : memref<8x1024xf32, #tpu.memory_space<hbm>>) target(%arg10 : memref<8x1024xf32, #tpu.memory_space<vmem>>) target_semaphore(%arg21 : memref<!tpu.dma_semaphore, #tpu.memory_space<semaphore_mem>>)
    %dma_start3A_57 = arith.constant 2 : i32
    %dma_start3A_58 = arith.constant 0 : i32
    %dma_start3A_59 = tpu.memref_slice %arg2[%dma_start3A_57, %multiple_of3A_38, %dma_start3A_58] : memref<4x4096x1024xf32, #tpu.memory_space<hbm>> -> memref<1x8x1024xf32, #tpu.memory_space<hbm>>
    %dma_start3A_60 = tpu.memref_squeeze %dma_start3A_59 : memref<1x8x1024xf32, #tpu.memory_space<hbm>> -> memref<8x1024xf32, #tpu.memory_space<hbm>>
    %dma_start3A_61 = arith.constant 0 : i32
    %dma_start3A_62 = tpu.memref_slice %arg2[%dma_start3A_57, %multiple_of3A_38, %dma_start3A_61] : memref<4x4096x1024xf32, #tpu.memory_space<hbm>> -> memref<1x8x1024xf32, #tpu.memory_space<hbm>>
    %dma_start3A_63 = tpu.memref_squeeze %dma_start3A_62 : memref<1x8x1024xf32, #tpu.memory_space<hbm>> -> memref<8x1024xf32, #tpu.memory_space<hbm>>
    tpu.enqueue_dma source(%dma_start3A_63 : memref<8x1024xf32, #tpu.memory_space<hbm>>) target(%arg11 : memref<8x1024xf32, #tpu.memory_space<vmem>>) target_semaphore(%arg21 : memref<!tpu.dma_semaphore, #tpu.memory_space<semaphore_mem>>)
    %dma_start3A_64 = arith.constant 3 : i32
    %dma_start3A_65 = arith.constant 0 : i32
    %dma_start3A_66 = tpu.memref_slice %arg2[%dma_start3A_64, %multiple_of3A_38, %dma_start3A_65] : memref<4x4096x1024xf32, #tpu.memory_space<hbm>> -> memref<1x8x1024xf32, #tpu.memory_space<hbm>>
    %dma_start3A_67 = tpu.memref_squeeze %dma_start3A_66 : memref<1x8x1024xf32, #tpu.memory_space<hbm>> -> memref<8x1024xf32, #tpu.memory_space<hbm>>
    %dma_start3A_68 = arith.constant 0 : i32
    %dma_start3A_69 = tpu.memref_slice %arg2[%dma_start3A_64, %multiple_of3A_38, %dma_start3A_68] : memref<4x4096x1024xf32, #tpu.memory_space<hbm>> -> memref<1x8x1024xf32, #tpu.memory_space<hbm>>
    %dma_start3A_70 = tpu.memref_squeeze %dma_start3A_69 : memref<1x8x1024xf32, #tpu.memory_space<hbm>> -> memref<8x1024xf32, #tpu.memory_space<hbm>>
    tpu.enqueue_dma source(%dma_start3A_70 : memref<8x1024xf32, #tpu.memory_space<hbm>>) target(%arg12 : memref<8x1024xf32, #tpu.memory_space<vmem>>) target_semaphore(%arg21 : memref<!tpu.dma_semaphore, #tpu.memory_space<semaphore_mem>>)
    %add3A_71 = arith.constant 0 : i32
    %add3A_72 = arith.addi %mul3A_2, %add3A_71 : i32
    %multiple_of3A_73 = tpu.assume_multiple %add3A_72, 8 : i32
    %dma_wait3A = arith.constant 0 : i32
    %dma_wait3A_74 = tpu.memref_slice %arg3[%multiple_of3A_73, %dma_wait3A] : memref<8192x1024xf32, #tpu.memory_space<hbm>> -> memref<8x1024xf32, #tpu.memory_space<hbm>>
    %dma_wait3A_75 = arith.constant 0 : i32
    %dma_wait3A_76 = tpu.memref_slice %arg3[%multiple_of3A_73, %dma_wait3A_75] : memref<8192x1024xf32, #tpu.memory_space<hbm>> -> memref<8x1024xf32, #tpu.memory_space<hbm>>
    tpu.wait_dma2 semaphore(%arg23 : memref<!tpu.dma_semaphore, #tpu.memory_space<semaphore_mem>>) src(%dma_wait3A_76 : memref<8x1024xf32, #tpu.memory_space<hbm>>) dst(%arg17 : memref<8x1024xf32, #tpu.memory_space<vmem>>)
    %dma_wait3A_77 = arith.constant 0 : i32
    %dma_wait3A_78 = arith.constant 0 : i32
    %dma_wait3A_79 = tpu.memref_slice %arg2[%dma_wait3A_77, %multiple_of3A_73, %dma_wait3A_78] : memref<4x4096x1024xf32, #tpu.memory_space<hbm>> -> memref<1x8x1024xf32, #tpu.memory_space<hbm>>
    %dma_wait3A_80 = tpu.memref_squeeze %dma_wait3A_79 : memref<1x8x1024xf32, #tpu.memory_space<hbm>> -> memref<8x1024xf32, #tpu.memory_space<hbm>>
    %dma_wait3A_81 = arith.constant 0 : i32
    %dma_wait3A_82 = tpu.memref_slice %arg2[%dma_wait3A_77, %multiple_of3A_73, %dma_wait3A_81] : memref<4x4096x1024xf32, #tpu.memory_space<hbm>> -> memref<1x8x1024xf32, #tpu.memory_space<hbm>>
    %dma_wait3A_83 = tpu.memref_squeeze %dma_wait3A_82 : memref<1x8x1024xf32, #tpu.memory_space<hbm>> -> memref<8x1024xf32, #tpu.memory_space<hbm>>
    tpu.wait_dma2 semaphore(%arg20 : memref<!tpu.dma_semaphore, #tpu.memory_space<semaphore_mem>>) src(%dma_wait3A_83 : memref<8x1024xf32, #tpu.memory_space<hbm>>) dst(%arg5 : memref<8x1024xf32, #tpu.memory_space<vmem>>)
    %dma_wait3A_84 = arith.constant 1 : i32
    %dma_wait3A_85 = arith.constant 0 : i32
    %dma_wait3A_86 = tpu.memref_slice %arg2[%dma_wait3A_84, %multiple_of3A_73, %dma_wait3A_85] : memref<4x4096x1024xf32, #tpu.memory_space<hbm>> -> memref<1x8x1024xf32, #tpu.memory_space<hbm>>
    %dma_wait3A_87 = tpu.memref_squeeze %dma_wait3A_86 : memref<1x8x1024xf32, #tpu.memory_space<hbm>> -> memref<8x1024xf32, #tpu.memory_space<hbm>>
    %dma_wait3A_88 = arith.constant 0 : i32
    %dma_wait3A_89 = tpu.memref_slice %arg2[%dma_wait3A_84, %multiple_of3A_73, %dma_wait3A_88] : memref<4x4096x1024xf32, #tpu.memory_space<hbm>> -> memref<1x8x1024xf32, #tpu.memory_space<hbm>>
    %dma_wait3A_90 = tpu.memref_squeeze %dma_wait3A_89 : memref<1x8x1024xf32, #tpu.memory_space<hbm>> -> memref<8x1024xf32, #tpu.memory_space<hbm>>
    tpu.wait_dma2 semaphore(%arg20 : memref<!tpu.dma_semaphore, #tpu.memory_space<semaphore_mem>>) src(%dma_wait3A_90 : memref<8x1024xf32, #tpu.memory_space<hbm>>) dst(%arg6 : memref<8x1024xf32, #tpu.memory_space<vmem>>)
    %dma_wait3A_91 = arith.constant 2 : i32
    %dma_wait3A_92 = arith.constant 0 : i32
    %dma_wait3A_93 = tpu.memref_slice %arg2[%dma_wait3A_91, %multiple_of3A_73, %dma_wait3A_92] : memref<4x4096x1024xf32, #tpu.memory_space<hbm>> -> memref<1x8x1024xf32, #tpu.memory_space<hbm>>
    %dma_wait3A_94 = tpu.memref_squeeze %dma_wait3A_93 : memref<1x8x1024xf32, #tpu.memory_space<hbm>> -> memref<8x1024xf32, #tpu.memory_space<hbm>>
    %dma_wait3A_95 = arith.constant 0 : i32
    %dma_wait3A_96 = tpu.memref_slice %arg2[%dma_wait3A_91, %multiple_of3A_73, %dma_wait3A_95] : memref<4x4096x1024xf32, #tpu.memory_space<hbm>> -> memref<1x8x1024xf32, #tpu.memory_space<hbm>>
    %dma_wait3A_97 = tpu.memref_squeeze %dma_wait3A_96 : memref<1x8x1024xf32, #tpu.memory_space<hbm>> -> memref<8x1024xf32, #tpu.memory_space<hbm>>
    tpu.wait_dma2 semaphore(%arg20 : memref<!tpu.dma_semaphore, #tpu.memory_space<semaphore_mem>>) src(%dma_wait3A_97 : memref<8x1024xf32, #tpu.memory_space<hbm>>) dst(%arg7 : memref<8x1024xf32, #tpu.memory_space<vmem>>)
    %dma_wait3A_98 = arith.constant 3 : i32
    %dma_wait3A_99 = arith.constant 0 : i32
    %dma_wait3A_100 = tpu.memref_slice %arg2[%dma_wait3A_98, %multiple_of3A_73, %dma_wait3A_99] : memref<4x4096x1024xf32, #tpu.memory_space<hbm>> -> memref<1x8x1024xf32, #tpu.memory_space<hbm>>
    %dma_wait3A_101 = tpu.memref_squeeze %dma_wait3A_100 : memref<1x8x1024xf32, #tpu.memory_space<hbm>> -> memref<8x1024xf32, #tpu.memory_space<hbm>>
    %dma_wait3A_102 = arith.constant 0 : i32
    %dma_wait3A_103 = tpu.memref_slice %arg2[%dma_wait3A_98, %multiple_of3A_73, %dma_wait3A_102] : memref<4x4096x1024xf32, #tpu.memory_space<hbm>> -> memref<1x8x1024xf32, #tpu.memory_space<hbm>>
    %dma_wait3A_104 = tpu.memref_squeeze %dma_wait3A_103 : memref<1x8x1024xf32, #tpu.memory_space<hbm>> -> memref<8x1024xf32, #tpu.memory_space<hbm>>
    tpu.wait_dma2 semaphore(%arg20 : memref<!tpu.dma_semaphore, #tpu.memory_space<semaphore_mem>>) src(%dma_wait3A_104 : memref<8x1024xf32, #tpu.memory_space<hbm>>) dst(%arg8 : memref<8x1024xf32, #tpu.memory_space<vmem>>)
    %parallel_loop3A = arith.constant 0 : i32
    %parallel_loop3A_105 = arith.constant 512 : i32
    %parallel_loop3A_106 = arith.constant 1 : i32
    scf.for %parallel_loop3A_544 = %parallel_loop3A to %parallel_loop3A_105 step %parallel_loop3A_106  : i32 {
      %parallel_loop3A_545 = arith.constant 64 : i32
      %parallel_loop3A_546 = arith.divsi %parallel_loop3A_544, %parallel_loop3A_545 : i32
      %parallel_loop3A_547 = arith.constant 0 : i32
      %parallel_loop3A_548 = arith.cmpi sgt, %parallel_loop3A_544, %parallel_loop3A_547 : i32
      %parallel_loop3A_549 = arith.extui %parallel_loop3A_548 : i1 to i32
      %parallel_loop3A_550 = arith.constant 0 : i32
      %parallel_loop3A_551 = arith.cmpi slt, %parallel_loop3A_544, %parallel_loop3A_550 : i32
      %parallel_loop3A_552 = arith.extui %parallel_loop3A_551 : i1 to i32
      %parallel_loop3A_553 = arith.subi %parallel_loop3A_549, %parallel_loop3A_552 : i32
      %parallel_loop3A_554 = arith.constant 0 : i32
      %parallel_loop3A_555 = arith.cmpi sgt, %parallel_loop3A_545, %parallel_loop3A_554 : i32
      %parallel_loop3A_556 = arith.extui %parallel_loop3A_555 : i1 to i32
      %parallel_loop3A_557 = arith.constant 0 : i32
      %parallel_loop3A_558 = arith.cmpi slt, %parallel_loop3A_545, %parallel_loop3A_557 : i32
      %parallel_loop3A_559 = arith.extui %parallel_loop3A_558 : i1 to i32
      %parallel_loop3A_560 = arith.subi %parallel_loop3A_556, %parallel_loop3A_559 : i32
      %parallel_loop3A_561 = arith.cmpi ne, %parallel_loop3A_553, %parallel_loop3A_560 : i32
      %parallel_loop3A_562 = arith.remsi %parallel_loop3A_544, %parallel_loop3A_545 : i32
      %parallel_loop3A_563 = arith.constant 0 : i32
      %parallel_loop3A_564 = arith.cmpi ne, %parallel_loop3A_562, %parallel_loop3A_563 : i32
      %parallel_loop3A_565 = arith.andi %parallel_loop3A_561, %parallel_loop3A_564 : i1
      %parallel_loop3A_566 = arith.constant 1 : i32
      %parallel_loop3A_567 = arith.subi %parallel_loop3A_546, %parallel_loop3A_566 : i32
      %parallel_loop3A_568 = arith.select %parallel_loop3A_565, %parallel_loop3A_567, %parallel_loop3A_546 : i32
      %parallel_loop3A_569 = arith.constant 64 : i32
      %parallel_loop3A_570 = arith.constant 0 : i32
      %parallel_loop3A_571 = arith.cmpi eq, %parallel_loop3A_569, %parallel_loop3A_570 : i32
      %parallel_loop3A_572 = arith.constant 1 : i32
      %parallel_loop3A_573 = arith.select %parallel_loop3A_571, %parallel_loop3A_572, %parallel_loop3A_569 : i32
      %parallel_loop3A_574 = arith.remsi %parallel_loop3A_544, %parallel_loop3A_573 : i32
      %parallel_loop3A_575 = arith.constant 0 : i32
      %parallel_loop3A_576 = arith.cmpi ne, %parallel_loop3A_574, %parallel_loop3A_575 : i32
      %parallel_loop3A_577 = arith.constant 0 : i32
      %parallel_loop3A_578 = arith.cmpi slt, %parallel_loop3A_574, %parallel_loop3A_577 : i32
      %parallel_loop3A_579 = arith.constant 0 : i32
      %parallel_loop3A_580 = arith.cmpi slt, %parallel_loop3A_573, %parallel_loop3A_579 : i32
      %parallel_loop3A_581 = arith.xori %parallel_loop3A_578, %parallel_loop3A_580 : i1
      %parallel_loop3A_582 = arith.andi %parallel_loop3A_581, %parallel_loop3A_576 : i1
      %parallel_loop3A_583 = arith.addi %parallel_loop3A_574, %parallel_loop3A_573 : i32
      %parallel_loop3A_584 = arith.select %parallel_loop3A_582, %parallel_loop3A_583, %parallel_loop3A_574 : i32
      %parallel_loop3A_585 = arith.constant 16 : i32
      %parallel_loop3A_586 = arith.muli %parallel_loop3A_584, %parallel_loop3A_585 : i32
      %parallel_loop3A_587 = arith.index_cast %parallel_loop3A_568 : i32 to index
      %parallel_loop3A_588 = arith.index_cast %parallel_loop3A_586 : i32 to index
      %parallel_loop3A_589 = tpu.vector_load %arg17[%parallel_loop3A_587, %parallel_loop3A_588] {strides = array<i32>} : memref<8x1024xf32, #tpu.memory_space<vmem>>, vector<1x16xf32>,
      %parallel_loop3A_590 = vector.shape_cast %parallel_loop3A_589 : vector<1x16xf32> to vector<16xf32>
      %parallel_loop3A_591 = arith.index_cast %parallel_loop3A_568 : i32 to index
      %parallel_loop3A_592 = arith.index_cast %parallel_loop3A_586 : i32 to index
      %parallel_loop3A_593 = tpu.vector_load %arg5[%parallel_loop3A_591, %parallel_loop3A_592] {strides = array<i32>} : memref<8x1024xf32, #tpu.memory_space<vmem>>, vector<1x16xf32>,
      %parallel_loop3A_594 = vector.shape_cast %parallel_loop3A_593 : vector<1x16xf32> to vector<16xf32>
      %parallel_loop3A_595 = vector.shape_cast %parallel_loop3A_590 : vector<16xf32> to vector<1x16xf32>
      tpu.vector_store %arg5[%parallel_loop3A_591, %parallel_loop3A_592], %parallel_loop3A_595 {add = true, strides = array<i32>} : memref<8x1024xf32, #tpu.memory_space<vmem>>, vector<1x16xf32>,
      %parallel_loop3A_596 = arith.index_cast %parallel_loop3A_568 : i32 to index
      %parallel_loop3A_597 = arith.index_cast %parallel_loop3A_586 : i32 to index
      %parallel_loop3A_598 = tpu.vector_load %arg6[%parallel_loop3A_596, %parallel_loop3A_597] {strides = array<i32>} : memref<8x1024xf32, #tpu.memory_space<vmem>>, vector<1x16xf32>,
      %parallel_loop3A_599 = vector.shape_cast %parallel_loop3A_598 : vector<1x16xf32> to vector<16xf32>
      %parallel_loop3A_600 = vector.shape_cast %parallel_loop3A_590 : vector<16xf32> to vector<1x16xf32>
      tpu.vector_store %arg6[%parallel_loop3A_596, %parallel_loop3A_597], %parallel_loop3A_600 {add = true, strides = array<i32>} : memref<8x1024xf32, #tpu.memory_space<vmem>>, vector<1x16xf32>,
      %parallel_loop3A_601 = arith.index_cast %parallel_loop3A_568 : i32 to index
      %parallel_loop3A_602 = arith.index_cast %parallel_loop3A_586 : i32 to index
      %parallel_loop3A_603 = tpu.vector_load %arg7[%parallel_loop3A_601, %parallel_loop3A_602] {strides = array<i32>} : memref<8x1024xf32, #tpu.memory_space<vmem>>, vector<1x16xf32>,
      %parallel_loop3A_604 = vector.shape_cast %parallel_loop3A_603 : vector<1x16xf32> to vector<16xf32>
      %parallel_loop3A_605 = vector.shape_cast %parallel_loop3A_590 : vector<16xf32> to vector<1x16xf32>
      tpu.vector_store %arg7[%parallel_loop3A_601, %parallel_loop3A_602], %parallel_loop3A_605 {add = true, strides = array<i32>} : memref<8x1024xf32, #tpu.memory_space<vmem>>, vector<1x16xf32>,
      %parallel_loop3A_606 = arith.index_cast %parallel_loop3A_568 : i32 to index
      %parallel_loop3A_607 = arith.index_cast %parallel_loop3A_586 : i32 to index
      %parallel_loop3A_608 = tpu.vector_load %arg8[%parallel_loop3A_606, %parallel_loop3A_607] {strides = array<i32>} : memref<8x1024xf32, #tpu.memory_space<vmem>>, vector<1x16xf32>,
      %parallel_loop3A_609 = vector.shape_cast %parallel_loop3A_608 : vector<1x16xf32> to vector<16xf32>
      %parallel_loop3A_610 = vector.shape_cast %parallel_loop3A_590 : vector<16xf32> to vector<1x16xf32>
      tpu.vector_store %arg8[%parallel_loop3A_606, %parallel_loop3A_607], %parallel_loop3A_610 {add = true, strides = array<i32>} : memref<8x1024xf32, #tpu.memory_space<vmem>>, vector<1x16xf32>,
    } {sc.loop_unroll_factor = 2 : i64, sc.parallel_access}
    %add3A_107 = arith.constant 0 : i32
    %add3A_108 = arith.addi %mul3A_2, %add3A_107 : i32
    %multiple_of3A_109 = tpu.assume_multiple %add3A_108, 8 : i32
    %dma_start3A_110 = arith.constant 0 : i32
    %dma_start3A_111 = arith.constant 0 : i32
    %dma_start3A_112 = tpu.memref_slice %arg4[%dma_start3A_110, %multiple_of3A_109, %dma_start3A_111] : memref<4x4096x1024xf32, #tpu.memory_space<hbm>> -> memref<1x8x1024xf32, #tpu.memory_space<hbm>>
    %dma_start3A_113 = tpu.memref_squeeze %dma_start3A_112 : memref<1x8x1024xf32, #tpu.memory_space<hbm>> -> memref<8x1024xf32, #tpu.memory_space<hbm>>
    %dma_start3A_114 = arith.constant 0 : i32
    %dma_start3A_115 = tpu.memref_slice %arg4[%dma_start3A_110, %multiple_of3A_109, %dma_start3A_114] : memref<4x4096x1024xf32, #tpu.memory_space<hbm>> -> memref<1x8x1024xf32, #tpu.memory_space<hbm>>
    %dma_start3A_116 = tpu.memref_squeeze %dma_start3A_115 : memref<1x8x1024xf32, #tpu.memory_space<hbm>> -> memref<8x1024xf32, #tpu.memory_space<hbm>>
    tpu.enqueue_dma source(%arg5 : memref<8x1024xf32, #tpu.memory_space<vmem>>) target(%dma_start3A_116 : memref<8x1024xf32, #tpu.memory_space<hbm>>) target_semaphore(%arg26 : memref<!tpu.dma_semaphore, #tpu.memory_space<semaphore_mem>>)
    %dma_start3A_117 = arith.constant 1 : i32
    %dma_start3A_118 = arith.constant 0 : i32
    %dma_start3A_119 = tpu.memref_slice %arg4[%dma_start3A_117, %multiple_of3A_109, %dma_start3A_118] : memref<4x4096x1024xf32, #tpu.memory_space<hbm>> -> memref<1x8x1024xf32, #tpu.memory_space<hbm>>
    %dma_start3A_120 = tpu.memref_squeeze %dma_start3A_119 : memref<1x8x1024xf32, #tpu.memory_space<hbm>> -> memref<8x1024xf32, #tpu.memory_space<hbm>>
    %dma_start3A_121 = arith.constant 0 : i32
    %dma_start3A_122 = tpu.memref_slice %arg4[%dma_start3A_117, %multiple_of3A_109, %dma_start3A_121] : memref<4x4096x1024xf32, #tpu.memory_space<hbm>> -> memref<1x8x1024xf32, #tpu.memory_space<hbm>>
    %dma_start3A_123 = tpu.memref_squeeze %dma_start3A_122 : memref<1x8x1024xf32, #tpu.memory_space<hbm>> -> memref<8x1024xf32, #tpu.memory_space<hbm>>
    tpu.enqueue_dma source(%arg6 : memref<8x1024xf32, #tpu.memory_space<vmem>>) target(%dma_start3A_123 : memref<8x1024xf32, #tpu.memory_space<hbm>>) target_semaphore(%arg26 : memref<!tpu.dma_semaphore, #tpu.memory_space<semaphore_mem>>)
    %dma_start3A_124 = arith.constant 2 : i32
    %dma_start3A_125 = arith.constant 0 : i32
    %dma_start3A_126 = tpu.memref_slice %arg4[%dma_start3A_124, %multiple_of3A_109, %dma_start3A_125] : memref<4x4096x1024xf32, #tpu.memory_space<hbm>> -> memref<1x8x1024xf32, #tpu.memory_space<hbm>>
    %dma_start3A_127 = tpu.memref_squeeze %dma_start3A_126 : memref<1x8x1024xf32, #tpu.memory_space<hbm>> -> memref<8x1024xf32, #tpu.memory_space<hbm>>
    %dma_start3A_128 = arith.constant 0 : i32
    %dma_start3A_129 = tpu.memref_slice %arg4[%dma_start3A_124, %multiple_of3A_109, %dma_start3A_128] : memref<4x4096x1024xf32, #tpu.memory_space<hbm>> -> memref<1x8x1024xf32, #tpu.memory_space<hbm>>
    %dma_start3A_130 = tpu.memref_squeeze %dma_start3A_129 : memref<1x8x1024xf32, #tpu.memory_space<hbm>> -> memref<8x1024xf32, #tpu.memory_space<hbm>>
    tpu.enqueue_dma source(%arg7 : memref<8x1024xf32, #tpu.memory_space<vmem>>) target(%dma_start3A_130 : memref<8x1024xf32, #tpu.memory_space<hbm>>) target_semaphore(%arg26 : memref<!tpu.dma_semaphore, #tpu.memory_space<semaphore_mem>>)
    %dma_start3A_131 = arith.constant 3 : i32
    %dma_start3A_132 = arith.constant 0 : i32
    %dma_start3A_133 = tpu.memref_slice %arg4[%dma_start3A_131, %multiple_of3A_109, %dma_start3A_132] : memref<4x4096x1024xf32, #tpu.memory_space<hbm>> -> memref<1x8x1024xf32, #tpu.memory_space<hbm>>
    %dma_start3A_134 = tpu.memref_squeeze %dma_start3A_133 : memref<1x8x1024xf32, #tpu.memory_space<hbm>> -> memref<8x1024xf32, #tpu.memory_space<hbm>>
    %dma_start3A_135 = arith.constant 0 : i32
    %dma_start3A_136 = tpu.memref_slice %arg4[%dma_start3A_131, %multiple_of3A_109, %dma_start3A_135] : memref<4x4096x1024xf32, #tpu.memory_space<hbm>> -> memref<1x8x1024xf32, #tpu.memory_space<hbm>>
    %dma_start3A_137 = tpu.memref_squeeze %dma_start3A_136 : memref<1x8x1024xf32, #tpu.memory_space<hbm>> -> memref<8x1024xf32, #tpu.memory_space<hbm>>
    tpu.enqueue_dma source(%arg8 : memref<8x1024xf32, #tpu.memory_space<vmem>>) target(%dma_start3A_137 : memref<8x1024xf32, #tpu.memory_space<hbm>>) target_semaphore(%arg26 : memref<!tpu.dma_semaphore, #tpu.memory_space<semaphore_mem>>)
    %add3A_138 = arith.constant 16 : i32
    %add3A_139 = arith.addi %mul3A_2, %add3A_138 : i32
    %multiple_of3A_140 = tpu.assume_multiple %add3A_139, 8 : i32
    %dma_start3A_141 = arith.constant 0 : i32
    %dma_start3A_142 = tpu.memref_slice %arg3[%multiple_of3A_140, %dma_start3A_141] : memref<8192x1024xf32, #tpu.memory_space<hbm>> -> memref<8x1024xf32, #tpu.memory_space<hbm>>
    %dma_start3A_143 = arith.constant 0 : i32
    %dma_start3A_144 = tpu.memref_slice %arg3[%multiple_of3A_140, %dma_start3A_143] : memref<8192x1024xf32, #tpu.memory_space<hbm>> -> memref<8x1024xf32, #tpu.memory_space<hbm>>
    tpu.enqueue_dma source(%dma_start3A_144 : memref<8x1024xf32, #tpu.memory_space<hbm>>) target(%arg19 : memref<8x1024xf32, #tpu.memory_space<vmem>>) target_semaphore(%arg25 : memref<!tpu.dma_semaphore, #tpu.memory_space<semaphore_mem>>)
    %dma_start3A_145 = arith.constant 0 : i32
    %dma_start3A_146 = arith.constant 0 : i32
    %dma_start3A_147 = tpu.memref_slice %arg2[%dma_start3A_145, %multiple_of3A_140, %dma_start3A_146] : memref<4x4096x1024xf32, #tpu.memory_space<hbm>> -> memref<1x8x1024xf32, #tpu.memory_space<hbm>>
    %dma_start3A_148 = tpu.memref_squeeze %dma_start3A_147 : memref<1x8x1024xf32, #tpu.memory_space<hbm>> -> memref<8x1024xf32, #tpu.memory_space<hbm>>
    %dma_start3A_149 = arith.constant 0 : i32
    %dma_start3A_150 = tpu.memref_slice %arg2[%dma_start3A_145, %multiple_of3A_140, %dma_start3A_149] : memref<4x4096x1024xf32, #tpu.memory_space<hbm>> -> memref<1x8x1024xf32, #tpu.memory_space<hbm>>
    %dma_start3A_151 = tpu.memref_squeeze %dma_start3A_150 : memref<1x8x1024xf32, #tpu.memory_space<hbm>> -> memref<8x1024xf32, #tpu.memory_space<hbm>>
    tpu.enqueue_dma source(%dma_start3A_151 : memref<8x1024xf32, #tpu.memory_space<hbm>>) target(%arg13 : memref<8x1024xf32, #tpu.memory_space<vmem>>) target_semaphore(%arg22 : memref<!tpu.dma_semaphore, #tpu.memory_space<semaphore_mem>>)
    %dma_start3A_152 = arith.constant 1 : i32
    %dma_start3A_153 = arith.constant 0 : i32
    %dma_start3A_154 = tpu.memref_slice %arg2[%dma_start3A_152, %multiple_of3A_140, %dma_start3A_153] : memref<4x4096x1024xf32, #tpu.memory_space<hbm>> -> memref<1x8x1024xf32, #tpu.memory_space<hbm>>
    %dma_start3A_155 = tpu.memref_squeeze %dma_start3A_154 : memref<1x8x1024xf32, #tpu.memory_space<hbm>> -> memref<8x1024xf32, #tpu.memory_space<hbm>>
    %dma_start3A_156 = arith.constant 0 : i32
    %dma_start3A_157 = tpu.memref_slice %arg2[%dma_start3A_152, %multiple_of3A_140, %dma_start3A_156] : memref<4x4096x1024xf32, #tpu.memory_space<hbm>> -> memref<1x8x1024xf32, #tpu.memory_space<hbm>>
    %dma_start3A_158 = tpu.memref_squeeze %dma_start3A_157 : memref<1x8x1024xf32, #tpu.memory_space<hbm>> -> memref<8x1024xf32, #tpu.memory_space<hbm>>
    tpu.enqueue_dma source(%dma_start3A_158 : memref<8x1024xf32, #tpu.memory_space<hbm>>) target(%arg14 : memref<8x1024xf32, #tpu.memory_space<vmem>>) target_semaphore(%arg22 : memref<!tpu.dma_semaphore, #tpu.memory_space<semaphore_mem>>)
    %dma_start3A_159 = arith.constant 2 : i32
    %dma_start3A_160 = arith.constant 0 : i32
    %dma_start3A_161 = tpu.memref_slice %arg2[%dma_start3A_159, %multiple_of3A_140, %dma_start3A_160] : memref<4x4096x1024xf32, #tpu.memory_space<hbm>> -> memref<1x8x1024xf32, #tpu.memory_space<hbm>>
    %dma_start3A_162 = tpu.memref_squeeze %dma_start3A_161 : memref<1x8x1024xf32, #tpu.memory_space<hbm>> -> memref<8x1024xf32, #tpu.memory_space<hbm>>
    %dma_start3A_163 = arith.constant 0 : i32
    %dma_start3A_164 = tpu.memref_slice %arg2[%dma_start3A_159, %multiple_of3A_140, %dma_start3A_163] : memref<4x4096x1024xf32, #tpu.memory_space<hbm>> -> memref<1x8x1024xf32, #tpu.memory_space<hbm>>
    %dma_start3A_165 = tpu.memref_squeeze %dma_start3A_164 : memref<1x8x1024xf32, #tpu.memory_space<hbm>> -> memref<8x1024xf32, #tpu.memory_space<hbm>>
    tpu.enqueue_dma source(%dma_start3A_165 : memref<8x1024xf32, #tpu.memory_space<hbm>>) target(%arg15 : memref<8x1024xf32, #tpu.memory_space<vmem>>) target_semaphore(%arg22 : memref<!tpu.dma_semaphore, #tpu.memory_space<semaphore_mem>>)
    %dma_start3A_166 = arith.constant 3 : i32
    %dma_start3A_167 = arith.constant 0 : i32
    %dma_start3A_168 = tpu.memref_slice %arg2[%dma_start3A_166, %multiple_of3A_140, %dma_start3A_167] : memref<4x4096x1024xf32, #tpu.memory_space<hbm>> -> memref<1x8x1024xf32, #tpu.memory_space<hbm>>
    %dma_start3A_169 = tpu.memref_squeeze %dma_start3A_168 : memref<1x8x1024xf32, #tpu.memory_space<hbm>> -> memref<8x1024xf32, #tpu.memory_space<hbm>>
    %dma_start3A_170 = arith.constant 0 : i32
    %dma_start3A_171 = tpu.memref_slice %arg2[%dma_start3A_166, %multiple_of3A_140, %dma_start3A_170] : memref<4x4096x1024xf32, #tpu.memory_space<hbm>> -> memref<1x8x1024xf32, #tpu.memory_space<hbm>>
    %dma_start3A_172 = tpu.memref_squeeze %dma_start3A_171 : memref<1x8x1024xf32, #tpu.memory_space<hbm>> -> memref<8x1024xf32, #tpu.memory_space<hbm>>
    tpu.enqueue_dma source(%dma_start3A_172 : memref<8x1024xf32, #tpu.memory_space<hbm>>) target(%arg16 : memref<8x1024xf32, #tpu.memory_space<vmem>>) target_semaphore(%arg22 : memref<!tpu.dma_semaphore, #tpu.memory_space<semaphore_mem>>)
    %add3A_173 = arith.constant 8 : i32
    %add3A_174 = arith.addi %mul3A_2, %add3A_173 : i32
    %multiple_of3A_175 = tpu.assume_multiple %add3A_174, 8 : i32
    %dma_wait3A_176 = arith.constant 0 : i32
    %dma_wait3A_177 = tpu.memref_slice %arg3[%multiple_of3A_175, %dma_wait3A_176] : memref<8192x1024xf32, #tpu.memory_space<hbm>> -> memref<8x1024xf32, #tpu.memory_space<hbm>>
    %dma_wait3A_178 = arith.constant 0 : i32
    %dma_wait3A_179 = tpu.memref_slice %arg3[%multiple_of3A_175, %dma_wait3A_178] : memref<8192x1024xf32, #tpu.memory_space<hbm>> -> memref<8x1024xf32, #tpu.memory_space<hbm>>
    tpu.wait_dma2 semaphore(%arg24 : memref<!tpu.dma_semaphore, #tpu.memory_space<semaphore_mem>>) src(%dma_wait3A_179 : memref<8x1024xf32, #tpu.memory_space<hbm>>) dst(%arg18 : memref<8x1024xf32, #tpu.memory_space<vmem>>)
    %dma_wait3A_180 = arith.constant 0 : i32
    %dma_wait3A_181 = arith.constant 0 : i32
    %dma_wait3A_182 = tpu.memref_slice %arg2[%dma_wait3A_180, %multiple_of3A_175, %dma_wait3A_181] : memref<4x4096x1024xf32, #tpu.memory_space<hbm>> -> memref<1x8x1024xf32, #tpu.memory_space<hbm>>
    %dma_wait3A_183 = tpu.memref_squeeze %dma_wait3A_182 : memref<1x8x1024xf32, #tpu.memory_space<hbm>> -> memref<8x1024xf32, #tpu.memory_space<hbm>>
    %dma_wait3A_184 = arith.constant 0 : i32
    %dma_wait3A_185 = tpu.memref_slice %arg2[%dma_wait3A_180, %multiple_of3A_175, %dma_wait3A_184] : memref<4x4096x1024xf32, #tpu.memory_space<hbm>> -> memref<1x8x1024xf32, #tpu.memory_space<hbm>>
    %dma_wait3A_186 = tpu.memref_squeeze %dma_wait3A_185 : memref<1x8x1024xf32, #tpu.memory_space<hbm>> -> memref<8x1024xf32, #tpu.memory_space<hbm>>
    tpu.wait_dma2 semaphore(%arg21 : memref<!tpu.dma_semaphore, #tpu.memory_space<semaphore_mem>>) src(%dma_wait3A_186 : memref<8x1024xf32, #tpu.memory_space<hbm>>) dst(%arg9 : memref<8x1024xf32, #tpu.memory_space<vmem>>)
    %dma_wait3A_187 = arith.constant 1 : i32
    %dma_wait3A_188 = arith.constant 0 : i32
    %dma_wait3A_189 = tpu.memref_slice %arg2[%dma_wait3A_187, %multiple_of3A_175, %dma_wait3A_188] : memref<4x4096x1024xf32, #tpu.memory_space<hbm>> -> memref<1x8x1024xf32, #tpu.memory_space<hbm>>
    %dma_wait3A_190 = tpu.memref_squeeze %dma_wait3A_189 : memref<1x8x1024xf32, #tpu.memory_space<hbm>> -> memref<8x1024xf32, #tpu.memory_space<hbm>>
    %dma_wait3A_191 = arith.constant 0 : i32
    %dma_wait3A_192 = tpu.memref_slice %arg2[%dma_wait3A_187, %multiple_of3A_175, %dma_wait3A_191] : memref<4x4096x1024xf32, #tpu.memory_space<hbm>> -> memref<1x8x1024xf32, #tpu.memory_space<hbm>>
    %dma_wait3A_193 = tpu.memref_squeeze %dma_wait3A_192 : memref<1x8x1024xf32, #tpu.memory_space<hbm>> -> memref<8x1024xf32, #tpu.memory_space<hbm>>
    tpu.wait_dma2 semaphore(%arg21 : memref<!tpu.dma_semaphore, #tpu.memory_space<semaphore_mem>>) src(%dma_wait3A_193 : memref<8x1024xf32, #tpu.memory_space<hbm>>) dst(%arg10 : memref<8x1024xf32, #tpu.memory_space<vmem>>)
    %dma_wait3A_194 = arith.constant 2 : i32
    %dma_wait3A_195 = arith.constant 0 : i32
    %dma_wait3A_196 = tpu.memref_slice %arg2[%dma_wait3A_194, %multiple_of3A_175, %dma_wait3A_195] : memref<4x4096x1024xf32, #tpu.memory_space<hbm>> -> memref<1x8x1024xf32, #tpu.memory_space<hbm>>
    %dma_wait3A_197 = tpu.memref_squeeze %dma_wait3A_196 : memref<1x8x1024xf32, #tpu.memory_space<hbm>> -> memref<8x1024xf32, #tpu.memory_space<hbm>>
    %dma_wait3A_198 = arith.constant 0 : i32
    %dma_wait3A_199 = tpu.memref_slice %arg2[%dma_wait3A_194, %multiple_of3A_175, %dma_wait3A_198] : memref<4x4096x1024xf32, #tpu.memory_space<hbm>> -> memref<1x8x1024xf32, #tpu.memory_space<hbm>>
    %dma_wait3A_200 = tpu.memref_squeeze %dma_wait3A_199 : memref<1x8x1024xf32, #tpu.memory_space<hbm>> -> memref<8x1024xf32, #tpu.memory_space<hbm>>
    tpu.wait_dma2 semaphore(%arg21 : memref<!tpu.dma_semaphore, #tpu.memory_space<semaphore_mem>>) src(%dma_wait3A_200 : memref<8x1024xf32, #tpu.memory_space<hbm>>) dst(%arg11 : memref<8x1024xf32, #tpu.memory_space<vmem>>)
    %dma_wait3A_201 = arith.constant 3 : i32
    %dma_wait3A_202 = arith.constant 0 : i32
    %dma_wait3A_203 = tpu.memref_slice %arg2[%dma_wait3A_201, %multiple_of3A_175, %dma_wait3A_202] : memref<4x4096x1024xf32, #tpu.memory_space<hbm>> -> memref<1x8x1024xf32, #tpu.memory_space<hbm>>
    %dma_wait3A_204 = tpu.memref_squeeze %dma_wait3A_203 : memref<1x8x1024xf32, #tpu.memory_space<hbm>> -> memref<8x1024xf32, #tpu.memory_space<hbm>>
    %dma_wait3A_205 = arith.constant 0 : i32
    %dma_wait3A_206 = tpu.memref_slice %arg2[%dma_wait3A_201, %multiple_of3A_175, %dma_wait3A_205] : memref<4x4096x1024xf32, #tpu.memory_space<hbm>> -> memref<1x8x1024xf32, #tpu.memory_space<hbm>>
    %dma_wait3A_207 = tpu.memref_squeeze %dma_wait3A_206 : memref<1x8x1024xf32, #tpu.memory_space<hbm>> -> memref<8x1024xf32, #tpu.memory_space<hbm>>
    tpu.wait_dma2 semaphore(%arg21 : memref<!tpu.dma_semaphore, #tpu.memory_space<semaphore_mem>>) src(%dma_wait3A_207 : memref<8x1024xf32, #tpu.memory_space<hbm>>) dst(%arg12 : memref<8x1024xf32, #tpu.memory_space<vmem>>)
    %parallel_loop3A_208 = arith.constant 0 : i32
    %parallel_loop3A_209 = arith.constant 512 : i32
    %parallel_loop3A_210 = arith.constant 1 : i32
    scf.for %parallel_loop3A_544 = %parallel_loop3A_208 to %parallel_loop3A_209 step %parallel_loop3A_210  : i32 {
      %parallel_loop3A_545 = arith.constant 64 : i32
      %parallel_loop3A_546 = arith.divsi %parallel_loop3A_544, %parallel_loop3A_545 : i32
      %parallel_loop3A_547 = arith.constant 0 : i32
      %parallel_loop3A_548 = arith.cmpi sgt, %parallel_loop3A_544, %parallel_loop3A_547 : i32
      %parallel_loop3A_549 = arith.extui %parallel_loop3A_548 : i1 to i32
      %parallel_loop3A_550 = arith.constant 0 : i32
      %parallel_loop3A_551 = arith.cmpi slt, %parallel_loop3A_544, %parallel_loop3A_550 : i32
      %parallel_loop3A_552 = arith.extui %parallel_loop3A_551 : i1 to i32
      %parallel_loop3A_553 = arith.subi %parallel_loop3A_549, %parallel_loop3A_552 : i32
      %parallel_loop3A_554 = arith.constant 0 : i32
      %parallel_loop3A_555 = arith.cmpi sgt, %parallel_loop3A_545, %parallel_loop3A_554 : i32
      %parallel_loop3A_556 = arith.extui %parallel_loop3A_555 : i1 to i32
      %parallel_loop3A_557 = arith.constant 0 : i32
      %parallel_loop3A_558 = arith.cmpi slt, %parallel_loop3A_545, %parallel_loop3A_557 : i32
      %parallel_loop3A_559 = arith.extui %parallel_loop3A_558 : i1 to i32
      %parallel_loop3A_560 = arith.subi %parallel_loop3A_556, %parallel_loop3A_559 : i32
      %parallel_loop3A_561 = arith.cmpi ne, %parallel_loop3A_553, %parallel_loop3A_560 : i32
      %parallel_loop3A_562 = arith.remsi %parallel_loop3A_544, %parallel_loop3A_545 : i32
      %parallel_loop3A_563 = arith.constant 0 : i32
      %parallel_loop3A_564 = arith.cmpi ne, %parallel_loop3A_562, %parallel_loop3A_563 : i32
      %parallel_loop3A_565 = arith.andi %parallel_loop3A_561, %parallel_loop3A_564 : i1
      %parallel_loop3A_566 = arith.constant 1 : i32
      %parallel_loop3A_567 = arith.subi %parallel_loop3A_546, %parallel_loop3A_566 : i32
      %parallel_loop3A_568 = arith.select %parallel_loop3A_565, %parallel_loop3A_567, %parallel_loop3A_546 : i32
      %parallel_loop3A_569 = arith.constant 64 : i32
      %parallel_loop3A_570 = arith.constant 0 : i32
      %parallel_loop3A_571 = arith.cmpi eq, %parallel_loop3A_569, %parallel_loop3A_570 : i32
      %parallel_loop3A_572 = arith.constant 1 : i32
      %parallel_loop3A_573 = arith.select %parallel_loop3A_571, %parallel_loop3A_572, %parallel_loop3A_569 : i32
      %parallel_loop3A_574 = arith.remsi %parallel_loop3A_544, %parallel_loop3A_573 : i32
      %parallel_loop3A_575 = arith.constant 0 : i32
      %parallel_loop3A_576 = arith.cmpi ne, %parallel_loop3A_574, %parallel_loop3A_575 : i32
      %parallel_loop3A_577 = arith.constant 0 : i32
      %parallel_loop3A_578 = arith.cmpi slt, %parallel_loop3A_574, %parallel_loop3A_577 : i32
      %parallel_loop3A_579 = arith.constant 0 : i32
      %parallel_loop3A_580 = arith.cmpi slt, %parallel_loop3A_573, %parallel_loop3A_579 : i32
      %parallel_loop3A_581 = arith.xori %parallel_loop3A_578, %parallel_loop3A_580 : i1
      %parallel_loop3A_582 = arith.andi %parallel_loop3A_581, %parallel_loop3A_576 : i1
      %parallel_loop3A_583 = arith.addi %parallel_loop3A_574, %parallel_loop3A_573 : i32
      %parallel_loop3A_584 = arith.select %parallel_loop3A_582, %parallel_loop3A_583, %parallel_loop3A_574 : i32
      %parallel_loop3A_585 = arith.constant 16 : i32
      %parallel_loop3A_586 = arith.muli %parallel_loop3A_584, %parallel_loop3A_585 : i32
      %parallel_loop3A_587 = arith.index_cast %parallel_loop3A_568 : i32 to index
      %parallel_loop3A_588 = arith.index_cast %parallel_loop3A_586 : i32 to index
      %parallel_loop3A_589 = tpu.vector_load %arg18[%parallel_loop3A_587, %parallel_loop3A_588] {strides = array<i32>} : memref<8x1024xf32, #tpu.memory_space<vmem>>, vector<1x16xf32>,
      %parallel_loop3A_590 = vector.shape_cast %parallel_loop3A_589 : vector<1x16xf32> to vector<16xf32>
      %parallel_loop3A_591 = arith.index_cast %parallel_loop3A_568 : i32 to index
      %parallel_loop3A_592 = arith.index_cast %parallel_loop3A_586 : i32 to index
      %parallel_loop3A_593 = tpu.vector_load %arg9[%parallel_loop3A_591, %parallel_loop3A_592] {strides = array<i32>} : memref<8x1024xf32, #tpu.memory_space<vmem>>, vector<1x16xf32>,
      %parallel_loop3A_594 = vector.shape_cast %parallel_loop3A_593 : vector<1x16xf32> to vector<16xf32>
      %parallel_loop3A_595 = vector.shape_cast %parallel_loop3A_590 : vector<16xf32> to vector<1x16xf32>
      tpu.vector_store %arg9[%parallel_loop3A_591, %parallel_loop3A_592], %parallel_loop3A_595 {add = true, strides = array<i32>} : memref<8x1024xf32, #tpu.memory_space<vmem>>, vector<1x16xf32>,
      %parallel_loop3A_596 = arith.index_cast %parallel_loop3A_568 : i32 to index
      %parallel_loop3A_597 = arith.index_cast %parallel_loop3A_586 : i32 to index
      %parallel_loop3A_598 = tpu.vector_load %arg10[%parallel_loop3A_596, %parallel_loop3A_597] {strides = array<i32>} : memref<8x1024xf32, #tpu.memory_space<vmem>>, vector<1x16xf32>,
      %parallel_loop3A_599 = vector.shape_cast %parallel_loop3A_598 : vector<1x16xf32> to vector<16xf32>
      %parallel_loop3A_600 = vector.shape_cast %parallel_loop3A_590 : vector<16xf32> to vector<1x16xf32>
      tpu.vector_store %arg10[%parallel_loop3A_596, %parallel_loop3A_597], %parallel_loop3A_600 {add = true, strides = array<i32>} : memref<8x1024xf32, #tpu.memory_space<vmem>>, vector<1x16xf32>,
      %parallel_loop3A_601 = arith.index_cast %parallel_loop3A_568 : i32 to index
      %parallel_loop3A_602 = arith.index_cast %parallel_loop3A_586 : i32 to index
      %parallel_loop3A_603 = tpu.vector_load %arg11[%parallel_loop3A_601, %parallel_loop3A_602] {strides = array<i32>} : memref<8x1024xf32, #tpu.memory_space<vmem>>, vector<1x16xf32>,
      %parallel_loop3A_604 = vector.shape_cast %parallel_loop3A_603 : vector<1x16xf32> to vector<16xf32>
      %parallel_loop3A_605 = vector.shape_cast %parallel_loop3A_590 : vector<16xf32> to vector<1x16xf32>
      tpu.vector_store %arg11[%parallel_loop3A_601, %parallel_loop3A_602], %parallel_loop3A_605 {add = true, strides = array<i32>} : memref<8x1024xf32, #tpu.memory_space<vmem>>, vector<1x16xf32>,
      %parallel_loop3A_606 = arith.index_cast %parallel_loop3A_568 : i32 to index
      %parallel_loop3A_607 = arith.index_cast %parallel_loop3A_586 : i32 to index
      %parallel_loop3A_608 = tpu.vector_load %arg12[%parallel_loop3A_606, %parallel_loop3A_607] {strides = array<i32>} : memref<8x1024xf32, #tpu.memory_space<vmem>>, vector<1x16xf32>,
      %parallel_loop3A_609 = vector.shape_cast %parallel_loop3A_608 : vector<1x16xf32> to vector<16xf32>
      %parallel_loop3A_610 = vector.shape_cast %parallel_loop3A_590 : vector<16xf32> to vector<1x16xf32>
      tpu.vector_store %arg12[%parallel_loop3A_606, %parallel_loop3A_607], %parallel_loop3A_610 {add = true, strides = array<i32>} : memref<8x1024xf32, #tpu.memory_space<vmem>>, vector<1x16xf32>,
    } {sc.loop_unroll_factor = 2 : i64, sc.parallel_access}
    %add3A_211 = arith.constant 8 : i32
    %add3A_212 = arith.addi %mul3A_2, %add3A_211 : i32
    %multiple_of3A_213 = tpu.assume_multiple %add3A_212, 8 : i32
    %dma_start3A_214 = arith.constant 0 : i32
    %dma_start3A_215 = arith.constant 0 : i32
    %dma_start3A_216 = tpu.memref_slice %arg4[%dma_start3A_214, %multiple_of3A_213, %dma_start3A_215] : memref<4x4096x1024xf32, #tpu.memory_space<hbm>> -> memref<1x8x1024xf32, #tpu.memory_space<hbm>>
    %dma_start3A_217 = tpu.memref_squeeze %dma_start3A_216 : memref<1x8x1024xf32, #tpu.memory_space<hbm>> -> memref<8x1024xf32, #tpu.memory_space<hbm>>
    %dma_start3A_218 = arith.constant 0 : i32
    %dma_start3A_219 = tpu.memref_slice %arg4[%dma_start3A_214, %multiple_of3A_213, %dma_start3A_218] : memref<4x4096x1024xf32, #tpu.memory_space<hbm>> -> memref<1x8x1024xf32, #tpu.memory_space<hbm>>
    %dma_start3A_220 = tpu.memref_squeeze %dma_start3A_219 : memref<1x8x1024xf32, #tpu.memory_space<hbm>> -> memref<8x1024xf32, #tpu.memory_space<hbm>>
    tpu.enqueue_dma source(%arg9 : memref<8x1024xf32, #tpu.memory_space<vmem>>) target(%dma_start3A_220 : memref<8x1024xf32, #tpu.memory_space<hbm>>) target_semaphore(%arg27 : memref<!tpu.dma_semaphore, #tpu.memory_space<semaphore_mem>>)
    %dma_start3A_221 = arith.constant 1 : i32
    %dma_start3A_222 = arith.constant 0 : i32
    %dma_start3A_223 = tpu.memref_slice %arg4[%dma_start3A_221, %multiple_of3A_213, %dma_start3A_222] : memref<4x4096x1024xf32, #tpu.memory_space<hbm>> -> memref<1x8x1024xf32, #tpu.memory_space<hbm>>
    %dma_start3A_224 = tpu.memref_squeeze %dma_start3A_223 : memref<1x8x1024xf32, #tpu.memory_space<hbm>> -> memref<8x1024xf32, #tpu.memory_space<hbm>>
    %dma_start3A_225 = arith.constant 0 : i32
    %dma_start3A_226 = tpu.memref_slice %arg4[%dma_start3A_221, %multiple_of3A_213, %dma_start3A_225] : memref<4x4096x1024xf32, #tpu.memory_space<hbm>> -> memref<1x8x1024xf32, #tpu.memory_space<hbm>>
    %dma_start3A_227 = tpu.memref_squeeze %dma_start3A_226 : memref<1x8x1024xf32, #tpu.memory_space<hbm>> -> memref<8x1024xf32, #tpu.memory_space<hbm>>
    tpu.enqueue_dma source(%arg10 : memref<8x1024xf32, #tpu.memory_space<vmem>>) target(%dma_start3A_227 : memref<8x1024xf32, #tpu.memory_space<hbm>>) target_semaphore(%arg27 : memref<!tpu.dma_semaphore, #tpu.memory_space<semaphore_mem>>)
    %dma_start3A_228 = arith.constant 2 : i32
    %dma_start3A_229 = arith.constant 0 : i32
    %dma_start3A_230 = tpu.memref_slice %arg4[%dma_start3A_228, %multiple_of3A_213, %dma_start3A_229] : memref<4x4096x1024xf32, #tpu.memory_space<hbm>> -> memref<1x8x1024xf32, #tpu.memory_space<hbm>>
    %dma_start3A_231 = tpu.memref_squeeze %dma_start3A_230 : memref<1x8x1024xf32, #tpu.memory_space<hbm>> -> memref<8x1024xf32, #tpu.memory_space<hbm>>
    %dma_start3A_232 = arith.constant 0 : i32
    %dma_start3A_233 = tpu.memref_slice %arg4[%dma_start3A_228, %multiple_of3A_213, %dma_start3A_232] : memref<4x4096x1024xf32, #tpu.memory_space<hbm>> -> memref<1x8x1024xf32, #tpu.memory_space<hbm>>
    %dma_start3A_234 = tpu.memref_squeeze %dma_start3A_233 : memref<1x8x1024xf32, #tpu.memory_space<hbm>> -> memref<8x1024xf32, #tpu.memory_space<hbm>>
    tpu.enqueue_dma source(%arg11 : memref<8x1024xf32, #tpu.memory_space<vmem>>) target(%dma_start3A_234 : memref<8x1024xf32, #tpu.memory_space<hbm>>) target_semaphore(%arg27 : memref<!tpu.dma_semaphore, #tpu.memory_space<semaphore_mem>>)
    %dma_start3A_235 = arith.constant 3 : i32
    %dma_start3A_236 = arith.constant 0 : i32
    %dma_start3A_237 = tpu.memref_slice %arg4[%dma_start3A_235, %multiple_of3A_213, %dma_start3A_236] : memref<4x4096x1024xf32, #tpu.memory_space<hbm>> -> memref<1x8x1024xf32, #tpu.memory_space<hbm>>
    %dma_start3A_238 = tpu.memref_squeeze %dma_start3A_237 : memref<1x8x1024xf32, #tpu.memory_space<hbm>> -> memref<8x1024xf32, #tpu.memory_space<hbm>>
    %dma_start3A_239 = arith.constant 0 : i32
    %dma_start3A_240 = tpu.memref_slice %arg4[%dma_start3A_235, %multiple_of3A_213, %dma_start3A_239] : memref<4x4096x1024xf32, #tpu.memory_space<hbm>> -> memref<1x8x1024xf32, #tpu.memory_space<hbm>>
    %dma_start3A_241 = tpu.memref_squeeze %dma_start3A_240 : memref<1x8x1024xf32, #tpu.memory_space<hbm>> -> memref<8x1024xf32, #tpu.memory_space<hbm>>
    tpu.enqueue_dma source(%arg12 : memref<8x1024xf32, #tpu.memory_space<vmem>>) target(%dma_start3A_241 : memref<8x1024xf32, #tpu.memory_space<hbm>>) target_semaphore(%arg27 : memref<!tpu.dma_semaphore, #tpu.memory_space<semaphore_mem>>)
    %add3A_242 = arith.constant 0 : i32
    %add3A_243 = arith.addi %mul3A_2, %add3A_242 : i32
    %multiple_of3A_244 = tpu.assume_multiple %add3A_243, 8 : i32
    %dma_wait3A_245 = arith.constant 0 : i32
    %dma_wait3A_246 = arith.constant 0 : i32
    %dma_wait3A_247 = tpu.memref_slice %arg4[%dma_wait3A_245, %multiple_of3A_244, %dma_wait3A_246] : memref<4x4096x1024xf32, #tpu.memory_space<hbm>> -> memref<1x8x1024xf32, #tpu.memory_space<hbm>>
    %dma_wait3A_248 = tpu.memref_squeeze %dma_wait3A_247 : memref<1x8x1024xf32, #tpu.memory_space<hbm>> -> memref<8x1024xf32, #tpu.memory_space<hbm>>
    %dma_wait3A_249 = arith.constant 0 : i32
    %dma_wait3A_250 = tpu.memref_slice %arg4[%dma_wait3A_245, %multiple_of3A_244, %dma_wait3A_249] : memref<4x4096x1024xf32, #tpu.memory_space<hbm>> -> memref<1x8x1024xf32, #tpu.memory_space<hbm>>
    %dma_wait3A_251 = tpu.memref_squeeze %dma_wait3A_250 : memref<1x8x1024xf32, #tpu.memory_space<hbm>> -> memref<8x1024xf32, #tpu.memory_space<hbm>>
    tpu.wait_dma2 semaphore(%arg26 : memref<!tpu.dma_semaphore, #tpu.memory_space<semaphore_mem>>) src(%arg5 : memref<8x1024xf32, #tpu.memory_space<vmem>>) dst(%dma_wait3A_251 : memref<8x1024xf32, #tpu.memory_space<hbm>>)
    %dma_wait3A_252 = arith.constant 1 : i32
    %dma_wait3A_253 = arith.constant 0 : i32
    %dma_wait3A_254 = tpu.memref_slice %arg4[%dma_wait3A_252, %multiple_of3A_244, %dma_wait3A_253] : memref<4x4096x1024xf32, #tpu.memory_space<hbm>> -> memref<1x8x1024xf32, #tpu.memory_space<hbm>>
    %dma_wait3A_255 = tpu.memref_squeeze %dma_wait3A_254 : memref<1x8x1024xf32, #tpu.memory_space<hbm>> -> memref<8x1024xf32, #tpu.memory_space<hbm>>
    %dma_wait3A_256 = arith.constant 0 : i32
    %dma_wait3A_257 = tpu.memref_slice %arg4[%dma_wait3A_252, %multiple_of3A_244, %dma_wait3A_256] : memref<4x4096x1024xf32, #tpu.memory_space<hbm>> -> memref<1x8x1024xf32, #tpu.memory_space<hbm>>
    %dma_wait3A_258 = tpu.memref_squeeze %dma_wait3A_257 : memref<1x8x1024xf32, #tpu.memory_space<hbm>> -> memref<8x1024xf32, #tpu.memory_space<hbm>>
    tpu.wait_dma2 semaphore(%arg26 : memref<!tpu.dma_semaphore, #tpu.memory_space<semaphore_mem>>) src(%arg6 : memref<8x1024xf32, #tpu.memory_space<vmem>>) dst(%dma_wait3A_258 : memref<8x1024xf32, #tpu.memory_space<hbm>>)
    %dma_wait3A_259 = arith.constant 2 : i32
    %dma_wait3A_260 = arith.constant 0 : i32
    %dma_wait3A_261 = tpu.memref_slice %arg4[%dma_wait3A_259, %multiple_of3A_244, %dma_wait3A_260] : memref<4x4096x1024xf32, #tpu.memory_space<hbm>> -> memref<1x8x1024xf32, #tpu.memory_space<hbm>>
    %dma_wait3A_262 = tpu.memref_squeeze %dma_wait3A_261 : memref<1x8x1024xf32, #tpu.memory_space<hbm>> -> memref<8x1024xf32, #tpu.memory_space<hbm>>
    %dma_wait3A_263 = arith.constant 0 : i32
    %dma_wait3A_264 = tpu.memref_slice %arg4[%dma_wait3A_259, %multiple_of3A_244, %dma_wait3A_263] : memref<4x4096x1024xf32, #tpu.memory_space<hbm>> -> memref<1x8x1024xf32, #tpu.memory_space<hbm>>
    %dma_wait3A_265 = tpu.memref_squeeze %dma_wait3A_264 : memref<1x8x1024xf32, #tpu.memory_space<hbm>> -> memref<8x1024xf32, #tpu.memory_space<hbm>>
    tpu.wait_dma2 semaphore(%arg26 : memref<!tpu.dma_semaphore, #tpu.memory_space<semaphore_mem>>) src(%arg7 : memref<8x1024xf32, #tpu.memory_space<vmem>>) dst(%dma_wait3A_265 : memref<8x1024xf32, #tpu.memory_space<hbm>>)
    %dma_wait3A_266 = arith.constant 3 : i32
    %dma_wait3A_267 = arith.constant 0 : i32
    %dma_wait3A_268 = tpu.memref_slice %arg4[%dma_wait3A_266, %multiple_of3A_244, %dma_wait3A_267] : memref<4x4096x1024xf32, #tpu.memory_space<hbm>> -> memref<1x8x1024xf32, #tpu.memory_space<hbm>>
    %dma_wait3A_269 = tpu.memref_squeeze %dma_wait3A_268 : memref<1x8x1024xf32, #tpu.memory_space<hbm>> -> memref<8x1024xf32, #tpu.memory_space<hbm>>
    %dma_wait3A_270 = arith.constant 0 : i32
    %dma_wait3A_271 = tpu.memref_slice %arg4[%dma_wait3A_266, %multiple_of3A_244, %dma_wait3A_270] : memref<4x4096x1024xf32, #tpu.memory_space<hbm>> -> memref<1x8x1024xf32, #tpu.memory_space<hbm>>
    %dma_wait3A_272 = tpu.memref_squeeze %dma_wait3A_271 : memref<1x8x1024xf32, #tpu.memory_space<hbm>> -> memref<8x1024xf32, #tpu.memory_space<hbm>>
    tpu.wait_dma2 semaphore(%arg26 : memref<!tpu.dma_semaphore, #tpu.memory_space<semaphore_mem>>) src(%arg8 : memref<8x1024xf32, #tpu.memory_space<vmem>>) dst(%dma_wait3A_272 : memref<8x1024xf32, #tpu.memory_space<hbm>>)
    %add3A_273 = arith.constant 24 : i32
    %add3A_274 = arith.addi %mul3A_2, %add3A_273 : i32
    %multiple_of3A_275 = tpu.assume_multiple %add3A_274, 8 : i32
    %dma_start3A_276 = arith.constant 0 : i32
    %dma_start3A_277 = tpu.memref_slice %arg3[%multiple_of3A_275, %dma_start3A_276] : memref<8192x1024xf32, #tpu.memory_space<hbm>> -> memref<8x1024xf32, #tpu.memory_space<hbm>>
    %dma_start3A_278 = arith.constant 0 : i32
    %dma_start3A_279 = tpu.memref_slice %arg3[%multiple_of3A_275, %dma_start3A_278] : memref<8192x1024xf32, #tpu.memory_space<hbm>> -> memref<8x1024xf32, #tpu.memory_space<hbm>>
    tpu.enqueue_dma source(%dma_start3A_279 : memref<8x1024xf32, #tpu.memory_space<hbm>>) target(%arg17 : memref<8x1024xf32, #tpu.memory_space<vmem>>) target_semaphore(%arg23 : memref<!tpu.dma_semaphore, #tpu.memory_space<semaphore_mem>>)
    %dma_start3A_280 = arith.constant 0 : i32
    %dma_start3A_281 = arith.constant 0 : i32
    %dma_start3A_282 = tpu.memref_slice %arg2[%dma_start3A_280, %multiple_of3A_275, %dma_start3A_281] : memref<4x4096x1024xf32, #tpu.memory_space<hbm>> -> memref<1x8x1024xf32, #tpu.memory_space<hbm>>
    %dma_start3A_283 = tpu.memref_squeeze %dma_start3A_282 : memref<1x8x1024xf32, #tpu.memory_space<hbm>> -> memref<8x1024xf32, #tpu.memory_space<hbm>>
    %dma_start3A_284 = arith.constant 0 : i32
    %dma_start3A_285 = tpu.memref_slice %arg2[%dma_start3A_280, %multiple_of3A_275, %dma_start3A_284] : memref<4x4096x1024xf32, #tpu.memory_space<hbm>> -> memref<1x8x1024xf32, #tpu.memory_space<hbm>>
    %dma_start3A_286 = tpu.memref_squeeze %dma_start3A_285 : memref<1x8x1024xf32, #tpu.memory_space<hbm>> -> memref<8x1024xf32, #tpu.memory_space<hbm>>
    tpu.enqueue_dma source(%dma_start3A_286 : memref<8x1024xf32, #tpu.memory_space<hbm>>) target(%arg5 : memref<8x1024xf32, #tpu.memory_space<vmem>>) target_semaphore(%arg20 : memref<!tpu.dma_semaphore, #tpu.memory_space<semaphore_mem>>)
    %dma_start3A_287 = arith.constant 1 : i32
    %dma_start3A_288 = arith.constant 0 : i32
    %dma_start3A_289 = tpu.memref_slice %arg2[%dma_start3A_287, %multiple_of3A_275, %dma_start3A_288] : memref<4x4096x1024xf32, #tpu.memory_space<hbm>> -> memref<1x8x1024xf32, #tpu.memory_space<hbm>>
    %dma_start3A_290 = tpu.memref_squeeze %dma_start3A_289 : memref<1x8x1024xf32, #tpu.memory_space<hbm>> -> memref<8x1024xf32, #tpu.memory_space<hbm>>
    %dma_start3A_291 = arith.constant 0 : i32
    %dma_start3A_292 = tpu.memref_slice %arg2[%dma_start3A_287, %multiple_of3A_275, %dma_start3A_291] : memref<4x4096x1024xf32, #tpu.memory_space<hbm>> -> memref<1x8x1024xf32, #tpu.memory_space<hbm>>
    %dma_start3A_293 = tpu.memref_squeeze %dma_start3A_292 : memref<1x8x1024xf32, #tpu.memory_space<hbm>> -> memref<8x1024xf32, #tpu.memory_space<hbm>>
    tpu.enqueue_dma source(%dma_start3A_293 : memref<8x1024xf32, #tpu.memory_space<hbm>>) target(%arg6 : memref<8x1024xf32, #tpu.memory_space<vmem>>) target_semaphore(%arg20 : memref<!tpu.dma_semaphore, #tpu.memory_space<semaphore_mem>>)
    %dma_start3A_294 = arith.constant 2 : i32
    %dma_start3A_295 = arith.constant 0 : i32
    %dma_start3A_296 = tpu.memref_slice %arg2[%dma_start3A_294, %multiple_of3A_275, %dma_start3A_295] : memref<4x4096x1024xf32, #tpu.memory_space<hbm>> -> memref<1x8x1024xf32, #tpu.memory_space<hbm>>
    %dma_start3A_297 = tpu.memref_squeeze %dma_start3A_296 : memref<1x8x1024xf32, #tpu.memory_space<hbm>> -> memref<8x1024xf32, #tpu.memory_space<hbm>>
    %dma_start3A_298 = arith.constant 0 : i32
    %dma_start3A_299 = tpu.memref_slice %arg2[%dma_start3A_294, %multiple_of3A_275, %dma_start3A_298] : memref<4x4096x1024xf32, #tpu.memory_space<hbm>> -> memref<1x8x1024xf32, #tpu.memory_space<hbm>>
    %dma_start3A_300 = tpu.memref_squeeze %dma_start3A_299 : memref<1x8x1024xf32, #tpu.memory_space<hbm>> -> memref<8x1024xf32, #tpu.memory_space<hbm>>
    tpu.enqueue_dma source(%dma_start3A_300 : memref<8x1024xf32, #tpu.memory_space<hbm>>) target(%arg7 : memref<8x1024xf32, #tpu.memory_space<vmem>>) target_semaphore(%arg20 : memref<!tpu.dma_semaphore, #tpu.memory_space<semaphore_mem>>)
    %dma_start3A_301 = arith.constant 3 : i32
    %dma_start3A_302 = arith.constant 0 : i32
    %dma_start3A_303 = tpu.memref_slice %arg2[%dma_start3A_301, %multiple_of3A_275, %dma_start3A_302] : memref<4x4096x1024xf32, #tpu.memory_space<hbm>> -> memref<1x8x1024xf32, #tpu.memory_space<hbm>>
    %dma_start3A_304 = tpu.memref_squeeze %dma_start3A_303 : memref<1x8x1024xf32, #tpu.memory_space<hbm>> -> memref<8x1024xf32, #tpu.memory_space<hbm>>
    %dma_start3A_305 = arith.constant 0 : i32
    %dma_start3A_306 = tpu.memref_slice %arg2[%dma_start3A_301, %multiple_of3A_275, %dma_start3A_305] : memref<4x4096x1024xf32, #tpu.memory_space<hbm>> -> memref<1x8x1024xf32, #tpu.memory_space<hbm>>
    %dma_start3A_307 = tpu.memref_squeeze %dma_start3A_306 : memref<1x8x1024xf32, #tpu.memory_space<hbm>> -> memref<8x1024xf32, #tpu.memory_space<hbm>>
    tpu.enqueue_dma source(%dma_start3A_307 : memref<8x1024xf32, #tpu.memory_space<hbm>>) target(%arg8 : memref<8x1024xf32, #tpu.memory_space<vmem>>) target_semaphore(%arg20 : memref<!tpu.dma_semaphore, #tpu.memory_space<semaphore_mem>>)
    %scan3A = arith.constant 0 : i32
    %scan3A_308 = arith.constant 0 : i32
    %scan3A_309 = arith.constant 4 : i32
    %scan3A_310 = arith.addi %scan3A_308, %scan3A_309 : i32
    %scan3A_311 = arith.constant 1 : i32
    scf.for %scan3A_544 = %scan3A_308 to %scan3A_310 step %scan3A_311  : i32 {
      %mul3A_545 = arith.constant 3 : i32
      %mul3A_546 = arith.muli %scan3A_544, %mul3A_545 : i32
      %add3A_547 = arith.constant 2 : i32
      %add3A_548 = arith.addi %add3A_547, %mul3A_546 : i32
      %add3A_549 = arith.constant 0 : i32
      %add3A_550 = arith.addi %add3A_548, %add3A_549 : i32
      %mul3A_551 = arith.constant 8 : i32
      %mul3A_552 = arith.muli %add3A_550, %mul3A_551 : i32
      %add3A_553 = arith.addi %mul3A_2, %mul3A_552 : i32
      %multiple_of3A_554 = tpu.assume_multiple %add3A_553, 8 : i32
      %dma_wait3A_555 = arith.constant 0 : i32
      %dma_wait3A_556 = tpu.memref_slice %arg3[%multiple_of3A_554, %dma_wait3A_555] : memref<8192x1024xf32, #tpu.memory_space<hbm>> -> memref<8x1024xf32, #tpu.memory_space<hbm>>
      %dma_wait3A_557 = arith.constant 0 : i32
      %dma_wait3A_558 = tpu.memref_slice %arg3[%multiple_of3A_554, %dma_wait3A_557] : memref<8192x1024xf32, #tpu.memory_space<hbm>> -> memref<8x1024xf32, #tpu.memory_space<hbm>>
      tpu.wait_dma2 semaphore(%arg25 : memref<!tpu.dma_semaphore, #tpu.memory_space<semaphore_mem>>) src(%dma_wait3A_558 : memref<8x1024xf32, #tpu.memory_space<hbm>>) dst(%arg19 : memref<8x1024xf32, #tpu.memory_space<vmem>>)
      %dma_wait3A_559 = arith.constant 0 : i32
      %dma_wait3A_560 = arith.constant 0 : i32
      %dma_wait3A_561 = tpu.memref_slice %arg2[%dma_wait3A_559, %multiple_of3A_554, %dma_wait3A_560] : memref<4x4096x1024xf32, #tpu.memory_space<hbm>> -> memref<1x8x1024xf32, #tpu.memory_space<hbm>>
      %dma_wait3A_562 = tpu.memref_squeeze %dma_wait3A_561 : memref<1x8x1024xf32, #tpu.memory_space<hbm>> -> memref<8x1024xf32, #tpu.memory_space<hbm>>
      %dma_wait3A_563 = arith.constant 0 : i32
      %dma_wait3A_564 = tpu.memref_slice %arg2[%dma_wait3A_559, %multiple_of3A_554, %dma_wait3A_563] : memref<4x4096x1024xf32, #tpu.memory_space<hbm>> -> memref<1x8x1024xf32, #tpu.memory_space<hbm>>
      %dma_wait3A_565 = tpu.memref_squeeze %dma_wait3A_564 : memref<1x8x1024xf32, #tpu.memory_space<hbm>> -> memref<8x1024xf32, #tpu.memory_space<hbm>>
      tpu.wait_dma2 semaphore(%arg22 : memref<!tpu.dma_semaphore, #tpu.memory_space<semaphore_mem>>) src(%dma_wait3A_565 : memref<8x1024xf32, #tpu.memory_space<hbm>>) dst(%arg13 : memref<8x1024xf32, #tpu.memory_space<vmem>>)
      %dma_wait3A_566 = arith.constant 1 : i32
      %dma_wait3A_567 = arith.constant 0 : i32
      %dma_wait3A_568 = tpu.memref_slice %arg2[%dma_wait3A_566, %multiple_of3A_554, %dma_wait3A_567] : memref<4x4096x1024xf32, #tpu.memory_space<hbm>> -> memref<1x8x1024xf32, #tpu.memory_space<hbm>>
      %dma_wait3A_569 = tpu.memref_squeeze %dma_wait3A_568 : memref<1x8x1024xf32, #tpu.memory_space<hbm>> -> memref<8x1024xf32, #tpu.memory_space<hbm>>
      %dma_wait3A_570 = arith.constant 0 : i32
      %dma_wait3A_571 = tpu.memref_slice %arg2[%dma_wait3A_566, %multiple_of3A_554, %dma_wait3A_570] : memref<4x4096x1024xf32, #tpu.memory_space<hbm>> -> memref<1x8x1024xf32, #tpu.memory_space<hbm>>
      %dma_wait3A_572 = tpu.memref_squeeze %dma_wait3A_571 : memref<1x8x1024xf32, #tpu.memory_space<hbm>> -> memref<8x1024xf32, #tpu.memory_space<hbm>>
      tpu.wait_dma2 semaphore(%arg22 : memref<!tpu.dma_semaphore, #tpu.memory_space<semaphore_mem>>) src(%dma_wait3A_572 : memref<8x1024xf32, #tpu.memory_space<hbm>>) dst(%arg14 : memref<8x1024xf32, #tpu.memory_space<vmem>>)
      %dma_wait3A_573 = arith.constant 2 : i32
      %dma_wait3A_574 = arith.constant 0 : i32
      %dma_wait3A_575 = tpu.memref_slice %arg2[%dma_wait3A_573, %multiple_of3A_554, %dma_wait3A_574] : memref<4x4096x1024xf32, #tpu.memory_space<hbm>> -> memref<1x8x1024xf32, #tpu.memory_space<hbm>>
      %dma_wait3A_576 = tpu.memref_squeeze %dma_wait3A_575 : memref<1x8x1024xf32, #tpu.memory_space<hbm>> -> memref<8x1024xf32, #tpu.memory_space<hbm>>
      %dma_wait3A_577 = arith.constant 0 : i32
      %dma_wait3A_578 = tpu.memref_slice %arg2[%dma_wait3A_573, %multiple_of3A_554, %dma_wait3A_577] : memref<4x4096x1024xf32, #tpu.memory_space<hbm>> -> memref<1x8x1024xf32, #tpu.memory_space<hbm>>
      %dma_wait3A_579 = tpu.memref_squeeze %dma_wait3A_578 : memref<1x8x1024xf32, #tpu.memory_space<hbm>> -> memref<8x1024xf32, #tpu.memory_space<hbm>>
      tpu.wait_dma2 semaphore(%arg22 : memref<!tpu.dma_semaphore, #tpu.memory_space<semaphore_mem>>) src(%dma_wait3A_579 : memref<8x1024xf32, #tpu.memory_space<hbm>>) dst(%arg15 : memref<8x1024xf32, #tpu.memory_space<vmem>>)
      %dma_wait3A_580 = arith.constant 3 : i32
      %dma_wait3A_581 = arith.constant 0 : i32
      %dma_wait3A_582 = tpu.memref_slice %arg2[%dma_wait3A_580, %multiple_of3A_554, %dma_wait3A_581] : memref<4x4096x1024xf32, #tpu.memory_space<hbm>> -> memref<1x8x1024xf32, #tpu.memory_space<hbm>>
      %dma_wait3A_583 = tpu.memref_squeeze %dma_wait3A_582 : memref<1x8x1024xf32, #tpu.memory_space<hbm>> -> memref<8x1024xf32, #tpu.memory_space<hbm>>
      %dma_wait3A_584 = arith.constant 0 : i32
      %dma_wait3A_585 = tpu.memref_slice %arg2[%dma_wait3A_580, %multiple_of3A_554, %dma_wait3A_584] : memref<4x4096x1024xf32, #tpu.memory_space<hbm>> -> memref<1x8x1024xf32, #tpu.memory_space<hbm>>
      %dma_wait3A_586 = tpu.memref_squeeze %dma_wait3A_585 : memref<1x8x1024xf32, #tpu.memory_space<hbm>> -> memref<8x1024xf32, #tpu.memory_space<hbm>>
      tpu.wait_dma2 semaphore(%arg22 : memref<!tpu.dma_semaphore, #tpu.memory_space<semaphore_mem>>) src(%dma_wait3A_586 : memref<8x1024xf32, #tpu.memory_space<hbm>>) dst(%arg16 : memref<8x1024xf32, #tpu.memory_space<vmem>>)
      %parallel_loop3A_587 = arith.constant 0 : i32
      %parallel_loop3A_588 = arith.constant 512 : i32
      %parallel_loop3A_589 = arith.constant 1 : i32
      scf.for %parallel_loop3A_997 = %parallel_loop3A_587 to %parallel_loop3A_588 step %parallel_loop3A_589  : i32 {
        %parallel_loop3A_998 = arith.constant 64 : i32
        %parallel_loop3A_999 = arith.divsi %parallel_loop3A_997, %parallel_loop3A_998 : i32
        %parallel_loop3A_1000 = arith.constant 0 : i32
        %parallel_loop3A_1001 = arith.cmpi sgt, %parallel_loop3A_997, %parallel_loop3A_1000 : i32
        %parallel_loop3A_1002 = arith.extui %parallel_loop3A_1001 : i1 to i32
        %parallel_loop3A_1003 = arith.constant 0 : i32
        %parallel_loop3A_1004 = arith.cmpi slt, %parallel_loop3A_997, %parallel_loop3A_1003 : i32
        %parallel_loop3A_1005 = arith.extui %parallel_loop3A_1004 : i1 to i32
        %parallel_loop3A_1006 = arith.subi %parallel_loop3A_1002, %parallel_loop3A_1005 : i32
        %parallel_loop3A_1007 = arith.constant 0 : i32
        %parallel_loop3A_1008 = arith.cmpi sgt, %parallel_loop3A_998, %parallel_loop3A_1007 : i32
        %parallel_loop3A_1009 = arith.extui %parallel_loop3A_1008 : i1 to i32
        %parallel_loop3A_1010 = arith.constant 0 : i32
        %parallel_loop3A_1011 = arith.cmpi slt, %parallel_loop3A_998, %parallel_loop3A_1010 : i32
        %parallel_loop3A_1012 = arith.extui %parallel_loop3A_1011 : i1 to i32
        %parallel_loop3A_1013 = arith.subi %parallel_loop3A_1009, %parallel_loop3A_1012 : i32
        %parallel_loop3A_1014 = arith.cmpi ne, %parallel_loop3A_1006, %parallel_loop3A_1013 : i32
        %parallel_loop3A_1015 = arith.remsi %parallel_loop3A_997, %parallel_loop3A_998 : i32
        %parallel_loop3A_1016 = arith.constant 0 : i32
        %parallel_loop3A_1017 = arith.cmpi ne, %parallel_loop3A_1015, %parallel_loop3A_1016 : i32
        %parallel_loop3A_1018 = arith.andi %parallel_loop3A_1014, %parallel_loop3A_1017 : i1
        %parallel_loop3A_1019 = arith.constant 1 : i32
        %parallel_loop3A_1020 = arith.subi %parallel_loop3A_999, %parallel_loop3A_1019 : i32
        %parallel_loop3A_1021 = arith.select %parallel_loop3A_1018, %parallel_loop3A_1020, %parallel_loop3A_999 : i32
        %parallel_loop3A_1022 = arith.constant 64 : i32
        %parallel_loop3A_1023 = arith.constant 0 : i32
        %parallel_loop3A_1024 = arith.cmpi eq, %parallel_loop3A_1022, %parallel_loop3A_1023 : i32
        %parallel_loop3A_1025 = arith.constant 1 : i32
        %parallel_loop3A_1026 = arith.select %parallel_loop3A_1024, %parallel_loop3A_1025, %parallel_loop3A_1022 : i32
        %parallel_loop3A_1027 = arith.remsi %parallel_loop3A_997, %parallel_loop3A_1026 : i32
        %parallel_loop3A_1028 = arith.constant 0 : i32
        %parallel_loop3A_1029 = arith.cmpi ne, %parallel_loop3A_1027, %parallel_loop3A_1028 : i32
        %parallel_loop3A_1030 = arith.constant 0 : i32
        %parallel_loop3A_1031 = arith.cmpi slt, %parallel_loop3A_1027, %parallel_loop3A_1030 : i32
        %parallel_loop3A_1032 = arith.constant 0 : i32
        %parallel_loop3A_1033 = arith.cmpi slt, %parallel_loop3A_1026, %parallel_loop3A_1032 : i32
        %parallel_loop3A_1034 = arith.xori %parallel_loop3A_1031, %parallel_loop3A_1033 : i1
        %parallel_loop3A_1035 = arith.andi %parallel_loop3A_1034, %parallel_loop3A_1029 : i1
        %parallel_loop3A_1036 = arith.addi %parallel_loop3A_1027, %parallel_loop3A_1026 : i32
        %parallel_loop3A_1037 = arith.select %parallel_loop3A_1035, %parallel_loop3A_1036, %parallel_loop3A_1027 : i32
        %parallel_loop3A_1038 = arith.constant 16 : i32
        %parallel_loop3A_1039 = arith.muli %parallel_loop3A_1037, %parallel_loop3A_1038 : i32
        %parallel_loop3A_1040 = arith.index_cast %parallel_loop3A_1021 : i32 to index
        %parallel_loop3A_1041 = arith.index_cast %parallel_loop3A_1039 : i32 to index
        %parallel_loop3A_1042 = tpu.vector_load %arg19[%parallel_loop3A_1040, %parallel_loop3A_1041] {strides = array<i32>} : memref<8x1024xf32, #tpu.memory_space<vmem>>, vector<1x16xf32>,
        %parallel_loop3A_1043 = vector.shape_cast %parallel_loop3A_1042 : vector<1x16xf32> to vector<16xf32>
        %parallel_loop3A_1044 = arith.index_cast %parallel_loop3A_1021 : i32 to index
        %parallel_loop3A_1045 = arith.index_cast %parallel_loop3A_1039 : i32 to index
        %parallel_loop3A_1046 = tpu.vector_load %arg13[%parallel_loop3A_1044, %parallel_loop3A_1045] {strides = array<i32>} : memref<8x1024xf32, #tpu.memory_space<vmem>>, vector<1x16xf32>,
        %parallel_loop3A_1047 = vector.shape_cast %parallel_loop3A_1046 : vector<1x16xf32> to vector<16xf32>
        %parallel_loop3A_1048 = vector.shape_cast %parallel_loop3A_1043 : vector<16xf32> to vector<1x16xf32>
        tpu.vector_store %arg13[%parallel_loop3A_1044, %parallel_loop3A_1045], %parallel_loop3A_1048 {add = true, strides = array<i32>} : memref<8x1024xf32, #tpu.memory_space<vmem>>, vector<1x16xf32>,
        %parallel_loop3A_1049 = arith.index_cast %parallel_loop3A_1021 : i32 to index
        %parallel_loop3A_1050 = arith.index_cast %parallel_loop3A_1039 : i32 to index
        %parallel_loop3A_1051 = tpu.vector_load %arg14[%parallel_loop3A_1049, %parallel_loop3A_1050] {strides = array<i32>} : memref<8x1024xf32, #tpu.memory_space<vmem>>, vector<1x16xf32>,
        %parallel_loop3A_1052 = vector.shape_cast %parallel_loop3A_1051 : vector<1x16xf32> to vector<16xf32>
        %parallel_loop3A_1053 = vector.shape_cast %parallel_loop3A_1043 : vector<16xf32> to vector<1x16xf32>
        tpu.vector_store %arg14[%parallel_loop3A_1049, %parallel_loop3A_1050], %parallel_loop3A_1053 {add = true, strides = array<i32>} : memref<8x1024xf32, #tpu.memory_space<vmem>>, vector<1x16xf32>,
        %parallel_loop3A_1054 = arith.index_cast %parallel_loop3A_1021 : i32 to index
        %parallel_loop3A_1055 = arith.index_cast %parallel_loop3A_1039 : i32 to index
        %parallel_loop3A_1056 = tpu.vector_load %arg15[%parallel_loop3A_1054, %parallel_loop3A_1055] {strides = array<i32>} : memref<8x1024xf32, #tpu.memory_space<vmem>>, vector<1x16xf32>,
        %parallel_loop3A_1057 = vector.shape_cast %parallel_loop3A_1056 : vector<1x16xf32> to vector<16xf32>
        %parallel_loop3A_1058 = vector.shape_cast %parallel_loop3A_1043 : vector<16xf32> to vector<1x16xf32>
        tpu.vector_store %arg15[%parallel_loop3A_1054, %parallel_loop3A_1055], %parallel_loop3A_1058 {add = true, strides = array<i32>} : memref<8x1024xf32, #tpu.memory_space<vmem>>, vector<1x16xf32>,
        %parallel_loop3A_1059 = arith.index_cast %parallel_loop3A_1021 : i32 to index
        %parallel_loop3A_1060 = arith.index_cast %parallel_loop3A_1039 : i32 to index
        %parallel_loop3A_1061 = tpu.vector_load %arg16[%parallel_loop3A_1059, %parallel_loop3A_1060] {strides = array<i32>} : memref<8x1024xf32, #tpu.memory_space<vmem>>, vector<1x16xf32>,
        %parallel_loop3A_1062 = vector.shape_cast %parallel_loop3A_1061 : vector<1x16xf32> to vector<16xf32>
        %parallel_loop3A_1063 = vector.shape_cast %parallel_loop3A_1043 : vector<16xf32> to vector<1x16xf32>
        tpu.vector_store %arg16[%parallel_loop3A_1059, %parallel_loop3A_1060], %parallel_loop3A_1063 {add = true, strides = array<i32>} : memref<8x1024xf32, #tpu.memory_space<vmem>>, vector<1x16xf32>,
      } {sc.loop_unroll_factor = 2 : i64, sc.parallel_access}
      %mul3A_590 = arith.constant 8 : i32
      %mul3A_591 = arith.muli %add3A_550, %mul3A_590 : i32
      %add3A_592 = arith.addi %mul3A_2, %mul3A_591 : i32
      %multiple_of3A_593 = tpu.assume_multiple %add3A_592, 8 : i32
      %dma_start3A_594 = arith.constant 0 : i32
      %dma_start3A_595 = arith.constant 0 : i32
      %dma_start3A_596 = tpu.memref_slice %arg4[%dma_start3A_594, %multiple_of3A_593, %dma_start3A_595] : memref<4x4096x1024xf32, #tpu.memory_space<hbm>> -> memref<1x8x1024xf32, #tpu.memory_space<hbm>>
      %dma_start3A_597 = tpu.memref_squeeze %dma_start3A_596 : memref<1x8x1024xf32, #tpu.memory_space<hbm>> -> memref<8x1024xf32, #tpu.memory_space<hbm>>
      %dma_start3A_598 = arith.constant 0 : i32
      %dma_start3A_599 = tpu.memref_slice %arg4[%dma_start3A_594, %multiple_of3A_593, %dma_start3A_598] : memref<4x4096x1024xf32, #tpu.memory_space<hbm>> -> memref<1x8x1024xf32, #tpu.memory_space<hbm>>
      %dma_start3A_600 = tpu.memref_squeeze %dma_start3A_599 : memref<1x8x1024xf32, #tpu.memory_space<hbm>> -> memref<8x1024xf32, #tpu.memory_space<hbm>>
      tpu.enqueue_dma source(%arg13 : memref<8x1024xf32, #tpu.memory_space<vmem>>) target(%dma_start3A_600 : memref<8x1024xf32, #tpu.memory_space<hbm>>) target_semaphore(%arg28 : memref<!tpu.dma_semaphore, #tpu.memory_space<semaphore_mem>>)
      %dma_start3A_601 = arith.constant 1 : i32
      %dma_start3A_602 = arith.constant 0 : i32
      %dma_start3A_603 = tpu.memref_slice %arg4[%dma_start3A_601, %multiple_of3A_593, %dma_start3A_602] : memref<4x4096x1024xf32, #tpu.memory_space<hbm>> -> memref<1x8x1024xf32, #tpu.memory_space<hbm>>
      %dma_start3A_604 = tpu.memref_squeeze %dma_start3A_603 : memref<1x8x1024xf32, #tpu.memory_space<hbm>> -> memref<8x1024xf32, #tpu.memory_space<hbm>>
      %dma_start3A_605 = arith.constant 0 : i32
      %dma_start3A_606 = tpu.memref_slice %arg4[%dma_start3A_601, %multiple_of3A_593, %dma_start3A_605] : memref<4x4096x1024xf32, #tpu.memory_space<hbm>> -> memref<1x8x1024xf32, #tpu.memory_space<hbm>>
      %dma_start3A_607 = tpu.memref_squeeze %dma_start3A_606 : memref<1x8x1024xf32, #tpu.memory_space<hbm>> -> memref<8x1024xf32, #tpu.memory_space<hbm>>
      tpu.enqueue_dma source(%arg14 : memref<8x1024xf32, #tpu.memory_space<vmem>>) target(%dma_start3A_607 : memref<8x1024xf32, #tpu.memory_space<hbm>>) target_semaphore(%arg28 : memref<!tpu.dma_semaphore, #tpu.memory_space<semaphore_mem>>)
      %dma_start3A_608 = arith.constant 2 : i32
      %dma_start3A_609 = arith.constant 0 : i32
      %dma_start3A_610 = tpu.memref_slice %arg4[%dma_start3A_608, %multiple_of3A_593, %dma_start3A_609] : memref<4x4096x1024xf32, #tpu.memory_space<hbm>> -> memref<1x8x1024xf32, #tpu.memory_space<hbm>>
      %dma_start3A_611 = tpu.memref_squeeze %dma_start3A_610 : memref<1x8x1024xf32, #tpu.memory_space<hbm>> -> memref<8x1024xf32, #tpu.memory_space<hbm>>
      %dma_start3A_612 = arith.constant 0 : i32
      %dma_start3A_613 = tpu.memref_slice %arg4[%dma_start3A_608, %multiple_of3A_593, %dma_start3A_612] : memref<4x4096x1024xf32, #tpu.memory_space<hbm>> -> memref<1x8x1024xf32, #tpu.memory_space<hbm>>
      %dma_start3A_614 = tpu.memref_squeeze %dma_start3A_613 : memref<1x8x1024xf32, #tpu.memory_space<hbm>> -> memref<8x1024xf32, #tpu.memory_space<hbm>>
      tpu.enqueue_dma source(%arg15 : memref<8x1024xf32, #tpu.memory_space<vmem>>) target(%dma_start3A_614 : memref<8x1024xf32, #tpu.memory_space<hbm>>) target_semaphore(%arg28 : memref<!tpu.dma_semaphore, #tpu.memory_space<semaphore_mem>>)
      %dma_start3A_615 = arith.constant 3 : i32
      %dma_start3A_616 = arith.constant 0 : i32
      %dma_start3A_617 = tpu.memref_slice %arg4[%dma_start3A_615, %multiple_of3A_593, %dma_start3A_616] : memref<4x4096x1024xf32, #tpu.memory_space<hbm>> -> memref<1x8x1024xf32, #tpu.memory_space<hbm>>
      %dma_start3A_618 = tpu.memref_squeeze %dma_start3A_617 : memref<1x8x1024xf32, #tpu.memory_space<hbm>> -> memref<8x1024xf32, #tpu.memory_space<hbm>>
      %dma_start3A_619 = arith.constant 0 : i32
      %dma_start3A_620 = tpu.memref_slice %arg4[%dma_start3A_615, %multiple_of3A_593, %dma_start3A_619] : memref<4x4096x1024xf32, #tpu.memory_space<hbm>> -> memref<1x8x1024xf32, #tpu.memory_space<hbm>>
      %dma_start3A_621 = tpu.memref_squeeze %dma_start3A_620 : memref<1x8x1024xf32, #tpu.memory_space<hbm>> -> memref<8x1024xf32, #tpu.memory_space<hbm>>
      tpu.enqueue_dma source(%arg16 : memref<8x1024xf32, #tpu.memory_space<vmem>>) target(%dma_start3A_621 : memref<8x1024xf32, #tpu.memory_space<hbm>>) target_semaphore(%arg28 : memref<!tpu.dma_semaphore, #tpu.memory_space<semaphore_mem>>)
      %sub3A = arith.constant 1 : i32
      %sub3A_622 = arith.subi %add3A_550, %sub3A : i32
      %mul3A_623 = arith.constant 8 : i32
      %mul3A_624 = arith.muli %sub3A_622, %mul3A_623 : i32
      %add3A_625 = arith.addi %mul3A_2, %mul3A_624 : i32
      %multiple_of3A_626 = tpu.assume_multiple %add3A_625, 8 : i32
      %dma_wait3A_627 = arith.constant 0 : i32
      %dma_wait3A_628 = arith.constant 0 : i32
      %dma_wait3A_629 = tpu.memref_slice %arg4[%dma_wait3A_627, %multiple_of3A_626, %dma_wait3A_628] : memref<4x4096x1024xf32, #tpu.memory_space<hbm>> -> memref<1x8x1024xf32, #tpu.memory_space<hbm>>
      %dma_wait3A_630 = tpu.memref_squeeze %dma_wait3A_629 : memref<1x8x1024xf32, #tpu.memory_space<hbm>> -> memref<8x1024xf32, #tpu.memory_space<hbm>>
      %dma_wait3A_631 = arith.constant 0 : i32
      %dma_wait3A_632 = tpu.memref_slice %arg4[%dma_wait3A_627, %multiple_of3A_626, %dma_wait3A_631] : memref<4x4096x1024xf32, #tpu.memory_space<hbm>> -> memref<1x8x1024xf32, #tpu.memory_space<hbm>>
      %dma_wait3A_633 = tpu.memref_squeeze %dma_wait3A_632 : memref<1x8x1024xf32, #tpu.memory_space<hbm>> -> memref<8x1024xf32, #tpu.memory_space<hbm>>
      tpu.wait_dma2 semaphore(%arg27 : memref<!tpu.dma_semaphore, #tpu.memory_space<semaphore_mem>>) src(%arg9 : memref<8x1024xf32, #tpu.memory_space<vmem>>) dst(%dma_wait3A_633 : memref<8x1024xf32, #tpu.memory_space<hbm>>)
      %dma_wait3A_634 = arith.constant 1 : i32
      %dma_wait3A_635 = arith.constant 0 : i32
      %dma_wait3A_636 = tpu.memref_slice %arg4[%dma_wait3A_634, %multiple_of3A_626, %dma_wait3A_635] : memref<4x4096x1024xf32, #tpu.memory_space<hbm>> -> memref<1x8x1024xf32, #tpu.memory_space<hbm>>
      %dma_wait3A_637 = tpu.memref_squeeze %dma_wait3A_636 : memref<1x8x1024xf32, #tpu.memory_space<hbm>> -> memref<8x1024xf32, #tpu.memory_space<hbm>>
      %dma_wait3A_638 = arith.constant 0 : i32
      %dma_wait3A_639 = tpu.memref_slice %arg4[%dma_wait3A_634, %multiple_of3A_626, %dma_wait3A_638] : memref<4x4096x1024xf32, #tpu.memory_space<hbm>> -> memref<1x8x1024xf32, #tpu.memory_space<hbm>>
      %dma_wait3A_640 = tpu.memref_squeeze %dma_wait3A_639 : memref<1x8x1024xf32, #tpu.memory_space<hbm>> -> memref<8x1024xf32, #tpu.memory_space<hbm>>
      tpu.wait_dma2 semaphore(%arg27 : memref<!tpu.dma_semaphore, #tpu.memory_space<semaphore_mem>>) src(%arg10 : memref<8x1024xf32, #tpu.memory_space<vmem>>) dst(%dma_wait3A_640 : memref<8x1024xf32, #tpu.memory_space<hbm>>)
      %dma_wait3A_641 = arith.constant 2 : i32
      %dma_wait3A_642 = arith.constant 0 : i32
      %dma_wait3A_643 = tpu.memref_slice %arg4[%dma_wait3A_641, %multiple_of3A_626, %dma_wait3A_642] : memref<4x4096x1024xf32, #tpu.memory_space<hbm>> -> memref<1x8x1024xf32, #tpu.memory_space<hbm>>
      %dma_wait3A_644 = tpu.memref_squeeze %dma_wait3A_643 : memref<1x8x1024xf32, #tpu.memory_space<hbm>> -> memref<8x1024xf32, #tpu.memory_space<hbm>>
      %dma_wait3A_645 = arith.constant 0 : i32
      %dma_wait3A_646 = tpu.memref_slice %arg4[%dma_wait3A_641, %multiple_of3A_626, %dma_wait3A_645] : memref<4x4096x1024xf32, #tpu.memory_space<hbm>> -> memref<1x8x1024xf32, #tpu.memory_space<hbm>>
      %dma_wait3A_647 = tpu.memref_squeeze %dma_wait3A_646 : memref<1x8x1024xf32, #tpu.memory_space<hbm>> -> memref<8x1024xf32, #tpu.memory_space<hbm>>
      tpu.wait_dma2 semaphore(%arg27 : memref<!tpu.dma_semaphore, #tpu.memory_space<semaphore_mem>>) src(%arg11 : memref<8x1024xf32, #tpu.memory_space<vmem>>) dst(%dma_wait3A_647 : memref<8x1024xf32, #tpu.memory_space<hbm>>)
      %dma_wait3A_648 = arith.constant 3 : i32
      %dma_wait3A_649 = arith.constant 0 : i32
      %dma_wait3A_650 = tpu.memref_slice %arg4[%dma_wait3A_648, %multiple_of3A_626, %dma_wait3A_649] : memref<4x4096x1024xf32, #tpu.memory_space<hbm>> -> memref<1x8x1024xf32, #tpu.memory_space<hbm>>
      %dma_wait3A_651 = tpu.memref_squeeze %dma_wait3A_650 : memref<1x8x1024xf32, #tpu.memory_space<hbm>> -> memref<8x1024xf32, #tpu.memory_space<hbm>>
      %dma_wait3A_652 = arith.constant 0 : i32
      %dma_wait3A_653 = tpu.memref_slice %arg4[%dma_wait3A_648, %multiple_of3A_626, %dma_wait3A_652] : memref<4x4096x1024xf32, #tpu.memory_space<hbm>> -> memref<1x8x1024xf32, #tpu.memory_space<hbm>>
      %dma_wait3A_654 = tpu.memref_squeeze %dma_wait3A_653 : memref<1x8x1024xf32, #tpu.memory_space<hbm>> -> memref<8x1024xf32, #tpu.memory_space<hbm>>
      tpu.wait_dma2 semaphore(%arg27 : memref<!tpu.dma_semaphore, #tpu.memory_space<semaphore_mem>>) src(%arg12 : memref<8x1024xf32, #tpu.memory_space<vmem>>) dst(%dma_wait3A_654 : memref<8x1024xf32, #tpu.memory_space<hbm>>)
      %add3A_655 = arith.constant 3 : i32
      %add3A_656 = arith.addi %add3A_550, %add3A_655 : i32
      %sub3A_657 = arith.constant 1 : i32
      %sub3A_658 = arith.subi %add3A_656, %sub3A_657 : i32
      %mul3A_659 = arith.constant 8 : i32
      %mul3A_660 = arith.muli %sub3A_658, %mul3A_659 : i32
      %add3A_661 = arith.addi %mul3A_2, %mul3A_660 : i32
      %multiple_of3A_662 = tpu.assume_multiple %add3A_661, 8 : i32
      %dma_start3A_663 = arith.constant 0 : i32
      %dma_start3A_664 = tpu.memref_slice %arg3[%multiple_of3A_662, %dma_start3A_663] : memref<8192x1024xf32, #tpu.memory_space<hbm>> -> memref<8x1024xf32, #tpu.memory_space<hbm>>
      %dma_start3A_665 = arith.constant 0 : i32
      %dma_start3A_666 = tpu.memref_slice %arg3[%multiple_of3A_662, %dma_start3A_665] : memref<8192x1024xf32, #tpu.memory_space<hbm>> -> memref<8x1024xf32, #tpu.memory_space<hbm>>
      tpu.enqueue_dma source(%dma_start3A_666 : memref<8x1024xf32, #tpu.memory_space<hbm>>) target(%arg18 : memref<8x1024xf32, #tpu.memory_space<vmem>>) target_semaphore(%arg24 : memref<!tpu.dma_semaphore, #tpu.memory_space<semaphore_mem>>)
      %dma_start3A_667 = arith.constant 0 : i32
      %dma_start3A_668 = arith.constant 0 : i32
      %dma_start3A_669 = tpu.memref_slice %arg2[%dma_start3A_667, %multiple_of3A_662, %dma_start3A_668] : memref<4x4096x1024xf32, #tpu.memory_space<hbm>> -> memref<1x8x1024xf32, #tpu.memory_space<hbm>>
      %dma_start3A_670 = tpu.memref_squeeze %dma_start3A_669 : memref<1x8x1024xf32, #tpu.memory_space<hbm>> -> memref<8x1024xf32, #tpu.memory_space<hbm>>
      %dma_start3A_671 = arith.constant 0 : i32
      %dma_start3A_672 = tpu.memref_slice %arg2[%dma_start3A_667, %multiple_of3A_662, %dma_start3A_671] : memref<4x4096x1024xf32, #tpu.memory_space<hbm>> -> memref<1x8x1024xf32, #tpu.memory_space<hbm>>
      %dma_start3A_673 = tpu.memref_squeeze %dma_start3A_672 : memref<1x8x1024xf32, #tpu.memory_space<hbm>> -> memref<8x1024xf32, #tpu.memory_space<hbm>>
      tpu.enqueue_dma source(%dma_start3A_673 : memref<8x1024xf32, #tpu.memory_space<hbm>>) target(%arg9 : memref<8x1024xf32, #tpu.memory_space<vmem>>) target_semaphore(%arg21 : memref<!tpu.dma_semaphore, #tpu.memory_space<semaphore_mem>>)
      %dma_start3A_674 = arith.constant 1 : i32
      %dma_start3A_675 = arith.constant 0 : i32
      %dma_start3A_676 = tpu.memref_slice %arg2[%dma_start3A_674, %multiple_of3A_662, %dma_start3A_675] : memref<4x4096x1024xf32, #tpu.memory_space<hbm>> -> memref<1x8x1024xf32, #tpu.memory_space<hbm>>
      %dma_start3A_677 = tpu.memref_squeeze %dma_start3A_676 : memref<1x8x1024xf32, #tpu.memory_space<hbm>> -> memref<8x1024xf32, #tpu.memory_space<hbm>>
      %dma_start3A_678 = arith.constant 0 : i32
      %dma_start3A_679 = tpu.memref_slice %arg2[%dma_start3A_674, %multiple_of3A_662, %dma_start3A_678] : memref<4x4096x1024xf32, #tpu.memory_space<hbm>> -> memref<1x8x1024xf32, #tpu.memory_space<hbm>>
      %dma_start3A_680 = tpu.memref_squeeze %dma_start3A_679 : memref<1x8x1024xf32, #tpu.memory_space<hbm>> -> memref<8x1024xf32, #tpu.memory_space<hbm>>
      tpu.enqueue_dma source(%dma_start3A_680 : memref<8x1024xf32, #tpu.memory_space<hbm>>) target(%arg10 : memref<8x1024xf32, #tpu.memory_space<vmem>>) target_semaphore(%arg21 : memref<!tpu.dma_semaphore, #tpu.memory_space<semaphore_mem>>)
      %dma_start3A_681 = arith.constant 2 : i32
      %dma_start3A_682 = arith.constant 0 : i32
      %dma_start3A_683 = tpu.memref_slice %arg2[%dma_start3A_681, %multiple_of3A_662, %dma_start3A_682] : memref<4x4096x1024xf32, #tpu.memory_space<hbm>> -> memref<1x8x1024xf32, #tpu.memory_space<hbm>>
      %dma_start3A_684 = tpu.memref_squeeze %dma_start3A_683 : memref<1x8x1024xf32, #tpu.memory_space<hbm>> -> memref<8x1024xf32, #tpu.memory_space<hbm>>
      %dma_start3A_685 = arith.constant 0 : i32
      %dma_start3A_686 = tpu.memref_slice %arg2[%dma_start3A_681, %multiple_of3A_662, %dma_start3A_685] : memref<4x4096x1024xf32, #tpu.memory_space<hbm>> -> memref<1x8x1024xf32, #tpu.memory_space<hbm>>
      %dma_start3A_687 = tpu.memref_squeeze %dma_start3A_686 : memref<1x8x1024xf32, #tpu.memory_space<hbm>> -> memref<8x1024xf32, #tpu.memory_space<hbm>>
      tpu.enqueue_dma source(%dma_start3A_687 : memref<8x1024xf32, #tpu.memory_space<hbm>>) target(%arg11 : memref<8x1024xf32, #tpu.memory_space<vmem>>) target_semaphore(%arg21 : memref<!tpu.dma_semaphore, #tpu.memory_space<semaphore_mem>>)
      %dma_start3A_688 = arith.constant 3 : i32
      %dma_start3A_689 = arith.constant 0 : i32
      %dma_start3A_690 = tpu.memref_slice %arg2[%dma_start3A_688, %multiple_of3A_662, %dma_start3A_689] : memref<4x4096x1024xf32, #tpu.memory_space<hbm>> -> memref<1x8x1024xf32, #tpu.memory_space<hbm>>
      %dma_start3A_691 = tpu.memref_squeeze %dma_start3A_690 : memref<1x8x1024xf32, #tpu.memory_space<hbm>> -> memref<8x1024xf32, #tpu.memory_space<hbm>>
      %dma_start3A_692 = arith.constant 0 : i32
      %dma_start3A_693 = tpu.memref_slice %arg2[%dma_start3A_688, %multiple_of3A_662, %dma_start3A_692] : memref<4x4096x1024xf32, #tpu.memory_space<hbm>> -> memref<1x8x1024xf32, #tpu.memory_space<hbm>>
      %dma_start3A_694 = tpu.memref_squeeze %dma_start3A_693 : memref<1x8x1024xf32, #tpu.memory_space<hbm>> -> memref<8x1024xf32, #tpu.memory_space<hbm>>
      tpu.enqueue_dma source(%dma_start3A_694 : memref<8x1024xf32, #tpu.memory_space<hbm>>) target(%arg12 : memref<8x1024xf32, #tpu.memory_space<vmem>>) target_semaphore(%arg21 : memref<!tpu.dma_semaphore, #tpu.memory_space<semaphore_mem>>)
      %mul3A_695 = arith.constant 3 : i32
      %mul3A_696 = arith.muli %scan3A_544, %mul3A_695 : i32
      %add3A_697 = arith.constant 2 : i32
      %add3A_698 = arith.addi %add3A_697, %mul3A_696 : i32
      %add3A_699 = arith.constant 1 : i32
      %add3A_700 = arith.addi %add3A_698, %add3A_699 : i32
      %mul3A_701 = arith.constant 8 : i32
      %mul3A_702 = arith.muli %add3A_700, %mul3A_701 : i32
      %add3A_703 = arith.addi %mul3A_2, %mul3A_702 : i32
      %multiple_of3A_704 = tpu.assume_multiple %add3A_703, 8 : i32
      %dma_wait3A_705 = arith.constant 0 : i32
      %dma_wait3A_706 = tpu.memref_slice %arg3[%multiple_of3A_704, %dma_wait3A_705] : memref<8192x1024xf32, #tpu.memory_space<hbm>> -> memref<8x1024xf32, #tpu.memory_space<hbm>>
      %dma_wait3A_707 = arith.constant 0 : i32
      %dma_wait3A_708 = tpu.memref_slice %arg3[%multiple_of3A_704, %dma_wait3A_707] : memref<8192x1024xf32, #tpu.memory_space<hbm>> -> memref<8x1024xf32, #tpu.memory_space<hbm>>
      tpu.wait_dma2 semaphore(%arg23 : memref<!tpu.dma_semaphore, #tpu.memory_space<semaphore_mem>>) src(%dma_wait3A_708 : memref<8x1024xf32, #tpu.memory_space<hbm>>) dst(%arg17 : memref<8x1024xf32, #tpu.memory_space<vmem>>)
      %dma_wait3A_709 = arith.constant 0 : i32
      %dma_wait3A_710 = arith.constant 0 : i32
      %dma_wait3A_711 = tpu.memref_slice %arg2[%dma_wait3A_709, %multiple_of3A_704, %dma_wait3A_710] : memref<4x4096x1024xf32, #tpu.memory_space<hbm>> -> memref<1x8x1024xf32, #tpu.memory_space<hbm>>
      %dma_wait3A_712 = tpu.memref_squeeze %dma_wait3A_711 : memref<1x8x1024xf32, #tpu.memory_space<hbm>> -> memref<8x1024xf32, #tpu.memory_space<hbm>>
      %dma_wait3A_713 = arith.constant 0 : i32
      %dma_wait3A_714 = tpu.memref_slice %arg2[%dma_wait3A_709, %multiple_of3A_704, %dma_wait3A_713] : memref<4x4096x1024xf32, #tpu.memory_space<hbm>> -> memref<1x8x1024xf32, #tpu.memory_space<hbm>>
      %dma_wait3A_715 = tpu.memref_squeeze %dma_wait3A_714 : memref<1x8x1024xf32, #tpu.memory_space<hbm>> -> memref<8x1024xf32, #tpu.memory_space<hbm>>
      tpu.wait_dma2 semaphore(%arg20 : memref<!tpu.dma_semaphore, #tpu.memory_space<semaphore_mem>>) src(%dma_wait3A_715 : memref<8x1024xf32, #tpu.memory_space<hbm>>) dst(%arg5 : memref<8x1024xf32, #tpu.memory_space<vmem>>)
      %dma_wait3A_716 = arith.constant 1 : i32
      %dma_wait3A_717 = arith.constant 0 : i32
      %dma_wait3A_718 = tpu.memref_slice %arg2[%dma_wait3A_716, %multiple_of3A_704, %dma_wait3A_717] : memref<4x4096x1024xf32, #tpu.memory_space<hbm>> -> memref<1x8x1024xf32, #tpu.memory_space<hbm>>
      %dma_wait3A_719 = tpu.memref_squeeze %dma_wait3A_718 : memref<1x8x1024xf32, #tpu.memory_space<hbm>> -> memref<8x1024xf32, #tpu.memory_space<hbm>>
      %dma_wait3A_720 = arith.constant 0 : i32
      %dma_wait3A_721 = tpu.memref_slice %arg2[%dma_wait3A_716, %multiple_of3A_704, %dma_wait3A_720] : memref<4x4096x1024xf32, #tpu.memory_space<hbm>> -> memref<1x8x1024xf32, #tpu.memory_space<hbm>>
      %dma_wait3A_722 = tpu.memref_squeeze %dma_wait3A_721 : memref<1x8x1024xf32, #tpu.memory_space<hbm>> -> memref<8x1024xf32, #tpu.memory_space<hbm>>
      tpu.wait_dma2 semaphore(%arg20 : memref<!tpu.dma_semaphore, #tpu.memory_space<semaphore_mem>>) src(%dma_wait3A_722 : memref<8x1024xf32, #tpu.memory_space<hbm>>) dst(%arg6 : memref<8x1024xf32, #tpu.memory_space<vmem>>)
      %dma_wait3A_723 = arith.constant 2 : i32
      %dma_wait3A_724 = arith.constant 0 : i32
      %dma_wait3A_725 = tpu.memref_slice %arg2[%dma_wait3A_723, %multiple_of3A_704, %dma_wait3A_724] : memref<4x4096x1024xf32, #tpu.memory_space<hbm>> -> memref<1x8x1024xf32, #tpu.memory_space<hbm>>
      %dma_wait3A_726 = tpu.memref_squeeze %dma_wait3A_725 : memref<1x8x1024xf32, #tpu.memory_space<hbm>> -> memref<8x1024xf32, #tpu.memory_space<hbm>>
      %dma_wait3A_727 = arith.constant 0 : i32
      %dma_wait3A_728 = tpu.memref_slice %arg2[%dma_wait3A_723, %multiple_of3A_704, %dma_wait3A_727] : memref<4x4096x1024xf32, #tpu.memory_space<hbm>> -> memref<1x8x1024xf32, #tpu.memory_space<hbm>>
      %dma_wait3A_729 = tpu.memref_squeeze %dma_wait3A_728 : memref<1x8x1024xf32, #tpu.memory_space<hbm>> -> memref<8x1024xf32, #tpu.memory_space<hbm>>
      tpu.wait_dma2 semaphore(%arg20 : memref<!tpu.dma_semaphore, #tpu.memory_space<semaphore_mem>>) src(%dma_wait3A_729 : memref<8x1024xf32, #tpu.memory_space<hbm>>) dst(%arg7 : memref<8x1024xf32, #tpu.memory_space<vmem>>)
      %dma_wait3A_730 = arith.constant 3 : i32
      %dma_wait3A_731 = arith.constant 0 : i32
      %dma_wait3A_732 = tpu.memref_slice %arg2[%dma_wait3A_730, %multiple_of3A_704, %dma_wait3A_731] : memref<4x4096x1024xf32, #tpu.memory_space<hbm>> -> memref<1x8x1024xf32, #tpu.memory_space<hbm>>
      %dma_wait3A_733 = tpu.memref_squeeze %dma_wait3A_732 : memref<1x8x1024xf32, #tpu.memory_space<hbm>> -> memref<8x1024xf32, #tpu.memory_space<hbm>>
      %dma_wait3A_734 = arith.constant 0 : i32
      %dma_wait3A_735 = tpu.memref_slice %arg2[%dma_wait3A_730, %multiple_of3A_704, %dma_wait3A_734] : memref<4x4096x1024xf32, #tpu.memory_space<hbm>> -> memref<1x8x1024xf32, #tpu.memory_space<hbm>>
      %dma_wait3A_736 = tpu.memref_squeeze %dma_wait3A_735 : memref<1x8x1024xf32, #tpu.memory_space<hbm>> -> memref<8x1024xf32, #tpu.memory_space<hbm>>
      tpu.wait_dma2 semaphore(%arg20 : memref<!tpu.dma_semaphore, #tpu.memory_space<semaphore_mem>>) src(%dma_wait3A_736 : memref<8x1024xf32, #tpu.memory_space<hbm>>) dst(%arg8 : memref<8x1024xf32, #tpu.memory_space<vmem>>)
      %parallel_loop3A_737 = arith.constant 0 : i32
      %parallel_loop3A_738 = arith.constant 512 : i32
      %parallel_loop3A_739 = arith.constant 1 : i32
      scf.for %parallel_loop3A_997 = %parallel_loop3A_737 to %parallel_loop3A_738 step %parallel_loop3A_739  : i32 {
        %parallel_loop3A_998 = arith.constant 64 : i32
        %parallel_loop3A_999 = arith.divsi %parallel_loop3A_997, %parallel_loop3A_998 : i32
        %parallel_loop3A_1000 = arith.constant 0 : i32
        %parallel_loop3A_1001 = arith.cmpi sgt, %parallel_loop3A_997, %parallel_loop3A_1000 : i32
        %parallel_loop3A_1002 = arith.extui %parallel_loop3A_1001 : i1 to i32
        %parallel_loop3A_1003 = arith.constant 0 : i32
        %parallel_loop3A_1004 = arith.cmpi slt, %parallel_loop3A_997, %parallel_loop3A_1003 : i32
        %parallel_loop3A_1005 = arith.extui %parallel_loop3A_1004 : i1 to i32
        %parallel_loop3A_1006 = arith.subi %parallel_loop3A_1002, %parallel_loop3A_1005 : i32
        %parallel_loop3A_1007 = arith.constant 0 : i32
        %parallel_loop3A_1008 = arith.cmpi sgt, %parallel_loop3A_998, %parallel_loop3A_1007 : i32
        %parallel_loop3A_1009 = arith.extui %parallel_loop3A_1008 : i1 to i32
        %parallel_loop3A_1010 = arith.constant 0 : i32
        %parallel_loop3A_1011 = arith.cmpi slt, %parallel_loop3A_998, %parallel_loop3A_1010 : i32
        %parallel_loop3A_1012 = arith.extui %parallel_loop3A_1011 : i1 to i32
        %parallel_loop3A_1013 = arith.subi %parallel_loop3A_1009, %parallel_loop3A_1012 : i32
        %parallel_loop3A_1014 = arith.cmpi ne, %parallel_loop3A_1006, %parallel_loop3A_1013 : i32
        %parallel_loop3A_1015 = arith.remsi %parallel_loop3A_997, %parallel_loop3A_998 : i32
        %parallel_loop3A_1016 = arith.constant 0 : i32
        %parallel_loop3A_1017 = arith.cmpi ne, %parallel_loop3A_1015, %parallel_loop3A_1016 : i32
        %parallel_loop3A_1018 = arith.andi %parallel_loop3A_1014, %parallel_loop3A_1017 : i1
        %parallel_loop3A_1019 = arith.constant 1 : i32
        %parallel_loop3A_1020 = arith.subi %parallel_loop3A_999, %parallel_loop3A_1019 : i32
        %parallel_loop3A_1021 = arith.select %parallel_loop3A_1018, %parallel_loop3A_1020, %parallel_loop3A_999 : i32
        %parallel_loop3A_1022 = arith.constant 64 : i32
        %parallel_loop3A_1023 = arith.constant 0 : i32
        %parallel_loop3A_1024 = arith.cmpi eq, %parallel_loop3A_1022, %parallel_loop3A_1023 : i32
        %parallel_loop3A_1025 = arith.constant 1 : i32
        %parallel_loop3A_1026 = arith.select %parallel_loop3A_1024, %parallel_loop3A_1025, %parallel_loop3A_1022 : i32
        %parallel_loop3A_1027 = arith.remsi %parallel_loop3A_997, %parallel_loop3A_1026 : i32
        %parallel_loop3A_1028 = arith.constant 0 : i32
        %parallel_loop3A_1029 = arith.cmpi ne, %parallel_loop3A_1027, %parallel_loop3A_1028 : i32
        %parallel_loop3A_1030 = arith.constant 0 : i32
        %parallel_loop3A_1031 = arith.cmpi slt, %parallel_loop3A_1027, %parallel_loop3A_1030 : i32
        %parallel_loop3A_1032 = arith.constant 0 : i32
        %parallel_loop3A_1033 = arith.cmpi slt, %parallel_loop3A_1026, %parallel_loop3A_1032 : i32
        %parallel_loop3A_1034 = arith.xori %parallel_loop3A_1031, %parallel_loop3A_1033 : i1
        %parallel_loop3A_1035 = arith.andi %parallel_loop3A_1034, %parallel_loop3A_1029 : i1
        %parallel_loop3A_1036 = arith.addi %parallel_loop3A_1027, %parallel_loop3A_1026 : i32
        %parallel_loop3A_1037 = arith.select %parallel_loop3A_1035, %parallel_loop3A_1036, %parallel_loop3A_1027 : i32
        %parallel_loop3A_1038 = arith.constant 16 : i32
        %parallel_loop3A_1039 = arith.muli %parallel_loop3A_1037, %parallel_loop3A_1038 : i32
        %parallel_loop3A_1040 = arith.index_cast %parallel_loop3A_1021 : i32 to index
        %parallel_loop3A_1041 = arith.index_cast %parallel_loop3A_1039 : i32 to index
        %parallel_loop3A_1042 = tpu.vector_load %arg17[%parallel_loop3A_1040, %parallel_loop3A_1041] {strides = array<i32>} : memref<8x1024xf32, #tpu.memory_space<vmem>>, vector<1x16xf32>,
        %parallel_loop3A_1043 = vector.shape_cast %parallel_loop3A_1042 : vector<1x16xf32> to vector<16xf32>
        %parallel_loop3A_1044 = arith.index_cast %parallel_loop3A_1021 : i32 to index
        %parallel_loop3A_1045 = arith.index_cast %parallel_loop3A_1039 : i32 to index
        %parallel_loop3A_1046 = tpu.vector_load %arg5[%parallel_loop3A_1044, %parallel_loop3A_1045] {strides = array<i32>} : memref<8x1024xf32, #tpu.memory_space<vmem>>, vector<1x16xf32>,
        %parallel_loop3A_1047 = vector.shape_cast %parallel_loop3A_1046 : vector<1x16xf32> to vector<16xf32>
        %parallel_loop3A_1048 = vector.shape_cast %parallel_loop3A_1043 : vector<16xf32> to vector<1x16xf32>
        tpu.vector_store %arg5[%parallel_loop3A_1044, %parallel_loop3A_1045], %parallel_loop3A_1048 {add = true, strides = array<i32>} : memref<8x1024xf32, #tpu.memory_space<vmem>>, vector<1x16xf32>,
        %parallel_loop3A_1049 = arith.index_cast %parallel_loop3A_1021 : i32 to index
        %parallel_loop3A_1050 = arith.index_cast %parallel_loop3A_1039 : i32 to index
        %parallel_loop3A_1051 = tpu.vector_load %arg6[%parallel_loop3A_1049, %parallel_loop3A_1050] {strides = array<i32>} : memref<8x1024xf32, #tpu.memory_space<vmem>>, vector<1x16xf32>,
        %parallel_loop3A_1052 = vector.shape_cast %parallel_loop3A_1051 : vector<1x16xf32> to vector<16xf32>
        %parallel_loop3A_1053 = vector.shape_cast %parallel_loop3A_1043 : vector<16xf32> to vector<1x16xf32>
        tpu.vector_store %arg6[%parallel_loop3A_1049, %parallel_loop3A_1050], %parallel_loop3A_1053 {add = true, strides = array<i32>} : memref<8x1024xf32, #tpu.memory_space<vmem>>, vector<1x16xf32>,
        %parallel_loop3A_1054 = arith.index_cast %parallel_loop3A_1021 : i32 to index
        %parallel_loop3A_1055 = arith.index_cast %parallel_loop3A_1039 : i32 to index
        %parallel_loop3A_1056 = tpu.vector_load %arg7[%parallel_loop3A_1054, %parallel_loop3A_1055] {strides = array<i32>} : memref<8x1024xf32, #tpu.memory_space<vmem>>, vector<1x16xf32>,
        %parallel_loop3A_1057 = vector.shape_cast %parallel_loop3A_1056 : vector<1x16xf32> to vector<16xf32>
        %parallel_loop3A_1058 = vector.shape_cast %parallel_loop3A_1043 : vector<16xf32> to vector<1x16xf32>
        tpu.vector_store %arg7[%parallel_loop3A_1054, %parallel_loop3A_1055], %parallel_loop3A_1058 {add = true, strides = array<i32>} : memref<8x1024xf32, #tpu.memory_space<vmem>>, vector<1x16xf32>,
        %parallel_loop3A_1059 = arith.index_cast %parallel_loop3A_1021 : i32 to index
        %parallel_loop3A_1060 = arith.index_cast %parallel_loop3A_1039 : i32 to index
        %parallel_loop3A_1061 = tpu.vector_load %arg8[%parallel_loop3A_1059, %parallel_loop3A_1060] {strides = array<i32>} : memref<8x1024xf32, #tpu.memory_space<vmem>>, vector<1x16xf32>,
        %parallel_loop3A_1062 = vector.shape_cast %parallel_loop3A_1061 : vector<1x16xf32> to vector<16xf32>
        %parallel_loop3A_1063 = vector.shape_cast %parallel_loop3A_1043 : vector<16xf32> to vector<1x16xf32>
        tpu.vector_store %arg8[%parallel_loop3A_1059, %parallel_loop3A_1060], %parallel_loop3A_1063 {add = true, strides = array<i32>} : memref<8x1024xf32, #tpu.memory_space<vmem>>, vector<1x16xf32>,
      } {sc.loop_unroll_factor = 2 : i64, sc.parallel_access}
      %mul3A_740 = arith.constant 8 : i32
      %mul3A_741 = arith.muli %add3A_700, %mul3A_740 : i32
      %add3A_742 = arith.addi %mul3A_2, %mul3A_741 : i32
      %multiple_of3A_743 = tpu.assume_multiple %add3A_742, 8 : i32
      %dma_start3A_744 = arith.constant 0 : i32
      %dma_start3A_745 = arith.constant 0 : i32
      %dma_start3A_746 = tpu.memref_slice %arg4[%dma_start3A_744, %multiple_of3A_743, %dma_start3A_745] : memref<4x4096x1024xf32, #tpu.memory_space<hbm>> -> memref<1x8x1024xf32, #tpu.memory_space<hbm>>
      %dma_start3A_747 = tpu.memref_squeeze %dma_start3A_746 : memref<1x8x1024xf32, #tpu.memory_space<hbm>> -> memref<8x1024xf32, #tpu.memory_space<hbm>>
      %dma_start3A_748 = arith.constant 0 : i32
      %dma_start3A_749 = tpu.memref_slice %arg4[%dma_start3A_744, %multiple_of3A_743, %dma_start3A_748] : memref<4x4096x1024xf32, #tpu.memory_space<hbm>> -> memref<1x8x1024xf32, #tpu.memory_space<hbm>>
      %dma_start3A_750 = tpu.memref_squeeze %dma_start3A_749 : memref<1x8x1024xf32, #tpu.memory_space<hbm>> -> memref<8x1024xf32, #tpu.memory_space<hbm>>
      tpu.enqueue_dma source(%arg5 : memref<8x1024xf32, #tpu.memory_space<vmem>>) target(%dma_start3A_750 : memref<8x1024xf32, #tpu.memory_space<hbm>>) target_semaphore(%arg26 : memref<!tpu.dma_semaphore, #tpu.memory_space<semaphore_mem>>)
      %dma_start3A_751 = arith.constant 1 : i32
      %dma_start3A_752 = arith.constant 0 : i32
      %dma_start3A_753 = tpu.memref_slice %arg4[%dma_start3A_751, %multiple_of3A_743, %dma_start3A_752] : memref<4x4096x1024xf32, #tpu.memory_space<hbm>> -> memref<1x8x1024xf32, #tpu.memory_space<hbm>>
      %dma_start3A_754 = tpu.memref_squeeze %dma_start3A_753 : memref<1x8x1024xf32, #tpu.memory_space<hbm>> -> memref<8x1024xf32, #tpu.memory_space<hbm>>
      %dma_start3A_755 = arith.constant 0 : i32
      %dma_start3A_756 = tpu.memref_slice %arg4[%dma_start3A_751, %multiple_of3A_743, %dma_start3A_755] : memref<4x4096x1024xf32, #tpu.memory_space<hbm>> -> memref<1x8x1024xf32, #tpu.memory_space<hbm>>
      %dma_start3A_757 = tpu.memref_squeeze %dma_start3A_756 : memref<1x8x1024xf32, #tpu.memory_space<hbm>> -> memref<8x1024xf32, #tpu.memory_space<hbm>>
      tpu.enqueue_dma source(%arg6 : memref<8x1024xf32, #tpu.memory_space<vmem>>) target(%dma_start3A_757 : memref<8x1024xf32, #tpu.memory_space<hbm>>) target_semaphore(%arg26 : memref<!tpu.dma_semaphore, #tpu.memory_space<semaphore_mem>>)
      %dma_start3A_758 = arith.constant 2 : i32
      %dma_start3A_759 = arith.constant 0 : i32
      %dma_start3A_760 = tpu.memref_slice %arg4[%dma_start3A_758, %multiple_of3A_743, %dma_start3A_759] : memref<4x4096x1024xf32, #tpu.memory_space<hbm>> -> memref<1x8x1024xf32, #tpu.memory_space<hbm>>
      %dma_start3A_761 = tpu.memref_squeeze %dma_start3A_760 : memref<1x8x1024xf32, #tpu.memory_space<hbm>> -> memref<8x1024xf32, #tpu.memory_space<hbm>>
      %dma_start3A_762 = arith.constant 0 : i32
      %dma_start3A_763 = tpu.memref_slice %arg4[%dma_start3A_758, %multiple_of3A_743, %dma_start3A_762] : memref<4x4096x1024xf32, #tpu.memory_space<hbm>> -> memref<1x8x1024xf32, #tpu.memory_space<hbm>>
      %dma_start3A_764 = tpu.memref_squeeze %dma_start3A_763 : memref<1x8x1024xf32, #tpu.memory_space<hbm>> -> memref<8x1024xf32, #tpu.memory_space<hbm>>
      tpu.enqueue_dma source(%arg7 : memref<8x1024xf32, #tpu.memory_space<vmem>>) target(%dma_start3A_764 : memref<8x1024xf32, #tpu.memory_space<hbm>>) target_semaphore(%arg26 : memref<!tpu.dma_semaphore, #tpu.memory_space<semaphore_mem>>)
      %dma_start3A_765 = arith.constant 3 : i32
      %dma_start3A_766 = arith.constant 0 : i32
      %dma_start3A_767 = tpu.memref_slice %arg4[%dma_start3A_765, %multiple_of3A_743, %dma_start3A_766] : memref<4x4096x1024xf32, #tpu.memory_space<hbm>> -> memref<1x8x1024xf32, #tpu.memory_space<hbm>>
      %dma_start3A_768 = tpu.memref_squeeze %dma_start3A_767 : memref<1x8x1024xf32, #tpu.memory_space<hbm>> -> memref<8x1024xf32, #tpu.memory_space<hbm>>
      %dma_start3A_769 = arith.constant 0 : i32
      %dma_start3A_770 = tpu.memref_slice %arg4[%dma_start3A_765, %multiple_of3A_743, %dma_start3A_769] : memref<4x4096x1024xf32, #tpu.memory_space<hbm>> -> memref<1x8x1024xf32, #tpu.memory_space<hbm>>
      %dma_start3A_771 = tpu.memref_squeeze %dma_start3A_770 : memref<1x8x1024xf32, #tpu.memory_space<hbm>> -> memref<8x1024xf32, #tpu.memory_space<hbm>>
      tpu.enqueue_dma source(%arg8 : memref<8x1024xf32, #tpu.memory_space<vmem>>) target(%dma_start3A_771 : memref<8x1024xf32, #tpu.memory_space<hbm>>) target_semaphore(%arg26 : memref<!tpu.dma_semaphore, #tpu.memory_space<semaphore_mem>>)
      %sub3A_772 = arith.constant 1 : i32
      %sub3A_773 = arith.subi %add3A_700, %sub3A_772 : i32
      %mul3A_774 = arith.constant 8 : i32
      %mul3A_775 = arith.muli %sub3A_773, %mul3A_774 : i32
      %add3A_776 = arith.addi %mul3A_2, %mul3A_775 : i32
      %multiple_of3A_777 = tpu.assume_multiple %add3A_776, 8 : i32
      %dma_wait3A_778 = arith.constant 0 : i32
      %dma_wait3A_779 = arith.constant 0 : i32
      %dma_wait3A_780 = tpu.memref_slice %arg4[%dma_wait3A_778, %multiple_of3A_777, %dma_wait3A_779] : memref<4x4096x1024xf32, #tpu.memory_space<hbm>> -> memref<1x8x1024xf32, #tpu.memory_space<hbm>>
      %dma_wait3A_781 = tpu.memref_squeeze %dma_wait3A_780 : memref<1x8x1024xf32, #tpu.memory_space<hbm>> -> memref<8x1024xf32, #tpu.memory_space<hbm>>
      %dma_wait3A_782 = arith.constant 0 : i32
      %dma_wait3A_783 = tpu.memref_slice %arg4[%dma_wait3A_778, %multiple_of3A_777, %dma_wait3A_782] : memref<4x4096x1024xf32, #tpu.memory_space<hbm>> -> memref<1x8x1024xf32, #tpu.memory_space<hbm>>
      %dma_wait3A_784 = tpu.memref_squeeze %dma_wait3A_783 : memref<1x8x1024xf32, #tpu.memory_space<hbm>> -> memref<8x1024xf32, #tpu.memory_space<hbm>>
      tpu.wait_dma2 semaphore(%arg28 : memref<!tpu.dma_semaphore, #tpu.memory_space<semaphore_mem>>) src(%arg13 : memref<8x1024xf32, #tpu.memory_space<vmem>>) dst(%dma_wait3A_784 : memref<8x1024xf32, #tpu.memory_space<hbm>>)
      %dma_wait3A_785 = arith.constant 1 : i32
      %dma_wait3A_786 = arith.constant 0 : i32
      %dma_wait3A_787 = tpu.memref_slice %arg4[%dma_wait3A_785, %multiple_of3A_777, %dma_wait3A_786] : memref<4x4096x1024xf32, #tpu.memory_space<hbm>> -> memref<1x8x1024xf32, #tpu.memory_space<hbm>>
      %dma_wait3A_788 = tpu.memref_squeeze %dma_wait3A_787 : memref<1x8x1024xf32, #tpu.memory_space<hbm>> -> memref<8x1024xf32, #tpu.memory_space<hbm>>
      %dma_wait3A_789 = arith.constant 0 : i32
      %dma_wait3A_790 = tpu.memref_slice %arg4[%dma_wait3A_785, %multiple_of3A_777, %dma_wait3A_789] : memref<4x4096x1024xf32, #tpu.memory_space<hbm>> -> memref<1x8x1024xf32, #tpu.memory_space<hbm>>
      %dma_wait3A_791 = tpu.memref_squeeze %dma_wait3A_790 : memref<1x8x1024xf32, #tpu.memory_space<hbm>> -> memref<8x1024xf32, #tpu.memory_space<hbm>>
      tpu.wait_dma2 semaphore(%arg28 : memref<!tpu.dma_semaphore, #tpu.memory_space<semaphore_mem>>) src(%arg14 : memref<8x1024xf32, #tpu.memory_space<vmem>>) dst(%dma_wait3A_791 : memref<8x1024xf32, #tpu.memory_space<hbm>>)
      %dma_wait3A_792 = arith.constant 2 : i32
      %dma_wait3A_793 = arith.constant 0 : i32
      %dma_wait3A_794 = tpu.memref_slice %arg4[%dma_wait3A_792, %multiple_of3A_777, %dma_wait3A_793] : memref<4x4096x1024xf32, #tpu.memory_space<hbm>> -> memref<1x8x1024xf32, #tpu.memory_space<hbm>>
      %dma_wait3A_795 = tpu.memref_squeeze %dma_wait3A_794 : memref<1x8x1024xf32, #tpu.memory_space<hbm>> -> memref<8x1024xf32, #tpu.memory_space<hbm>>
      %dma_wait3A_796 = arith.constant 0 : i32
      %dma_wait3A_797 = tpu.memref_slice %arg4[%dma_wait3A_792, %multiple_of3A_777, %dma_wait3A_796] : memref<4x4096x1024xf32, #tpu.memory_space<hbm>> -> memref<1x8x1024xf32, #tpu.memory_space<hbm>>
      %dma_wait3A_798 = tpu.memref_squeeze %dma_wait3A_797 : memref<1x8x1024xf32, #tpu.memory_space<hbm>> -> memref<8x1024xf32, #tpu.memory_space<hbm>>
      tpu.wait_dma2 semaphore(%arg28 : memref<!tpu.dma_semaphore, #tpu.memory_space<semaphore_mem>>) src(%arg15 : memref<8x1024xf32, #tpu.memory_space<vmem>>) dst(%dma_wait3A_798 : memref<8x1024xf32, #tpu.memory_space<hbm>>)
      %dma_wait3A_799 = arith.constant 3 : i32
      %dma_wait3A_800 = arith.constant 0 : i32
      %dma_wait3A_801 = tpu.memref_slice %arg4[%dma_wait3A_799, %multiple_of3A_777, %dma_wait3A_800] : memref<4x4096x1024xf32, #tpu.memory_space<hbm>> -> memref<1x8x1024xf32, #tpu.memory_space<hbm>>
      %dma_wait3A_802 = tpu.memref_squeeze %dma_wait3A_801 : memref<1x8x1024xf32, #tpu.memory_space<hbm>> -> memref<8x1024xf32, #tpu.memory_space<hbm>>
      %dma_wait3A_803 = arith.constant 0 : i32
      %dma_wait3A_804 = tpu.memref_slice %arg4[%dma_wait3A_799, %multiple_of3A_777, %dma_wait3A_803] : memref<4x4096x1024xf32, #tpu.memory_space<hbm>> -> memref<1x8x1024xf32, #tpu.memory_space<hbm>>
      %dma_wait3A_805 = tpu.memref_squeeze %dma_wait3A_804 : memref<1x8x1024xf32, #tpu.memory_space<hbm>> -> memref<8x1024xf32, #tpu.memory_space<hbm>>
      tpu.wait_dma2 semaphore(%arg28 : memref<!tpu.dma_semaphore, #tpu.memory_space<semaphore_mem>>) src(%arg16 : memref<8x1024xf32, #tpu.memory_space<vmem>>) dst(%dma_wait3A_805 : memref<8x1024xf32, #tpu.memory_space<hbm>>)
      %add3A_806 = arith.constant 3 : i32
      %add3A_807 = arith.addi %add3A_700, %add3A_806 : i32
      %sub3A_808 = arith.constant 1 : i32
      %sub3A_809 = arith.subi %add3A_807, %sub3A_808 : i32
      %mul3A_810 = arith.constant 8 : i32
      %mul3A_811 = arith.muli %sub3A_809, %mul3A_810 : i32
      %add3A_812 = arith.addi %mul3A_2, %mul3A_811 : i32
      %multiple_of3A_813 = tpu.assume_multiple %add3A_812, 8 : i32
      %dma_start3A_814 = arith.constant 0 : i32
      %dma_start3A_815 = tpu.memref_slice %arg3[%multiple_of3A_813, %dma_start3A_814] : memref<8192x1024xf32, #tpu.memory_space<hbm>> -> memref<8x1024xf32, #tpu.memory_space<hbm>>
      %dma_start3A_816 = arith.constant 0 : i32
      %dma_start3A_817 = tpu.memref_slice %arg3[%multiple_of3A_813, %dma_start3A_816] : memref<8192x1024xf32, #tpu.memory_space<hbm>> -> memref<8x1024xf32, #tpu.memory_space<hbm>>
      tpu.enqueue_dma source(%dma_start3A_817 : memref<8x1024xf32, #tpu.memory_space<hbm>>) target(%arg19 : memref<8x1024xf32, #tpu.memory_space<vmem>>) target_semaphore(%arg25 : memref<!tpu.dma_semaphore, #tpu.memory_space<semaphore_mem>>)
      %dma_start3A_818 = arith.constant 0 : i32
      %dma_start3A_819 = arith.constant 0 : i32
      %dma_start3A_820 = tpu.memref_slice %arg2[%dma_start3A_818, %multiple_of3A_813, %dma_start3A_819] : memref<4x4096x1024xf32, #tpu.memory_space<hbm>> -> memref<1x8x1024xf32, #tpu.memory_space<hbm>>
      %dma_start3A_821 = tpu.memref_squeeze %dma_start3A_820 : memref<1x8x1024xf32, #tpu.memory_space<hbm>> -> memref<8x1024xf32, #tpu.memory_space<hbm>>
      %dma_start3A_822 = arith.constant 0 : i32
      %dma_start3A_823 = tpu.memref_slice %arg2[%dma_start3A_818, %multiple_of3A_813, %dma_start3A_822] : memref<4x4096x1024xf32, #tpu.memory_space<hbm>> -> memref<1x8x1024xf32, #tpu.memory_space<hbm>>
      %dma_start3A_824 = tpu.memref_squeeze %dma_start3A_823 : memref<1x8x1024xf32, #tpu.memory_space<hbm>> -> memref<8x1024xf32, #tpu.memory_space<hbm>>
      tpu.enqueue_dma source(%dma_start3A_824 : memref<8x1024xf32, #tpu.memory_space<hbm>>) target(%arg13 : memref<8x1024xf32, #tpu.memory_space<vmem>>) target_semaphore(%arg22 : memref<!tpu.dma_semaphore, #tpu.memory_space<semaphore_mem>>)
      %dma_start3A_825 = arith.constant 1 : i32
      %dma_start3A_826 = arith.constant 0 : i32
      %dma_start3A_827 = tpu.memref_slice %arg2[%dma_start3A_825, %multiple_of3A_813, %dma_start3A_826] : memref<4x4096x1024xf32, #tpu.memory_space<hbm>> -> memref<1x8x1024xf32, #tpu.memory_space<hbm>>
      %dma_start3A_828 = tpu.memref_squeeze %dma_start3A_827 : memref<1x8x1024xf32, #tpu.memory_space<hbm>> -> memref<8x1024xf32, #tpu.memory_space<hbm>>
      %dma_start3A_829 = arith.constant 0 : i32
      %dma_start3A_830 = tpu.memref_slice %arg2[%dma_start3A_825, %multiple_of3A_813, %dma_start3A_829] : memref<4x4096x1024xf32, #tpu.memory_space<hbm>> -> memref<1x8x1024xf32, #tpu.memory_space<hbm>>
      %dma_start3A_831 = tpu.memref_squeeze %dma_start3A_830 : memref<1x8x1024xf32, #tpu.memory_space<hbm>> -> memref<8x1024xf32, #tpu.memory_space<hbm>>
      tpu.enqueue_dma source(%dma_start3A_831 : memref<8x1024xf32, #tpu.memory_space<hbm>>) target(%arg14 : memref<8x1024xf32, #tpu.memory_space<vmem>>) target_semaphore(%arg22 : memref<!tpu.dma_semaphore, #tpu.memory_space<semaphore_mem>>)
      %dma_start3A_832 = arith.constant 2 : i32
      %dma_start3A_833 = arith.constant 0 : i32
      %dma_start3A_834 = tpu.memref_slice %arg2[%dma_start3A_832, %multiple_of3A_813, %dma_start3A_833] : memref<4x4096x1024xf32, #tpu.memory_space<hbm>> -> memref<1x8x1024xf32, #tpu.memory_space<hbm>>
      %dma_start3A_835 = tpu.memref_squeeze %dma_start3A_834 : memref<1x8x1024xf32, #tpu.memory_space<hbm>> -> memref<8x1024xf32, #tpu.memory_space<hbm>>
      %dma_start3A_836 = arith.constant 0 : i32
      %dma_start3A_837 = tpu.memref_slice %arg2[%dma_start3A_832, %multiple_of3A_813, %dma_start3A_836] : memref<4x4096x1024xf32, #tpu.memory_space<hbm>> -> memref<1x8x1024xf32, #tpu.memory_space<hbm>>
      %dma_start3A_838 = tpu.memref_squeeze %dma_start3A_837 : memref<1x8x1024xf32, #tpu.memory_space<hbm>> -> memref<8x1024xf32, #tpu.memory_space<hbm>>
      tpu.enqueue_dma source(%dma_start3A_838 : memref<8x1024xf32, #tpu.memory_space<hbm>>) target(%arg15 : memref<8x1024xf32, #tpu.memory_space<vmem>>) target_semaphore(%arg22 : memref<!tpu.dma_semaphore, #tpu.memory_space<semaphore_mem>>)
      %dma_start3A_839 = arith.constant 3 : i32
      %dma_start3A_840 = arith.constant 0 : i32
      %dma_start3A_841 = tpu.memref_slice %arg2[%dma_start3A_839, %multiple_of3A_813, %dma_start3A_840] : memref<4x4096x1024xf32, #tpu.memory_space<hbm>> -> memref<1x8x1024xf32, #tpu.memory_space<hbm>>
      %dma_start3A_842 = tpu.memref_squeeze %dma_start3A_841 : memref<1x8x1024xf32, #tpu.memory_space<hbm>> -> memref<8x1024xf32, #tpu.memory_space<hbm>>
      %dma_start3A_843 = arith.constant 0 : i32
      %dma_start3A_844 = tpu.memref_slice %arg2[%dma_start3A_839, %multiple_of3A_813, %dma_start3A_843] : memref<4x4096x1024xf32, #tpu.memory_space<hbm>> -> memref<1x8x1024xf32, #tpu.memory_space<hbm>>
      %dma_start3A_845 = tpu.memref_squeeze %dma_start3A_844 : memref<1x8x1024xf32, #tpu.memory_space<hbm>> -> memref<8x1024xf32, #tpu.memory_space<hbm>>
      tpu.enqueue_dma source(%dma_start3A_845 : memref<8x1024xf32, #tpu.memory_space<hbm>>) target(%arg16 : memref<8x1024xf32, #tpu.memory_space<vmem>>) target_semaphore(%arg22 : memref<!tpu.dma_semaphore, #tpu.memory_space<semaphore_mem>>)
      %mul3A_846 = arith.constant 3 : i32
      %mul3A_847 = arith.muli %scan3A_544, %mul3A_846 : i32
      %add3A_848 = arith.constant 2 : i32
      %add3A_849 = arith.addi %add3A_848, %mul3A_847 : i32
      %add3A_850 = arith.constant 2 : i32
      %add3A_851 = arith.addi %add3A_849, %add3A_850 : i32
      %mul3A_852 = arith.constant 8 : i32
      %mul3A_853 = arith.muli %add3A_851, %mul3A_852 : i32
      %add3A_854 = arith.addi %mul3A_2, %mul3A_853 : i32
      %multiple_of3A_855 = tpu.assume_multiple %add3A_854, 8 : i32
      %dma_wait3A_856 = arith.constant 0 : i32
      %dma_wait3A_857 = tpu.memref_slice %arg3[%multiple_of3A_855, %dma_wait3A_856] : memref<8192x1024xf32, #tpu.memory_space<hbm>> -> memref<8x1024xf32, #tpu.memory_space<hbm>>
      %dma_wait3A_858 = arith.constant 0 : i32
      %dma_wait3A_859 = tpu.memref_slice %arg3[%multiple_of3A_855, %dma_wait3A_858] : memref<8192x1024xf32, #tpu.memory_space<hbm>> -> memref<8x1024xf32, #tpu.memory_space<hbm>>
      tpu.wait_dma2 semaphore(%arg24 : memref<!tpu.dma_semaphore, #tpu.memory_space<semaphore_mem>>) src(%dma_wait3A_859 : memref<8x1024xf32, #tpu.memory_space<hbm>>) dst(%arg18 : memref<8x1024xf32, #tpu.memory_space<vmem>>)
      %dma_wait3A_860 = arith.constant 0 : i32
      %dma_wait3A_861 = arith.constant 0 : i32
      %dma_wait3A_862 = tpu.memref_slice %arg2[%dma_wait3A_860, %multiple_of3A_855, %dma_wait3A_861] : memref<4x4096x1024xf32, #tpu.memory_space<hbm>> -> memref<1x8x1024xf32, #tpu.memory_space<hbm>>
      %dma_wait3A_863 = tpu.memref_squeeze %dma_wait3A_862 : memref<1x8x1024xf32, #tpu.memory_space<hbm>> -> memref<8x1024xf32, #tpu.memory_space<hbm>>
      %dma_wait3A_864 = arith.constant 0 : i32
      %dma_wait3A_865 = tpu.memref_slice %arg2[%dma_wait3A_860, %multiple_of3A_855, %dma_wait3A_864] : memref<4x4096x1024xf32, #tpu.memory_space<hbm>> -> memref<1x8x1024xf32, #tpu.memory_space<hbm>>
      %dma_wait3A_866 = tpu.memref_squeeze %dma_wait3A_865 : memref<1x8x1024xf32, #tpu.memory_space<hbm>> -> memref<8x1024xf32, #tpu.memory_space<hbm>>
      tpu.wait_dma2 semaphore(%arg21 : memref<!tpu.dma_semaphore, #tpu.memory_space<semaphore_mem>>) src(%dma_wait3A_866 : memref<8x1024xf32, #tpu.memory_space<hbm>>) dst(%arg9 : memref<8x1024xf32, #tpu.memory_space<vmem>>)
      %dma_wait3A_867 = arith.constant 1 : i32
      %dma_wait3A_868 = arith.constant 0 : i32
      %dma_wait3A_869 = tpu.memref_slice %arg2[%dma_wait3A_867, %multiple_of3A_855, %dma_wait3A_868] : memref<4x4096x1024xf32, #tpu.memory_space<hbm>> -> memref<1x8x1024xf32, #tpu.memory_space<hbm>>
      %dma_wait3A_870 = tpu.memref_squeeze %dma_wait3A_869 : memref<1x8x1024xf32, #tpu.memory_space<hbm>> -> memref<8x1024xf32, #tpu.memory_space<hbm>>
      %dma_wait3A_871 = arith.constant 0 : i32
      %dma_wait3A_872 = tpu.memref_slice %arg2[%dma_wait3A_867, %multiple_of3A_855, %dma_wait3A_871] : memref<4x4096x1024xf32, #tpu.memory_space<hbm>> -> memref<1x8x1024xf32, #tpu.memory_space<hbm>>
      %dma_wait3A_873 = tpu.memref_squeeze %dma_wait3A_872 : memref<1x8x1024xf32, #tpu.memory_space<hbm>> -> memref<8x1024xf32, #tpu.memory_space<hbm>>
      tpu.wait_dma2 semaphore(%arg21 : memref<!tpu.dma_semaphore, #tpu.memory_space<semaphore_mem>>) src(%dma_wait3A_873 : memref<8x1024xf32, #tpu.memory_space<hbm>>) dst(%arg10 : memref<8x1024xf32, #tpu.memory_space<vmem>>)
      %dma_wait3A_874 = arith.constant 2 : i32
      %dma_wait3A_875 = arith.constant 0 : i32
      %dma_wait3A_876 = tpu.memref_slice %arg2[%dma_wait3A_874, %multiple_of3A_855, %dma_wait3A_875] : memref<4x4096x1024xf32, #tpu.memory_space<hbm>> -> memref<1x8x1024xf32, #tpu.memory_space<hbm>>
      %dma_wait3A_877 = tpu.memref_squeeze %dma_wait3A_876 : memref<1x8x1024xf32, #tpu.memory_space<hbm>> -> memref<8x1024xf32, #tpu.memory_space<hbm>>
      %dma_wait3A_878 = arith.constant 0 : i32
      %dma_wait3A_879 = tpu.memref_slice %arg2[%dma_wait3A_874, %multiple_of3A_855, %dma_wait3A_878] : memref<4x4096x1024xf32, #tpu.memory_space<hbm>> -> memref<1x8x1024xf32, #tpu.memory_space<hbm>>
      %dma_wait3A_880 = tpu.memref_squeeze %dma_wait3A_879 : memref<1x8x1024xf32, #tpu.memory_space<hbm>> -> memref<8x1024xf32, #tpu.memory_space<hbm>>
      tpu.wait_dma2 semaphore(%arg21 : memref<!tpu.dma_semaphore, #tpu.memory_space<semaphore_mem>>) src(%dma_wait3A_880 : memref<8x1024xf32, #tpu.memory_space<hbm>>) dst(%arg11 : memref<8x1024xf32, #tpu.memory_space<vmem>>)
      %dma_wait3A_881 = arith.constant 3 : i32
      %dma_wait3A_882 = arith.constant 0 : i32
      %dma_wait3A_883 = tpu.memref_slice %arg2[%dma_wait3A_881, %multiple_of3A_855, %dma_wait3A_882] : memref<4x4096x1024xf32, #tpu.memory_space<hbm>> -> memref<1x8x1024xf32, #tpu.memory_space<hbm>>
      %dma_wait3A_884 = tpu.memref_squeeze %dma_wait3A_883 : memref<1x8x1024xf32, #tpu.memory_space<hbm>> -> memref<8x1024xf32, #tpu.memory_space<hbm>>
      %dma_wait3A_885 = arith.constant 0 : i32
      %dma_wait3A_886 = tpu.memref_slice %arg2[%dma_wait3A_881, %multiple_of3A_855, %dma_wait3A_885] : memref<4x4096x1024xf32, #tpu.memory_space<hbm>> -> memref<1x8x1024xf32, #tpu.memory_space<hbm>>
      %dma_wait3A_887 = tpu.memref_squeeze %dma_wait3A_886 : memref<1x8x1024xf32, #tpu.memory_space<hbm>> -> memref<8x1024xf32, #tpu.memory_space<hbm>>
      tpu.wait_dma2 semaphore(%arg21 : memref<!tpu.dma_semaphore, #tpu.memory_space<semaphore_mem>>) src(%dma_wait3A_887 : memref<8x1024xf32, #tpu.memory_space<hbm>>) dst(%arg12 : memref<8x1024xf32, #tpu.memory_space<vmem>>)
      %parallel_loop3A_888 = arith.constant 0 : i32
      %parallel_loop3A_889 = arith.constant 512 : i32
      %parallel_loop3A_890 = arith.constant 1 : i32
      scf.for %parallel_loop3A_997 = %parallel_loop3A_888 to %parallel_loop3A_889 step %parallel_loop3A_890  : i32 {
        %parallel_loop3A_998 = arith.constant 64 : i32
        %parallel_loop3A_999 = arith.divsi %parallel_loop3A_997, %parallel_loop3A_998 : i32
        %parallel_loop3A_1000 = arith.constant 0 : i32
        %parallel_loop3A_1001 = arith.cmpi sgt, %parallel_loop3A_997, %parallel_loop3A_1000 : i32
        %parallel_loop3A_1002 = arith.extui %parallel_loop3A_1001 : i1 to i32
        %parallel_loop3A_1003 = arith.constant 0 : i32
        %parallel_loop3A_1004 = arith.cmpi slt, %parallel_loop3A_997, %parallel_loop3A_1003 : i32
        %parallel_loop3A_1005 = arith.extui %parallel_loop3A_1004 : i1 to i32
        %parallel_loop3A_1006 = arith.subi %parallel_loop3A_1002, %parallel_loop3A_1005 : i32
        %parallel_loop3A_1007 = arith.constant 0 : i32
        %parallel_loop3A_1008 = arith.cmpi sgt, %parallel_loop3A_998, %parallel_loop3A_1007 : i32
        %parallel_loop3A_1009 = arith.extui %parallel_loop3A_1008 : i1 to i32
        %parallel_loop3A_1010 = arith.constant 0 : i32
        %parallel_loop3A_1011 = arith.cmpi slt, %parallel_loop3A_998, %parallel_loop3A_1010 : i32
        %parallel_loop3A_1012 = arith.extui %parallel_loop3A_1011 : i1 to i32
        %parallel_loop3A_1013 = arith.subi %parallel_loop3A_1009, %parallel_loop3A_1012 : i32
        %parallel_loop3A_1014 = arith.cmpi ne, %parallel_loop3A_1006, %parallel_loop3A_1013 : i32
        %parallel_loop3A_1015 = arith.remsi %parallel_loop3A_997, %parallel_loop3A_998 : i32
        %parallel_loop3A_1016 = arith.constant 0 : i32
        %parallel_loop3A_1017 = arith.cmpi ne, %parallel_loop3A_1015, %parallel_loop3A_1016 : i32
        %parallel_loop3A_1018 = arith.andi %parallel_loop3A_1014, %parallel_loop3A_1017 : i1
        %parallel_loop3A_1019 = arith.constant 1 : i32
        %parallel_loop3A_1020 = arith.subi %parallel_loop3A_999, %parallel_loop3A_1019 : i32
        %parallel_loop3A_1021 = arith.select %parallel_loop3A_1018, %parallel_loop3A_1020, %parallel_loop3A_999 : i32
        %parallel_loop3A_1022 = arith.constant 64 : i32
        %parallel_loop3A_1023 = arith.constant 0 : i32
        %parallel_loop3A_1024 = arith.cmpi eq, %parallel_loop3A_1022, %parallel_loop3A_1023 : i32
        %parallel_loop3A_1025 = arith.constant 1 : i32
        %parallel_loop3A_1026 = arith.select %parallel_loop3A_1024, %parallel_loop3A_1025, %parallel_loop3A_1022 : i32
        %parallel_loop3A_1027 = arith.remsi %parallel_loop3A_997, %parallel_loop3A_1026 : i32
        %parallel_loop3A_1028 = arith.constant 0 : i32
        %parallel_loop3A_1029 = arith.cmpi ne, %parallel_loop3A_1027, %parallel_loop3A_1028 : i32
        %parallel_loop3A_1030 = arith.constant 0 : i32
        %parallel_loop3A_1031 = arith.cmpi slt, %parallel_loop3A_1027, %parallel_loop3A_1030 : i32
        %parallel_loop3A_1032 = arith.constant 0 : i32
        %parallel_loop3A_1033 = arith.cmpi slt, %parallel_loop3A_1026, %parallel_loop3A_1032 : i32
        %parallel_loop3A_1034 = arith.xori %parallel_loop3A_1031, %parallel_loop3A_1033 : i1
        %parallel_loop3A_1035 = arith.andi %parallel_loop3A_1034, %parallel_loop3A_1029 : i1
        %parallel_loop3A_1036 = arith.addi %parallel_loop3A_1027, %parallel_loop3A_1026 : i32
        %parallel_loop3A_1037 = arith.select %parallel_loop3A_1035, %parallel_loop3A_1036, %parallel_loop3A_1027 : i32
        %parallel_loop3A_1038 = arith.constant 16 : i32
        %parallel_loop3A_1039 = arith.muli %parallel_loop3A_1037, %parallel_loop3A_1038 : i32
        %parallel_loop3A_1040 = arith.index_cast %parallel_loop3A_1021 : i32 to index
        %parallel_loop3A_1041 = arith.index_cast %parallel_loop3A_1039 : i32 to index
        %parallel_loop3A_1042 = tpu.vector_load %arg18[%parallel_loop3A_1040, %parallel_loop3A_1041] {strides = array<i32>} : memref<8x1024xf32, #tpu.memory_space<vmem>>, vector<1x16xf32>,
        %parallel_loop3A_1043 = vector.shape_cast %parallel_loop3A_1042 : vector<1x16xf32> to vector<16xf32>
        %parallel_loop3A_1044 = arith.index_cast %parallel_loop3A_1021 : i32 to index
        %parallel_loop3A_1045 = arith.index_cast %parallel_loop3A_1039 : i32 to index
        %parallel_loop3A_1046 = tpu.vector_load %arg9[%parallel_loop3A_1044, %parallel_loop3A_1045] {strides = array<i32>} : memref<8x1024xf32, #tpu.memory_space<vmem>>, vector<1x16xf32>,
        %parallel_loop3A_1047 = vector.shape_cast %parallel_loop3A_1046 : vector<1x16xf32> to vector<16xf32>
        %parallel_loop3A_1048 = vector.shape_cast %parallel_loop3A_1043 : vector<16xf32> to vector<1x16xf32>
        tpu.vector_store %arg9[%parallel_loop3A_1044, %parallel_loop3A_1045], %parallel_loop3A_1048 {add = true, strides = array<i32>} : memref<8x1024xf32, #tpu.memory_space<vmem>>, vector<1x16xf32>,
        %parallel_loop3A_1049 = arith.index_cast %parallel_loop3A_1021 : i32 to index
        %parallel_loop3A_1050 = arith.index_cast %parallel_loop3A_1039 : i32 to index
        %parallel_loop3A_1051 = tpu.vector_load %arg10[%parallel_loop3A_1049, %parallel_loop3A_1050] {strides = array<i32>} : memref<8x1024xf32, #tpu.memory_space<vmem>>, vector<1x16xf32>,
        %parallel_loop3A_1052 = vector.shape_cast %parallel_loop3A_1051 : vector<1x16xf32> to vector<16xf32>
        %parallel_loop3A_1053 = vector.shape_cast %parallel_loop3A_1043 : vector<16xf32> to vector<1x16xf32>
        tpu.vector_store %arg10[%parallel_loop3A_1049, %parallel_loop3A_1050], %parallel_loop3A_1053 {add = true, strides = array<i32>} : memref<8x1024xf32, #tpu.memory_space<vmem>>, vector<1x16xf32>,
        %parallel_loop3A_1054 = arith.index_cast %parallel_loop3A_1021 : i32 to index
        %parallel_loop3A_1055 = arith.index_cast %parallel_loop3A_1039 : i32 to index
        %parallel_loop3A_1056 = tpu.vector_load %arg11[%parallel_loop3A_1054, %parallel_loop3A_1055] {strides = array<i32>} : memref<8x1024xf32, #tpu.memory_space<vmem>>, vector<1x16xf32>,
        %parallel_loop3A_1057 = vector.shape_cast %parallel_loop3A_1056 : vector<1x16xf32> to vector<16xf32>
        %parallel_loop3A_1058 = vector.shape_cast %parallel_loop3A_1043 : vector<16xf32> to vector<1x16xf32>
        tpu.vector_store %arg11[%parallel_loop3A_1054, %parallel_loop3A_1055], %parallel_loop3A_1058 {add = true, strides = array<i32>} : memref<8x1024xf32, #tpu.memory_space<vmem>>, vector<1x16xf32>,
        %parallel_loop3A_1059 = arith.index_cast %parallel_loop3A_1021 : i32 to index
        %parallel_loop3A_1060 = arith.index_cast %parallel_loop3A_1039 : i32 to index
        %parallel_loop3A_1061 = tpu.vector_load %arg12[%parallel_loop3A_1059, %parallel_loop3A_1060] {strides = array<i32>} : memref<8x1024xf32, #tpu.memory_space<vmem>>, vector<1x16xf32>,
        %parallel_loop3A_1062 = vector.shape_cast %parallel_loop3A_1061 : vector<1x16xf32> to vector<16xf32>
        %parallel_loop3A_1063 = vector.shape_cast %parallel_loop3A_1043 : vector<16xf32> to vector<1x16xf32>
        tpu.vector_store %arg12[%parallel_loop3A_1059, %parallel_loop3A_1060], %parallel_loop3A_1063 {add = true, strides = array<i32>} : memref<8x1024xf32, #tpu.memory_space<vmem>>, vector<1x16xf32>,
      } {sc.loop_unroll_factor = 2 : i64, sc.parallel_access}
      %mul3A_891 = arith.constant 8 : i32
      %mul3A_892 = arith.muli %add3A_851, %mul3A_891 : i32
      %add3A_893 = arith.addi %mul3A_2, %mul3A_892 : i32
      %multiple_of3A_894 = tpu.assume_multiple %add3A_893, 8 : i32
      %dma_start3A_895 = arith.constant 0 : i32
      %dma_start3A_896 = arith.constant 0 : i32
      %dma_start3A_897 = tpu.memref_slice %arg4[%dma_start3A_895, %multiple_of3A_894, %dma_start3A_896] : memref<4x4096x1024xf32, #tpu.memory_space<hbm>> -> memref<1x8x1024xf32, #tpu.memory_space<hbm>>
      %dma_start3A_898 = tpu.memref_squeeze %dma_start3A_897 : memref<1x8x1024xf32, #tpu.memory_space<hbm>> -> memref<8x1024xf32, #tpu.memory_space<hbm>>
      %dma_start3A_899 = arith.constant 0 : i32
      %dma_start3A_900 = tpu.memref_slice %arg4[%dma_start3A_895, %multiple_of3A_894, %dma_start3A_899] : memref<4x4096x1024xf32, #tpu.memory_space<hbm>> -> memref<1x8x1024xf32, #tpu.memory_space<hbm>>
      %dma_start3A_901 = tpu.memref_squeeze %dma_start3A_900 : memref<1x8x1024xf32, #tpu.memory_space<hbm>> -> memref<8x1024xf32, #tpu.memory_space<hbm>>
      tpu.enqueue_dma source(%arg9 : memref<8x1024xf32, #tpu.memory_space<vmem>>) target(%dma_start3A_901 : memref<8x1024xf32, #tpu.memory_space<hbm>>) target_semaphore(%arg27 : memref<!tpu.dma_semaphore, #tpu.memory_space<semaphore_mem>>)
      %dma_start3A_902 = arith.constant 1 : i32
      %dma_start3A_903 = arith.constant 0 : i32
      %dma_start3A_904 = tpu.memref_slice %arg4[%dma_start3A_902, %multiple_of3A_894, %dma_start3A_903] : memref<4x4096x1024xf32, #tpu.memory_space<hbm>> -> memref<1x8x1024xf32, #tpu.memory_space<hbm>>
      %dma_start3A_905 = tpu.memref_squeeze %dma_start3A_904 : memref<1x8x1024xf32, #tpu.memory_space<hbm>> -> memref<8x1024xf32, #tpu.memory_space<hbm>>
      %dma_start3A_906 = arith.constant 0 : i32
      %dma_start3A_907 = tpu.memref_slice %arg4[%dma_start3A_902, %multiple_of3A_894, %dma_start3A_906] : memref<4x4096x1024xf32, #tpu.memory_space<hbm>> -> memref<1x8x1024xf32, #tpu.memory_space<hbm>>
      %dma_start3A_908 = tpu.memref_squeeze %dma_start3A_907 : memref<1x8x1024xf32, #tpu.memory_space<hbm>> -> memref<8x1024xf32, #tpu.memory_space<hbm>>
      tpu.enqueue_dma source(%arg10 : memref<8x1024xf32, #tpu.memory_space<vmem>>) target(%dma_start3A_908 : memref<8x1024xf32, #tpu.memory_space<hbm>>) target_semaphore(%arg27 : memref<!tpu.dma_semaphore, #tpu.memory_space<semaphore_mem>>)
      %dma_start3A_909 = arith.constant 2 : i32
      %dma_start3A_910 = arith.constant 0 : i32
      %dma_start3A_911 = tpu.memref_slice %arg4[%dma_start3A_909, %multiple_of3A_894, %dma_start3A_910] : memref<4x4096x1024xf32, #tpu.memory_space<hbm>> -> memref<1x8x1024xf32, #tpu.memory_space<hbm>>
      %dma_start3A_912 = tpu.memref_squeeze %dma_start3A_911 : memref<1x8x1024xf32, #tpu.memory_space<hbm>> -> memref<8x1024xf32, #tpu.memory_space<hbm>>
      %dma_start3A_913 = arith.constant 0 : i32
      %dma_start3A_914 = tpu.memref_slice %arg4[%dma_start3A_909, %multiple_of3A_894, %dma_start3A_913] : memref<4x4096x1024xf32, #tpu.memory_space<hbm>> -> memref<1x8x1024xf32, #tpu.memory_space<hbm>>
      %dma_start3A_915 = tpu.memref_squeeze %dma_start3A_914 : memref<1x8x1024xf32, #tpu.memory_space<hbm>> -> memref<8x1024xf32, #tpu.memory_space<hbm>>
      tpu.enqueue_dma source(%arg11 : memref<8x1024xf32, #tpu.memory_space<vmem>>) target(%dma_start3A_915 : memref<8x1024xf32, #tpu.memory_space<hbm>>) target_semaphore(%arg27 : memref<!tpu.dma_semaphore, #tpu.memory_space<semaphore_mem>>)
      %dma_start3A_916 = arith.constant 3 : i32
      %dma_start3A_917 = arith.constant 0 : i32
      %dma_start3A_918 = tpu.memref_slice %arg4[%dma_start3A_916, %multiple_of3A_894, %dma_start3A_917] : memref<4x4096x1024xf32, #tpu.memory_space<hbm>> -> memref<1x8x1024xf32, #tpu.memory_space<hbm>>
      %dma_start3A_919 = tpu.memref_squeeze %dma_start3A_918 : memref<1x8x1024xf32, #tpu.memory_space<hbm>> -> memref<8x1024xf32, #tpu.memory_space<hbm>>
      %dma_start3A_920 = arith.constant 0 : i32
      %dma_start3A_921 = tpu.memref_slice %arg4[%dma_start3A_916, %multiple_of3A_894, %dma_start3A_920] : memref<4x4096x1024xf32, #tpu.memory_space<hbm>> -> memref<1x8x1024xf32, #tpu.memory_space<hbm>>
      %dma_start3A_922 = tpu.memref_squeeze %dma_start3A_921 : memref<1x8x1024xf32, #tpu.memory_space<hbm>> -> memref<8x1024xf32, #tpu.memory_space<hbm>>
      tpu.enqueue_dma source(%arg12 : memref<8x1024xf32, #tpu.memory_space<vmem>>) target(%dma_start3A_922 : memref<8x1024xf32, #tpu.memory_space<hbm>>) target_semaphore(%arg27 : memref<!tpu.dma_semaphore, #tpu.memory_space<semaphore_mem>>)
      %sub3A_923 = arith.constant 1 : i32
      %sub3A_924 = arith.subi %add3A_851, %sub3A_923 : i32
      %mul3A_925 = arith.constant 8 : i32
      %mul3A_926 = arith.muli %sub3A_924, %mul3A_925 : i32
      %add3A_927 = arith.addi %mul3A_2, %mul3A_926 : i32
      %multiple_of3A_928 = tpu.assume_multiple %add3A_927, 8 : i32
      %dma_wait3A_929 = arith.constant 0 : i32
      %dma_wait3A_930 = arith.constant 0 : i32
      %dma_wait3A_931 = tpu.memref_slice %arg4[%dma_wait3A_929, %multiple_of3A_928, %dma_wait3A_930] : memref<4x4096x1024xf32, #tpu.memory_space<hbm>> -> memref<1x8x1024xf32, #tpu.memory_space<hbm>>
      %dma_wait3A_932 = tpu.memref_squeeze %dma_wait3A_931 : memref<1x8x1024xf32, #tpu.memory_space<hbm>> -> memref<8x1024xf32, #tpu.memory_space<hbm>>
      %dma_wait3A_933 = arith.constant 0 : i32
      %dma_wait3A_934 = tpu.memref_slice %arg4[%dma_wait3A_929, %multiple_of3A_928, %dma_wait3A_933] : memref<4x4096x1024xf32, #tpu.memory_space<hbm>> -> memref<1x8x1024xf32, #tpu.memory_space<hbm>>
      %dma_wait3A_935 = tpu.memref_squeeze %dma_wait3A_934 : memref<1x8x1024xf32, #tpu.memory_space<hbm>> -> memref<8x1024xf32, #tpu.memory_space<hbm>>
      tpu.wait_dma2 semaphore(%arg26 : memref<!tpu.dma_semaphore, #tpu.memory_space<semaphore_mem>>) src(%arg5 : memref<8x1024xf32, #tpu.memory_space<vmem>>) dst(%dma_wait3A_935 : memref<8x1024xf32, #tpu.memory_space<hbm>>)
      %dma_wait3A_936 = arith.constant 1 : i32
      %dma_wait3A_937 = arith.constant 0 : i32
      %dma_wait3A_938 = tpu.memref_slice %arg4[%dma_wait3A_936, %multiple_of3A_928, %dma_wait3A_937] : memref<4x4096x1024xf32, #tpu.memory_space<hbm>> -> memref<1x8x1024xf32, #tpu.memory_space<hbm>>
      %dma_wait3A_939 = tpu.memref_squeeze %dma_wait3A_938 : memref<1x8x1024xf32, #tpu.memory_space<hbm>> -> memref<8x1024xf32, #tpu.memory_space<hbm>>
      %dma_wait3A_940 = arith.constant 0 : i32
      %dma_wait3A_941 = tpu.memref_slice %arg4[%dma_wait3A_936, %multiple_of3A_928, %dma_wait3A_940] : memref<4x4096x1024xf32, #tpu.memory_space<hbm>> -> memref<1x8x1024xf32, #tpu.memory_space<hbm>>
      %dma_wait3A_942 = tpu.memref_squeeze %dma_wait3A_941 : memref<1x8x1024xf32, #tpu.memory_space<hbm>> -> memref<8x1024xf32, #tpu.memory_space<hbm>>
      tpu.wait_dma2 semaphore(%arg26 : memref<!tpu.dma_semaphore, #tpu.memory_space<semaphore_mem>>) src(%arg6 : memref<8x1024xf32, #tpu.memory_space<vmem>>) dst(%dma_wait3A_942 : memref<8x1024xf32, #tpu.memory_space<hbm>>)
      %dma_wait3A_943 = arith.constant 2 : i32
      %dma_wait3A_944 = arith.constant 0 : i32
      %dma_wait3A_945 = tpu.memref_slice %arg4[%dma_wait3A_943, %multiple_of3A_928, %dma_wait3A_944] : memref<4x4096x1024xf32, #tpu.memory_space<hbm>> -> memref<1x8x1024xf32, #tpu.memory_space<hbm>>
      %dma_wait3A_946 = tpu.memref_squeeze %dma_wait3A_945 : memref<1x8x1024xf32, #tpu.memory_space<hbm>> -> memref<8x1024xf32, #tpu.memory_space<hbm>>
      %dma_wait3A_947 = arith.constant 0 : i32
      %dma_wait3A_948 = tpu.memref_slice %arg4[%dma_wait3A_943, %multiple_of3A_928, %dma_wait3A_947] : memref<4x4096x1024xf32, #tpu.memory_space<hbm>> -> memref<1x8x1024xf32, #tpu.memory_space<hbm>>
      %dma_wait3A_949 = tpu.memref_squeeze %dma_wait3A_948 : memref<1x8x1024xf32, #tpu.memory_space<hbm>> -> memref<8x1024xf32, #tpu.memory_space<hbm>>
      tpu.wait_dma2 semaphore(%arg26 : memref<!tpu.dma_semaphore, #tpu.memory_space<semaphore_mem>>) src(%arg7 : memref<8x1024xf32, #tpu.memory_space<vmem>>) dst(%dma_wait3A_949 : memref<8x1024xf32, #tpu.memory_space<hbm>>)
      %dma_wait3A_950 = arith.constant 3 : i32
      %dma_wait3A_951 = arith.constant 0 : i32
      %dma_wait3A_952 = tpu.memref_slice %arg4[%dma_wait3A_950, %multiple_of3A_928, %dma_wait3A_951] : memref<4x4096x1024xf32, #tpu.memory_space<hbm>> -> memref<1x8x1024xf32, #tpu.memory_space<hbm>>
      %dma_wait3A_953 = tpu.memref_squeeze %dma_wait3A_952 : memref<1x8x1024xf32, #tpu.memory_space<hbm>> -> memref<8x1024xf32, #tpu.memory_space<hbm>>
      %dma_wait3A_954 = arith.constant 0 : i32
      %dma_wait3A_955 = tpu.memref_slice %arg4[%dma_wait3A_950, %multiple_of3A_928, %dma_wait3A_954] : memref<4x4096x1024xf32, #tpu.memory_space<hbm>> -> memref<1x8x1024xf32, #tpu.memory_space<hbm>>
      %dma_wait3A_956 = tpu.memref_squeeze %dma_wait3A_955 : memref<1x8x1024xf32, #tpu.memory_space<hbm>> -> memref<8x1024xf32, #tpu.memory_space<hbm>>
      tpu.wait_dma2 semaphore(%arg26 : memref<!tpu.dma_semaphore, #tpu.memory_space<semaphore_mem>>) src(%arg8 : memref<8x1024xf32, #tpu.memory_space<vmem>>) dst(%dma_wait3A_956 : memref<8x1024xf32, #tpu.memory_space<hbm>>)
      %add3A_957 = arith.constant 3 : i32
      %add3A_958 = arith.addi %add3A_851, %add3A_957 : i32
      %sub3A_959 = arith.constant 1 : i32
      %sub3A_960 = arith.subi %add3A_958, %sub3A_959 : i32
      %mul3A_961 = arith.constant 8 : i32
      %mul3A_962 = arith.muli %sub3A_960, %mul3A_961 : i32
      %add3A_963 = arith.addi %mul3A_2, %mul3A_962 : i32
      %multiple_of3A_964 = tpu.assume_multiple %add3A_963, 8 : i32
      %dma_start3A_965 = arith.constant 0 : i32
      %dma_start3A_966 = tpu.memref_slice %arg3[%multiple_of3A_964, %dma_start3A_965] : memref<8192x1024xf32, #tpu.memory_space<hbm>> -> memref<8x1024xf32, #tpu.memory_space<hbm>>
      %dma_start3A_967 = arith.constant 0 : i32
      %dma_start3A_968 = tpu.memref_slice %arg3[%multiple_of3A_964, %dma_start3A_967] : memref<8192x1024xf32, #tpu.memory_space<hbm>> -> memref<8x1024xf32, #tpu.memory_space<hbm>>
      tpu.enqueue_dma source(%dma_start3A_968 : memref<8x1024xf32, #tpu.memory_space<hbm>>) target(%arg17 : memref<8x1024xf32, #tpu.memory_space<vmem>>) target_semaphore(%arg23 : memref<!tpu.dma_semaphore, #tpu.memory_space<semaphore_mem>>)
      %dma_start3A_969 = arith.constant 0 : i32
      %dma_start3A_970 = arith.constant 0 : i32
      %dma_start3A_971 = tpu.memref_slice %arg2[%dma_start3A_969, %multiple_of3A_964, %dma_start3A_970] : memref<4x4096x1024xf32, #tpu.memory_space<hbm>> -> memref<1x8x1024xf32, #tpu.memory_space<hbm>>
      %dma_start3A_972 = tpu.memref_squeeze %dma_start3A_971 : memref<1x8x1024xf32, #tpu.memory_space<hbm>> -> memref<8x1024xf32, #tpu.memory_space<hbm>>
      %dma_start3A_973 = arith.constant 0 : i32
      %dma_start3A_974 = tpu.memref_slice %arg2[%dma_start3A_969, %multiple_of3A_964, %dma_start3A_973] : memref<4x4096x1024xf32, #tpu.memory_space<hbm>> -> memref<1x8x1024xf32, #tpu.memory_space<hbm>>
      %dma_start3A_975 = tpu.memref_squeeze %dma_start3A_974 : memref<1x8x1024xf32, #tpu.memory_space<hbm>> -> memref<8x1024xf32, #tpu.memory_space<hbm>>
      tpu.enqueue_dma source(%dma_start3A_975 : memref<8x1024xf32, #tpu.memory_space<hbm>>) target(%arg5 : memref<8x1024xf32, #tpu.memory_space<vmem>>) target_semaphore(%arg20 : memref<!tpu.dma_semaphore, #tpu.memory_space<semaphore_mem>>)
      %dma_start3A_976 = arith.constant 1 : i32
      %dma_start3A_977 = arith.constant 0 : i32
      %dma_start3A_978 = tpu.memref_slice %arg2[%dma_start3A_976, %multiple_of3A_964, %dma_start3A_977] : memref<4x4096x1024xf32, #tpu.memory_space<hbm>> -> memref<1x8x1024xf32, #tpu.memory_space<hbm>>
      %dma_start3A_979 = tpu.memref_squeeze %dma_start3A_978 : memref<1x8x1024xf32, #tpu.memory_space<hbm>> -> memref<8x1024xf32, #tpu.memory_space<hbm>>
      %dma_start3A_980 = arith.constant 0 : i32
      %dma_start3A_981 = tpu.memref_slice %arg2[%dma_start3A_976, %multiple_of3A_964, %dma_start3A_980] : memref<4x4096x1024xf32, #tpu.memory_space<hbm>> -> memref<1x8x1024xf32, #tpu.memory_space<hbm>>
      %dma_start3A_982 = tpu.memref_squeeze %dma_start3A_981 : memref<1x8x1024xf32, #tpu.memory_space<hbm>> -> memref<8x1024xf32, #tpu.memory_space<hbm>>
      tpu.enqueue_dma source(%dma_start3A_982 : memref<8x1024xf32, #tpu.memory_space<hbm>>) target(%arg6 : memref<8x1024xf32, #tpu.memory_space<vmem>>) target_semaphore(%arg20 : memref<!tpu.dma_semaphore, #tpu.memory_space<semaphore_mem>>)
      %dma_start3A_983 = arith.constant 2 : i32
      %dma_start3A_984 = arith.constant 0 : i32
      %dma_start3A_985 = tpu.memref_slice %arg2[%dma_start3A_983, %multiple_of3A_964, %dma_start3A_984] : memref<4x4096x1024xf32, #tpu.memory_space<hbm>> -> memref<1x8x1024xf32, #tpu.memory_space<hbm>>
      %dma_start3A_986 = tpu.memref_squeeze %dma_start3A_985 : memref<1x8x1024xf32, #tpu.memory_space<hbm>> -> memref<8x1024xf32, #tpu.memory_space<hbm>>
      %dma_start3A_987 = arith.constant 0 : i32
      %dma_start3A_988 = tpu.memref_slice %arg2[%dma_start3A_983, %multiple_of3A_964, %dma_start3A_987] : memref<4x4096x1024xf32, #tpu.memory_space<hbm>> -> memref<1x8x1024xf32, #tpu.memory_space<hbm>>
      %dma_start3A_989 = tpu.memref_squeeze %dma_start3A_988 : memref<1x8x1024xf32, #tpu.memory_space<hbm>> -> memref<8x1024xf32, #tpu.memory_space<hbm>>
      tpu.enqueue_dma source(%dma_start3A_989 : memref<8x1024xf32, #tpu.memory_space<hbm>>) target(%arg7 : memref<8x1024xf32, #tpu.memory_space<vmem>>) target_semaphore(%arg20 : memref<!tpu.dma_semaphore, #tpu.memory_space<semaphore_mem>>)
      %dma_start3A_990 = arith.constant 3 : i32
      %dma_start3A_991 = arith.constant 0 : i32
      %dma_start3A_992 = tpu.memref_slice %arg2[%dma_start3A_990, %multiple_of3A_964, %dma_start3A_991] : memref<4x4096x1024xf32, #tpu.memory_space<hbm>> -> memref<1x8x1024xf32, #tpu.memory_space<hbm>>
      %dma_start3A_993 = tpu.memref_squeeze %dma_start3A_992 : memref<1x8x1024xf32, #tpu.memory_space<hbm>> -> memref<8x1024xf32, #tpu.memory_space<hbm>>
      %dma_start3A_994 = arith.constant 0 : i32
      %dma_start3A_995 = tpu.memref_slice %arg2[%dma_start3A_990, %multiple_of3A_964, %dma_start3A_994] : memref<4x4096x1024xf32, #tpu.memory_space<hbm>> -> memref<1x8x1024xf32, #tpu.memory_space<hbm>>
      %dma_start3A_996 = tpu.memref_squeeze %dma_start3A_995 : memref<1x8x1024xf32, #tpu.memory_space<hbm>> -> memref<8x1024xf32, #tpu.memory_space<hbm>>
      tpu.enqueue_dma source(%dma_start3A_996 : memref<8x1024xf32, #tpu.memory_space<hbm>>) target(%arg8 : memref<8x1024xf32, #tpu.memory_space<vmem>>) target_semaphore(%arg20 : memref<!tpu.dma_semaphore, #tpu.memory_space<semaphore_mem>>)
    }
    %scan3A_312 = arith.constant 4 : i32
    %add3A_313 = arith.constant 112 : i32
    %add3A_314 = arith.addi %mul3A_2, %add3A_313 : i32
    %multiple_of3A_315 = tpu.assume_multiple %add3A_314, 8 : i32
    %dma_wait3A_316 = arith.constant 0 : i32
    %dma_wait3A_317 = tpu.memref_slice %arg3[%multiple_of3A_315, %dma_wait3A_316] : memref<8192x1024xf32, #tpu.memory_space<hbm>> -> memref<8x1024xf32, #tpu.memory_space<hbm>>
    %dma_wait3A_318 = arith.constant 0 : i32
    %dma_wait3A_319 = tpu.memref_slice %arg3[%multiple_of3A_315, %dma_wait3A_318] : memref<8192x1024xf32, #tpu.memory_space<hbm>> -> memref<8x1024xf32, #tpu.memory_space<hbm>>
    tpu.wait_dma2 semaphore(%arg25 : memref<!tpu.dma_semaphore, #tpu.memory_space<semaphore_mem>>) src(%dma_wait3A_319 : memref<8x1024xf32, #tpu.memory_space<hbm>>) dst(%arg19 : memref<8x1024xf32, #tpu.memory_space<vmem>>)
    %dma_wait3A_320 = arith.constant 0 : i32
    %dma_wait3A_321 = arith.constant 0 : i32
    %dma_wait3A_322 = tpu.memref_slice %arg2[%dma_wait3A_320, %multiple_of3A_315, %dma_wait3A_321] : memref<4x4096x1024xf32, #tpu.memory_space<hbm>> -> memref<1x8x1024xf32, #tpu.memory_space<hbm>>
    %dma_wait3A_323 = tpu.memref_squeeze %dma_wait3A_322 : memref<1x8x1024xf32, #tpu.memory_space<hbm>> -> memref<8x1024xf32, #tpu.memory_space<hbm>>
    %dma_wait3A_324 = arith.constant 0 : i32
    %dma_wait3A_325 = tpu.memref_slice %arg2[%dma_wait3A_320, %multiple_of3A_315, %dma_wait3A_324] : memref<4x4096x1024xf32, #tpu.memory_space<hbm>> -> memref<1x8x1024xf32, #tpu.memory_space<hbm>>
    %dma_wait3A_326 = tpu.memref_squeeze %dma_wait3A_325 : memref<1x8x1024xf32, #tpu.memory_space<hbm>> -> memref<8x1024xf32, #tpu.memory_space<hbm>>
    tpu.wait_dma2 semaphore(%arg22 : memref<!tpu.dma_semaphore, #tpu.memory_space<semaphore_mem>>) src(%dma_wait3A_326 : memref<8x1024xf32, #tpu.memory_space<hbm>>) dst(%arg13 : memref<8x1024xf32, #tpu.memory_space<vmem>>)
    %dma_wait3A_327 = arith.constant 1 : i32
    %dma_wait3A_328 = arith.constant 0 : i32
    %dma_wait3A_329 = tpu.memref_slice %arg2[%dma_wait3A_327, %multiple_of3A_315, %dma_wait3A_328] : memref<4x4096x1024xf32, #tpu.memory_space<hbm>> -> memref<1x8x1024xf32, #tpu.memory_space<hbm>>
    %dma_wait3A_330 = tpu.memref_squeeze %dma_wait3A_329 : memref<1x8x1024xf32, #tpu.memory_space<hbm>> -> memref<8x1024xf32, #tpu.memory_space<hbm>>
    %dma_wait3A_331 = arith.constant 0 : i32
    %dma_wait3A_332 = tpu.memref_slice %arg2[%dma_wait3A_327, %multiple_of3A_315, %dma_wait3A_331] : memref<4x4096x1024xf32, #tpu.memory_space<hbm>> -> memref<1x8x1024xf32, #tpu.memory_space<hbm>>
    %dma_wait3A_333 = tpu.memref_squeeze %dma_wait3A_332 : memref<1x8x1024xf32, #tpu.memory_space<hbm>> -> memref<8x1024xf32, #tpu.memory_space<hbm>>
    tpu.wait_dma2 semaphore(%arg22 : memref<!tpu.dma_semaphore, #tpu.memory_space<semaphore_mem>>) src(%dma_wait3A_333 : memref<8x1024xf32, #tpu.memory_space<hbm>>) dst(%arg14 : memref<8x1024xf32, #tpu.memory_space<vmem>>)
    %dma_wait3A_334 = arith.constant 2 : i32
    %dma_wait3A_335 = arith.constant 0 : i32
    %dma_wait3A_336 = tpu.memref_slice %arg2[%dma_wait3A_334, %multiple_of3A_315, %dma_wait3A_335] : memref<4x4096x1024xf32, #tpu.memory_space<hbm>> -> memref<1x8x1024xf32, #tpu.memory_space<hbm>>
    %dma_wait3A_337 = tpu.memref_squeeze %dma_wait3A_336 : memref<1x8x1024xf32, #tpu.memory_space<hbm>> -> memref<8x1024xf32, #tpu.memory_space<hbm>>
    %dma_wait3A_338 = arith.constant 0 : i32
    %dma_wait3A_339 = tpu.memref_slice %arg2[%dma_wait3A_334, %multiple_of3A_315, %dma_wait3A_338] : memref<4x4096x1024xf32, #tpu.memory_space<hbm>> -> memref<1x8x1024xf32, #tpu.memory_space<hbm>>
    %dma_wait3A_340 = tpu.memref_squeeze %dma_wait3A_339 : memref<1x8x1024xf32, #tpu.memory_space<hbm>> -> memref<8x1024xf32, #tpu.memory_space<hbm>>
    tpu.wait_dma2 semaphore(%arg22 : memref<!tpu.dma_semaphore, #tpu.memory_space<semaphore_mem>>) src(%dma_wait3A_340 : memref<8x1024xf32, #tpu.memory_space<hbm>>) dst(%arg15 : memref<8x1024xf32, #tpu.memory_space<vmem>>)
    %dma_wait3A_341 = arith.constant 3 : i32
    %dma_wait3A_342 = arith.constant 0 : i32
    %dma_wait3A_343 = tpu.memref_slice %arg2[%dma_wait3A_341, %multiple_of3A_315, %dma_wait3A_342] : memref<4x4096x1024xf32, #tpu.memory_space<hbm>> -> memref<1x8x1024xf32, #tpu.memory_space<hbm>>
    %dma_wait3A_344 = tpu.memref_squeeze %dma_wait3A_343 : memref<1x8x1024xf32, #tpu.memory_space<hbm>> -> memref<8x1024xf32, #tpu.memory_space<hbm>>
    %dma_wait3A_345 = arith.constant 0 : i32
    %dma_wait3A_346 = tpu.memref_slice %arg2[%dma_wait3A_341, %multiple_of3A_315, %dma_wait3A_345] : memref<4x4096x1024xf32, #tpu.memory_space<hbm>> -> memref<1x8x1024xf32, #tpu.memory_space<hbm>>
    %dma_wait3A_347 = tpu.memref_squeeze %dma_wait3A_346 : memref<1x8x1024xf32, #tpu.memory_space<hbm>> -> memref<8x1024xf32, #tpu.memory_space<hbm>>
    tpu.wait_dma2 semaphore(%arg22 : memref<!tpu.dma_semaphore, #tpu.memory_space<semaphore_mem>>) src(%dma_wait3A_347 : memref<8x1024xf32, #tpu.memory_space<hbm>>) dst(%arg16 : memref<8x1024xf32, #tpu.memory_space<vmem>>)
    %parallel_loop3A_348 = arith.constant 0 : i32
    %parallel_loop3A_349 = arith.constant 512 : i32
    %parallel_loop3A_350 = arith.constant 1 : i32
    scf.for %parallel_loop3A_544 = %parallel_loop3A_348 to %parallel_loop3A_349 step %parallel_loop3A_350  : i32 {
      %parallel_loop3A_545 = arith.constant 64 : i32
      %parallel_loop3A_546 = arith.divsi %parallel_loop3A_544, %parallel_loop3A_545 : i32
      %parallel_loop3A_547 = arith.constant 0 : i32
      %parallel_loop3A_548 = arith.cmpi sgt, %parallel_loop3A_544, %parallel_loop3A_547 : i32
      %parallel_loop3A_549 = arith.extui %parallel_loop3A_548 : i1 to i32
      %parallel_loop3A_550 = arith.constant 0 : i32
      %parallel_loop3A_551 = arith.cmpi slt, %parallel_loop3A_544, %parallel_loop3A_550 : i32
      %parallel_loop3A_552 = arith.extui %parallel_loop3A_551 : i1 to i32
      %parallel_loop3A_553 = arith.subi %parallel_loop3A_549, %parallel_loop3A_552 : i32
      %parallel_loop3A_554 = arith.constant 0 : i32
      %parallel_loop3A_555 = arith.cmpi sgt, %parallel_loop3A_545, %parallel_loop3A_554 : i32
      %parallel_loop3A_556 = arith.extui %parallel_loop3A_555 : i1 to i32
      %parallel_loop3A_557 = arith.constant 0 : i32
      %parallel_loop3A_558 = arith.cmpi slt, %parallel_loop3A_545, %parallel_loop3A_557 : i32
      %parallel_loop3A_559 = arith.extui %parallel_loop3A_558 : i1 to i32
      %parallel_loop3A_560 = arith.subi %parallel_loop3A_556, %parallel_loop3A_559 : i32
      %parallel_loop3A_561 = arith.cmpi ne, %parallel_loop3A_553, %parallel_loop3A_560 : i32
      %parallel_loop3A_562 = arith.remsi %parallel_loop3A_544, %parallel_loop3A_545 : i32
      %parallel_loop3A_563 = arith.constant 0 : i32
      %parallel_loop3A_564 = arith.cmpi ne, %parallel_loop3A_562, %parallel_loop3A_563 : i32
      %parallel_loop3A_565 = arith.andi %parallel_loop3A_561, %parallel_loop3A_564 : i1
      %parallel_loop3A_566 = arith.constant 1 : i32
      %parallel_loop3A_567 = arith.subi %parallel_loop3A_546, %parallel_loop3A_566 : i32
      %parallel_loop3A_568 = arith.select %parallel_loop3A_565, %parallel_loop3A_567, %parallel_loop3A_546 : i32
      %parallel_loop3A_569 = arith.constant 64 : i32
      %parallel_loop3A_570 = arith.constant 0 : i32
      %parallel_loop3A_571 = arith.cmpi eq, %parallel_loop3A_569, %parallel_loop3A_570 : i32
      %parallel_loop3A_572 = arith.constant 1 : i32
      %parallel_loop3A_573 = arith.select %parallel_loop3A_571, %parallel_loop3A_572, %parallel_loop3A_569 : i32
      %parallel_loop3A_574 = arith.remsi %parallel_loop3A_544, %parallel_loop3A_573 : i32
      %parallel_loop3A_575 = arith.constant 0 : i32
      %parallel_loop3A_576 = arith.cmpi ne, %parallel_loop3A_574, %parallel_loop3A_575 : i32
      %parallel_loop3A_577 = arith.constant 0 : i32
      %parallel_loop3A_578 = arith.cmpi slt, %parallel_loop3A_574, %parallel_loop3A_577 : i32
      %parallel_loop3A_579 = arith.constant 0 : i32
      %parallel_loop3A_580 = arith.cmpi slt, %parallel_loop3A_573, %parallel_loop3A_579 : i32
      %parallel_loop3A_581 = arith.xori %parallel_loop3A_578, %parallel_loop3A_580 : i1
      %parallel_loop3A_582 = arith.andi %parallel_loop3A_581, %parallel_loop3A_576 : i1
      %parallel_loop3A_583 = arith.addi %parallel_loop3A_574, %parallel_loop3A_573 : i32
      %parallel_loop3A_584 = arith.select %parallel_loop3A_582, %parallel_loop3A_583, %parallel_loop3A_574 : i32
      %parallel_loop3A_585 = arith.constant 16 : i32
      %parallel_loop3A_586 = arith.muli %parallel_loop3A_584, %parallel_loop3A_585 : i32
      %parallel_loop3A_587 = arith.index_cast %parallel_loop3A_568 : i32 to index
      %parallel_loop3A_588 = arith.index_cast %parallel_loop3A_586 : i32 to index
      %parallel_loop3A_589 = tpu.vector_load %arg19[%parallel_loop3A_587, %parallel_loop3A_588] {strides = array<i32>} : memref<8x1024xf32, #tpu.memory_space<vmem>>, vector<1x16xf32>,
      %parallel_loop3A_590 = vector.shape_cast %parallel_loop3A_589 : vector<1x16xf32> to vector<16xf32>
      %parallel_loop3A_591 = arith.index_cast %parallel_loop3A_568 : i32 to index
      %parallel_loop3A_592 = arith.index_cast %parallel_loop3A_586 : i32 to index
      %parallel_loop3A_593 = tpu.vector_load %arg13[%parallel_loop3A_591, %parallel_loop3A_592] {strides = array<i32>} : memref<8x1024xf32, #tpu.memory_space<vmem>>, vector<1x16xf32>,
      %parallel_loop3A_594 = vector.shape_cast %parallel_loop3A_593 : vector<1x16xf32> to vector<16xf32>
      %parallel_loop3A_595 = vector.shape_cast %parallel_loop3A_590 : vector<16xf32> to vector<1x16xf32>
      tpu.vector_store %arg13[%parallel_loop3A_591, %parallel_loop3A_592], %parallel_loop3A_595 {add = true, strides = array<i32>} : memref<8x1024xf32, #tpu.memory_space<vmem>>, vector<1x16xf32>,
      %parallel_loop3A_596 = arith.index_cast %parallel_loop3A_568 : i32 to index
      %parallel_loop3A_597 = arith.index_cast %parallel_loop3A_586 : i32 to index
      %parallel_loop3A_598 = tpu.vector_load %arg14[%parallel_loop3A_596, %parallel_loop3A_597] {strides = array<i32>} : memref<8x1024xf32, #tpu.memory_space<vmem>>, vector<1x16xf32>,
      %parallel_loop3A_599 = vector.shape_cast %parallel_loop3A_598 : vector<1x16xf32> to vector<16xf32>
      %parallel_loop3A_600 = vector.shape_cast %parallel_loop3A_590 : vector<16xf32> to vector<1x16xf32>
      tpu.vector_store %arg14[%parallel_loop3A_596, %parallel_loop3A_597], %parallel_loop3A_600 {add = true, strides = array<i32>} : memref<8x1024xf32, #tpu.memory_space<vmem>>, vector<1x16xf32>,
      %parallel_loop3A_601 = arith.index_cast %parallel_loop3A_568 : i32 to index
      %parallel_loop3A_602 = arith.index_cast %parallel_loop3A_586 : i32 to index
      %parallel_loop3A_603 = tpu.vector_load %arg15[%parallel_loop3A_601, %parallel_loop3A_602] {strides = array<i32>} : memref<8x1024xf32, #tpu.memory_space<vmem>>, vector<1x16xf32>,
      %parallel_loop3A_604 = vector.shape_cast %parallel_loop3A_603 : vector<1x16xf32> to vector<16xf32>
      %parallel_loop3A_605 = vector.shape_cast %parallel_loop3A_590 : vector<16xf32> to vector<1x16xf32>
      tpu.vector_store %arg15[%parallel_loop3A_601, %parallel_loop3A_602], %parallel_loop3A_605 {add = true, strides = array<i32>} : memref<8x1024xf32, #tpu.memory_space<vmem>>, vector<1x16xf32>,
      %parallel_loop3A_606 = arith.index_cast %parallel_loop3A_568 : i32 to index
      %parallel_loop3A_607 = arith.index_cast %parallel_loop3A_586 : i32 to index
      %parallel_loop3A_608 = tpu.vector_load %arg16[%parallel_loop3A_606, %parallel_loop3A_607] {strides = array<i32>} : memref<8x1024xf32, #tpu.memory_space<vmem>>, vector<1x16xf32>,
      %parallel_loop3A_609 = vector.shape_cast %parallel_loop3A_608 : vector<1x16xf32> to vector<16xf32>
      %parallel_loop3A_610 = vector.shape_cast %parallel_loop3A_590 : vector<16xf32> to vector<1x16xf32>
      tpu.vector_store %arg16[%parallel_loop3A_606, %parallel_loop3A_607], %parallel_loop3A_610 {add = true, strides = array<i32>} : memref<8x1024xf32, #tpu.memory_space<vmem>>, vector<1x16xf32>,
    } {sc.loop_unroll_factor = 2 : i64, sc.parallel_access}
    %add3A_351 = arith.constant 112 : i32
    %add3A_352 = arith.addi %mul3A_2, %add3A_351 : i32
    %multiple_of3A_353 = tpu.assume_multiple %add3A_352, 8 : i32
    %dma_start3A_354 = arith.constant 0 : i32
    %dma_start3A_355 = arith.constant 0 : i32
    %dma_start3A_356 = tpu.memref_slice %arg4[%dma_start3A_354, %multiple_of3A_353, %dma_start3A_355] : memref<4x4096x1024xf32, #tpu.memory_space<hbm>> -> memref<1x8x1024xf32, #tpu.memory_space<hbm>>
    %dma_start3A_357 = tpu.memref_squeeze %dma_start3A_356 : memref<1x8x1024xf32, #tpu.memory_space<hbm>> -> memref<8x1024xf32, #tpu.memory_space<hbm>>
    %dma_start3A_358 = arith.constant 0 : i32
    %dma_start3A_359 = tpu.memref_slice %arg4[%dma_start3A_354, %multiple_of3A_353, %dma_start3A_358] : memref<4x4096x1024xf32, #tpu.memory_space<hbm>> -> memref<1x8x1024xf32, #tpu.memory_space<hbm>>
    %dma_start3A_360 = tpu.memref_squeeze %dma_start3A_359 : memref<1x8x1024xf32, #tpu.memory_space<hbm>> -> memref<8x1024xf32, #tpu.memory_space<hbm>>
    tpu.enqueue_dma source(%arg13 : memref<8x1024xf32, #tpu.memory_space<vmem>>) target(%dma_start3A_360 : memref<8x1024xf32, #tpu.memory_space<hbm>>) target_semaphore(%arg28 : memref<!tpu.dma_semaphore, #tpu.memory_space<semaphore_mem>>)
    %dma_start3A_361 = arith.constant 1 : i32
    %dma_start3A_362 = arith.constant 0 : i32
    %dma_start3A_363 = tpu.memref_slice %arg4[%dma_start3A_361, %multiple_of3A_353, %dma_start3A_362] : memref<4x4096x1024xf32, #tpu.memory_space<hbm>> -> memref<1x8x1024xf32, #tpu.memory_space<hbm>>
    %dma_start3A_364 = tpu.memref_squeeze %dma_start3A_363 : memref<1x8x1024xf32, #tpu.memory_space<hbm>> -> memref<8x1024xf32, #tpu.memory_space<hbm>>
    %dma_start3A_365 = arith.constant 0 : i32
    %dma_start3A_366 = tpu.memref_slice %arg4[%dma_start3A_361, %multiple_of3A_353, %dma_start3A_365] : memref<4x4096x1024xf32, #tpu.memory_space<hbm>> -> memref<1x8x1024xf32, #tpu.memory_space<hbm>>
    %dma_start3A_367 = tpu.memref_squeeze %dma_start3A_366 : memref<1x8x1024xf32, #tpu.memory_space<hbm>> -> memref<8x1024xf32, #tpu.memory_space<hbm>>
    tpu.enqueue_dma source(%arg14 : memref<8x1024xf32, #tpu.memory_space<vmem>>) target(%dma_start3A_367 : memref<8x1024xf32, #tpu.memory_space<hbm>>) target_semaphore(%arg28 : memref<!tpu.dma_semaphore, #tpu.memory_space<semaphore_mem>>)
    %dma_start3A_368 = arith.constant 2 : i32
    %dma_start3A_369 = arith.constant 0 : i32
    %dma_start3A_370 = tpu.memref_slice %arg4[%dma_start3A_368, %multiple_of3A_353, %dma_start3A_369] : memref<4x4096x1024xf32, #tpu.memory_space<hbm>> -> memref<1x8x1024xf32, #tpu.memory_space<hbm>>
    %dma_start3A_371 = tpu.memref_squeeze %dma_start3A_370 : memref<1x8x1024xf32, #tpu.memory_space<hbm>> -> memref<8x1024xf32, #tpu.memory_space<hbm>>
    %dma_start3A_372 = arith.constant 0 : i32
    %dma_start3A_373 = tpu.memref_slice %arg4[%dma_start3A_368, %multiple_of3A_353, %dma_start3A_372] : memref<4x4096x1024xf32, #tpu.memory_space<hbm>> -> memref<1x8x1024xf32, #tpu.memory_space<hbm>>
    %dma_start3A_374 = tpu.memref_squeeze %dma_start3A_373 : memref<1x8x1024xf32, #tpu.memory_space<hbm>> -> memref<8x1024xf32, #tpu.memory_space<hbm>>
    tpu.enqueue_dma source(%arg15 : memref<8x1024xf32, #tpu.memory_space<vmem>>) target(%dma_start3A_374 : memref<8x1024xf32, #tpu.memory_space<hbm>>) target_semaphore(%arg28 : memref<!tpu.dma_semaphore, #tpu.memory_space<semaphore_mem>>)
    %dma_start3A_375 = arith.constant 3 : i32
    %dma_start3A_376 = arith.constant 0 : i32
    %dma_start3A_377 = tpu.memref_slice %arg4[%dma_start3A_375, %multiple_of3A_353, %dma_start3A_376] : memref<4x4096x1024xf32, #tpu.memory_space<hbm>> -> memref<1x8x1024xf32, #tpu.memory_space<hbm>>
    %dma_start3A_378 = tpu.memref_squeeze %dma_start3A_377 : memref<1x8x1024xf32, #tpu.memory_space<hbm>> -> memref<8x1024xf32, #tpu.memory_space<hbm>>
    %dma_start3A_379 = arith.constant 0 : i32
    %dma_start3A_380 = tpu.memref_slice %arg4[%dma_start3A_375, %multiple_of3A_353, %dma_start3A_379] : memref<4x4096x1024xf32, #tpu.memory_space<hbm>> -> memref<1x8x1024xf32, #tpu.memory_space<hbm>>
    %dma_start3A_381 = tpu.memref_squeeze %dma_start3A_380 : memref<1x8x1024xf32, #tpu.memory_space<hbm>> -> memref<8x1024xf32, #tpu.memory_space<hbm>>
    tpu.enqueue_dma source(%arg16 : memref<8x1024xf32, #tpu.memory_space<vmem>>) target(%dma_start3A_381 : memref<8x1024xf32, #tpu.memory_space<hbm>>) target_semaphore(%arg28 : memref<!tpu.dma_semaphore, #tpu.memory_space<semaphore_mem>>)
    %add3A_382 = arith.constant 120 : i32
    %add3A_383 = arith.addi %mul3A_2, %add3A_382 : i32
    %multiple_of3A_384 = tpu.assume_multiple %add3A_383, 8 : i32
    %dma_wait3A_385 = arith.constant 0 : i32
    %dma_wait3A_386 = tpu.memref_slice %arg3[%multiple_of3A_384, %dma_wait3A_385] : memref<8192x1024xf32, #tpu.memory_space<hbm>> -> memref<8x1024xf32, #tpu.memory_space<hbm>>
    %dma_wait3A_387 = arith.constant 0 : i32
    %dma_wait3A_388 = tpu.memref_slice %arg3[%multiple_of3A_384, %dma_wait3A_387] : memref<8192x1024xf32, #tpu.memory_space<hbm>> -> memref<8x1024xf32, #tpu.memory_space<hbm>>
    tpu.wait_dma2 semaphore(%arg23 : memref<!tpu.dma_semaphore, #tpu.memory_space<semaphore_mem>>) src(%dma_wait3A_388 : memref<8x1024xf32, #tpu.memory_space<hbm>>) dst(%arg17 : memref<8x1024xf32, #tpu.memory_space<vmem>>)
    %dma_wait3A_389 = arith.constant 0 : i32
    %dma_wait3A_390 = arith.constant 0 : i32
    %dma_wait3A_391 = tpu.memref_slice %arg2[%dma_wait3A_389, %multiple_of3A_384, %dma_wait3A_390] : memref<4x4096x1024xf32, #tpu.memory_space<hbm>> -> memref<1x8x1024xf32, #tpu.memory_space<hbm>>
    %dma_wait3A_392 = tpu.memref_squeeze %dma_wait3A_391 : memref<1x8x1024xf32, #tpu.memory_space<hbm>> -> memref<8x1024xf32, #tpu.memory_space<hbm>>
    %dma_wait3A_393 = arith.constant 0 : i32
    %dma_wait3A_394 = tpu.memref_slice %arg2[%dma_wait3A_389, %multiple_of3A_384, %dma_wait3A_393] : memref<4x4096x1024xf32, #tpu.memory_space<hbm>> -> memref<1x8x1024xf32, #tpu.memory_space<hbm>>
    %dma_wait3A_395 = tpu.memref_squeeze %dma_wait3A_394 : memref<1x8x1024xf32, #tpu.memory_space<hbm>> -> memref<8x1024xf32, #tpu.memory_space<hbm>>
    tpu.wait_dma2 semaphore(%arg20 : memref<!tpu.dma_semaphore, #tpu.memory_space<semaphore_mem>>) src(%dma_wait3A_395 : memref<8x1024xf32, #tpu.memory_space<hbm>>) dst(%arg5 : memref<8x1024xf32, #tpu.memory_space<vmem>>)
    %dma_wait3A_396 = arith.constant 1 : i32
    %dma_wait3A_397 = arith.constant 0 : i32
    %dma_wait3A_398 = tpu.memref_slice %arg2[%dma_wait3A_396, %multiple_of3A_384, %dma_wait3A_397] : memref<4x4096x1024xf32, #tpu.memory_space<hbm>> -> memref<1x8x1024xf32, #tpu.memory_space<hbm>>
    %dma_wait3A_399 = tpu.memref_squeeze %dma_wait3A_398 : memref<1x8x1024xf32, #tpu.memory_space<hbm>> -> memref<8x1024xf32, #tpu.memory_space<hbm>>
    %dma_wait3A_400 = arith.constant 0 : i32
    %dma_wait3A_401 = tpu.memref_slice %arg2[%dma_wait3A_396, %multiple_of3A_384, %dma_wait3A_400] : memref<4x4096x1024xf32, #tpu.memory_space<hbm>> -> memref<1x8x1024xf32, #tpu.memory_space<hbm>>
    %dma_wait3A_402 = tpu.memref_squeeze %dma_wait3A_401 : memref<1x8x1024xf32, #tpu.memory_space<hbm>> -> memref<8x1024xf32, #tpu.memory_space<hbm>>
    tpu.wait_dma2 semaphore(%arg20 : memref<!tpu.dma_semaphore, #tpu.memory_space<semaphore_mem>>) src(%dma_wait3A_402 : memref<8x1024xf32, #tpu.memory_space<hbm>>) dst(%arg6 : memref<8x1024xf32, #tpu.memory_space<vmem>>)
    %dma_wait3A_403 = arith.constant 2 : i32
    %dma_wait3A_404 = arith.constant 0 : i32
    %dma_wait3A_405 = tpu.memref_slice %arg2[%dma_wait3A_403, %multiple_of3A_384, %dma_wait3A_404] : memref<4x4096x1024xf32, #tpu.memory_space<hbm>> -> memref<1x8x1024xf32, #tpu.memory_space<hbm>>
    %dma_wait3A_406 = tpu.memref_squeeze %dma_wait3A_405 : memref<1x8x1024xf32, #tpu.memory_space<hbm>> -> memref<8x1024xf32, #tpu.memory_space<hbm>>
    %dma_wait3A_407 = arith.constant 0 : i32
    %dma_wait3A_408 = tpu.memref_slice %arg2[%dma_wait3A_403, %multiple_of3A_384, %dma_wait3A_407] : memref<4x4096x1024xf32, #tpu.memory_space<hbm>> -> memref<1x8x1024xf32, #tpu.memory_space<hbm>>
    %dma_wait3A_409 = tpu.memref_squeeze %dma_wait3A_408 : memref<1x8x1024xf32, #tpu.memory_space<hbm>> -> memref<8x1024xf32, #tpu.memory_space<hbm>>
    tpu.wait_dma2 semaphore(%arg20 : memref<!tpu.dma_semaphore, #tpu.memory_space<semaphore_mem>>) src(%dma_wait3A_409 : memref<8x1024xf32, #tpu.memory_space<hbm>>) dst(%arg7 : memref<8x1024xf32, #tpu.memory_space<vmem>>)
    %dma_wait3A_410 = arith.constant 3 : i32
    %dma_wait3A_411 = arith.constant 0 : i32
    %dma_wait3A_412 = tpu.memref_slice %arg2[%dma_wait3A_410, %multiple_of3A_384, %dma_wait3A_411] : memref<4x4096x1024xf32, #tpu.memory_space<hbm>> -> memref<1x8x1024xf32, #tpu.memory_space<hbm>>
    %dma_wait3A_413 = tpu.memref_squeeze %dma_wait3A_412 : memref<1x8x1024xf32, #tpu.memory_space<hbm>> -> memref<8x1024xf32, #tpu.memory_space<hbm>>
    %dma_wait3A_414 = arith.constant 0 : i32
    %dma_wait3A_415 = tpu.memref_slice %arg2[%dma_wait3A_410, %multiple_of3A_384, %dma_wait3A_414] : memref<4x4096x1024xf32, #tpu.memory_space<hbm>> -> memref<1x8x1024xf32, #tpu.memory_space<hbm>>
    %dma_wait3A_416 = tpu.memref_squeeze %dma_wait3A_415 : memref<1x8x1024xf32, #tpu.memory_space<hbm>> -> memref<8x1024xf32, #tpu.memory_space<hbm>>
    tpu.wait_dma2 semaphore(%arg20 : memref<!tpu.dma_semaphore, #tpu.memory_space<semaphore_mem>>) src(%dma_wait3A_416 : memref<8x1024xf32, #tpu.memory_space<hbm>>) dst(%arg8 : memref<8x1024xf32, #tpu.memory_space<vmem>>)
    %parallel_loop3A_417 = arith.constant 0 : i32
    %parallel_loop3A_418 = arith.constant 512 : i32
    %parallel_loop3A_419 = arith.constant 1 : i32
    scf.for %parallel_loop3A_544 = %parallel_loop3A_417 to %parallel_loop3A_418 step %parallel_loop3A_419  : i32 {
      %parallel_loop3A_545 = arith.constant 64 : i32
      %parallel_loop3A_546 = arith.divsi %parallel_loop3A_544, %parallel_loop3A_545 : i32
      %parallel_loop3A_547 = arith.constant 0 : i32
      %parallel_loop3A_548 = arith.cmpi sgt, %parallel_loop3A_544, %parallel_loop3A_547 : i32
      %parallel_loop3A_549 = arith.extui %parallel_loop3A_548 : i1 to i32
      %parallel_loop3A_550 = arith.constant 0 : i32
      %parallel_loop3A_551 = arith.cmpi slt, %parallel_loop3A_544, %parallel_loop3A_550 : i32
      %parallel_loop3A_552 = arith.extui %parallel_loop3A_551 : i1 to i32
      %parallel_loop3A_553 = arith.subi %parallel_loop3A_549, %parallel_loop3A_552 : i32
      %parallel_loop3A_554 = arith.constant 0 : i32
      %parallel_loop3A_555 = arith.cmpi sgt, %parallel_loop3A_545, %parallel_loop3A_554 : i32
      %parallel_loop3A_556 = arith.extui %parallel_loop3A_555 : i1 to i32
      %parallel_loop3A_557 = arith.constant 0 : i32
      %parallel_loop3A_558 = arith.cmpi slt, %parallel_loop3A_545, %parallel_loop3A_557 : i32
      %parallel_loop3A_559 = arith.extui %parallel_loop3A_558 : i1 to i32
      %parallel_loop3A_560 = arith.subi %parallel_loop3A_556, %parallel_loop3A_559 : i32
      %parallel_loop3A_561 = arith.cmpi ne, %parallel_loop3A_553, %parallel_loop3A_560 : i32
      %parallel_loop3A_562 = arith.remsi %parallel_loop3A_544, %parallel_loop3A_545 : i32
      %parallel_loop3A_563 = arith.constant 0 : i32
      %parallel_loop3A_564 = arith.cmpi ne, %parallel_loop3A_562, %parallel_loop3A_563 : i32
      %parallel_loop3A_565 = arith.andi %parallel_loop3A_561, %parallel_loop3A_564 : i1
      %parallel_loop3A_566 = arith.constant 1 : i32
      %parallel_loop3A_567 = arith.subi %parallel_loop3A_546, %parallel_loop3A_566 : i32
      %parallel_loop3A_568 = arith.select %parallel_loop3A_565, %parallel_loop3A_567, %parallel_loop3A_546 : i32
      %parallel_loop3A_569 = arith.constant 64 : i32
      %parallel_loop3A_570 = arith.constant 0 : i32
      %parallel_loop3A_571 = arith.cmpi eq, %parallel_loop3A_569, %parallel_loop3A_570 : i32
      %parallel_loop3A_572 = arith.constant 1 : i32
      %parallel_loop3A_573 = arith.select %parallel_loop3A_571, %parallel_loop3A_572, %parallel_loop3A_569 : i32
      %parallel_loop3A_574 = arith.remsi %parallel_loop3A_544, %parallel_loop3A_573 : i32
      %parallel_loop3A_575 = arith.constant 0 : i32
      %parallel_loop3A_576 = arith.cmpi ne, %parallel_loop3A_574, %parallel_loop3A_575 : i32
      %parallel_loop3A_577 = arith.constant 0 : i32
      %parallel_loop3A_578 = arith.cmpi slt, %parallel_loop3A_574, %parallel_loop3A_577 : i32
      %parallel_loop3A_579 = arith.constant 0 : i32
      %parallel_loop3A_580 = arith.cmpi slt, %parallel_loop3A_573, %parallel_loop3A_579 : i32
      %parallel_loop3A_581 = arith.xori %parallel_loop3A_578, %parallel_loop3A_580 : i1
      %parallel_loop3A_582 = arith.andi %parallel_loop3A_581, %parallel_loop3A_576 : i1
      %parallel_loop3A_583 = arith.addi %parallel_loop3A_574, %parallel_loop3A_573 : i32
      %parallel_loop3A_584 = arith.select %parallel_loop3A_582, %parallel_loop3A_583, %parallel_loop3A_574 : i32
      %parallel_loop3A_585 = arith.constant 16 : i32
      %parallel_loop3A_586 = arith.muli %parallel_loop3A_584, %parallel_loop3A_585 : i32
      %parallel_loop3A_587 = arith.index_cast %parallel_loop3A_568 : i32 to index
      %parallel_loop3A_588 = arith.index_cast %parallel_loop3A_586 : i32 to index
      %parallel_loop3A_589 = tpu.vector_load %arg17[%parallel_loop3A_587, %parallel_loop3A_588] {strides = array<i32>} : memref<8x1024xf32, #tpu.memory_space<vmem>>, vector<1x16xf32>,
      %parallel_loop3A_590 = vector.shape_cast %parallel_loop3A_589 : vector<1x16xf32> to vector<16xf32>
      %parallel_loop3A_591 = arith.index_cast %parallel_loop3A_568 : i32 to index
      %parallel_loop3A_592 = arith.index_cast %parallel_loop3A_586 : i32 to index
      %parallel_loop3A_593 = tpu.vector_load %arg5[%parallel_loop3A_591, %parallel_loop3A_592] {strides = array<i32>} : memref<8x1024xf32, #tpu.memory_space<vmem>>, vector<1x16xf32>,
      %parallel_loop3A_594 = vector.shape_cast %parallel_loop3A_593 : vector<1x16xf32> to vector<16xf32>
      %parallel_loop3A_595 = vector.shape_cast %parallel_loop3A_590 : vector<16xf32> to vector<1x16xf32>
      tpu.vector_store %arg5[%parallel_loop3A_591, %parallel_loop3A_592], %parallel_loop3A_595 {add = true, strides = array<i32>} : memref<8x1024xf32, #tpu.memory_space<vmem>>, vector<1x16xf32>,
      %parallel_loop3A_596 = arith.index_cast %parallel_loop3A_568 : i32 to index
      %parallel_loop3A_597 = arith.index_cast %parallel_loop3A_586 : i32 to index
      %parallel_loop3A_598 = tpu.vector_load %arg6[%parallel_loop3A_596, %parallel_loop3A_597] {strides = array<i32>} : memref<8x1024xf32, #tpu.memory_space<vmem>>, vector<1x16xf32>,
      %parallel_loop3A_599 = vector.shape_cast %parallel_loop3A_598 : vector<1x16xf32> to vector<16xf32>
      %parallel_loop3A_600 = vector.shape_cast %parallel_loop3A_590 : vector<16xf32> to vector<1x16xf32>
      tpu.vector_store %arg6[%parallel_loop3A_596, %parallel_loop3A_597], %parallel_loop3A_600 {add = true, strides = array<i32>} : memref<8x1024xf32, #tpu.memory_space<vmem>>, vector<1x16xf32>,
      %parallel_loop3A_601 = arith.index_cast %parallel_loop3A_568 : i32 to index
      %parallel_loop3A_602 = arith.index_cast %parallel_loop3A_586 : i32 to index
      %parallel_loop3A_603 = tpu.vector_load %arg7[%parallel_loop3A_601, %parallel_loop3A_602] {strides = array<i32>} : memref<8x1024xf32, #tpu.memory_space<vmem>>, vector<1x16xf32>,
      %parallel_loop3A_604 = vector.shape_cast %parallel_loop3A_603 : vector<1x16xf32> to vector<16xf32>
      %parallel_loop3A_605 = vector.shape_cast %parallel_loop3A_590 : vector<16xf32> to vector<1x16xf32>
      tpu.vector_store %arg7[%parallel_loop3A_601, %parallel_loop3A_602], %parallel_loop3A_605 {add = true, strides = array<i32>} : memref<8x1024xf32, #tpu.memory_space<vmem>>, vector<1x16xf32>,
      %parallel_loop3A_606 = arith.index_cast %parallel_loop3A_568 : i32 to index
      %parallel_loop3A_607 = arith.index_cast %parallel_loop3A_586 : i32 to index
      %parallel_loop3A_608 = tpu.vector_load %arg8[%parallel_loop3A_606, %parallel_loop3A_607] {strides = array<i32>} : memref<8x1024xf32, #tpu.memory_space<vmem>>, vector<1x16xf32>,
      %parallel_loop3A_609 = vector.shape_cast %parallel_loop3A_608 : vector<1x16xf32> to vector<16xf32>
      %parallel_loop3A_610 = vector.shape_cast %parallel_loop3A_590 : vector<16xf32> to vector<1x16xf32>
      tpu.vector_store %arg8[%parallel_loop3A_606, %parallel_loop3A_607], %parallel_loop3A_610 {add = true, strides = array<i32>} : memref<8x1024xf32, #tpu.memory_space<vmem>>, vector<1x16xf32>,
    } {sc.loop_unroll_factor = 2 : i64, sc.parallel_access}
    %add3A_420 = arith.constant 120 : i32
    %add3A_421 = arith.addi %mul3A_2, %add3A_420 : i32
    %multiple_of3A_422 = tpu.assume_multiple %add3A_421, 8 : i32
    %dma_start3A_423 = arith.constant 0 : i32
    %dma_start3A_424 = arith.constant 0 : i32
    %dma_start3A_425 = tpu.memref_slice %arg4[%dma_start3A_423, %multiple_of3A_422, %dma_start3A_424] : memref<4x4096x1024xf32, #tpu.memory_space<hbm>> -> memref<1x8x1024xf32, #tpu.memory_space<hbm>>
    %dma_start3A_426 = tpu.memref_squeeze %dma_start3A_425 : memref<1x8x1024xf32, #tpu.memory_space<hbm>> -> memref<8x1024xf32, #tpu.memory_space<hbm>>
    %dma_start3A_427 = arith.constant 0 : i32
    %dma_start3A_428 = tpu.memref_slice %arg4[%dma_start3A_423, %multiple_of3A_422, %dma_start3A_427] : memref<4x4096x1024xf32, #tpu.memory_space<hbm>> -> memref<1x8x1024xf32, #tpu.memory_space<hbm>>
    %dma_start3A_429 = tpu.memref_squeeze %dma_start3A_428 : memref<1x8x1024xf32, #tpu.memory_space<hbm>> -> memref<8x1024xf32, #tpu.memory_space<hbm>>
    tpu.enqueue_dma source(%arg5 : memref<8x1024xf32, #tpu.memory_space<vmem>>) target(%dma_start3A_429 : memref<8x1024xf32, #tpu.memory_space<hbm>>) target_semaphore(%arg26 : memref<!tpu.dma_semaphore, #tpu.memory_space<semaphore_mem>>)
    %dma_start3A_430 = arith.constant 1 : i32
    %dma_start3A_431 = arith.constant 0 : i32
    %dma_start3A_432 = tpu.memref_slice %arg4[%dma_start3A_430, %multiple_of3A_422, %dma_start3A_431] : memref<4x4096x1024xf32, #tpu.memory_space<hbm>> -> memref<1x8x1024xf32, #tpu.memory_space<hbm>>
    %dma_start3A_433 = tpu.memref_squeeze %dma_start3A_432 : memref<1x8x1024xf32, #tpu.memory_space<hbm>> -> memref<8x1024xf32, #tpu.memory_space<hbm>>
    %dma_start3A_434 = arith.constant 0 : i32
    %dma_start3A_435 = tpu.memref_slice %arg4[%dma_start3A_430, %multiple_of3A_422, %dma_start3A_434] : memref<4x4096x1024xf32, #tpu.memory_space<hbm>> -> memref<1x8x1024xf32, #tpu.memory_space<hbm>>
    %dma_start3A_436 = tpu.memref_squeeze %dma_start3A_435 : memref<1x8x1024xf32, #tpu.memory_space<hbm>> -> memref<8x1024xf32, #tpu.memory_space<hbm>>
    tpu.enqueue_dma source(%arg6 : memref<8x1024xf32, #tpu.memory_space<vmem>>) target(%dma_start3A_436 : memref<8x1024xf32, #tpu.memory_space<hbm>>) target_semaphore(%arg26 : memref<!tpu.dma_semaphore, #tpu.memory_space<semaphore_mem>>)
    %dma_start3A_437 = arith.constant 2 : i32
    %dma_start3A_438 = arith.constant 0 : i32
    %dma_start3A_439 = tpu.memref_slice %arg4[%dma_start3A_437, %multiple_of3A_422, %dma_start3A_438] : memref<4x4096x1024xf32, #tpu.memory_space<hbm>> -> memref<1x8x1024xf32, #tpu.memory_space<hbm>>
    %dma_start3A_440 = tpu.memref_squeeze %dma_start3A_439 : memref<1x8x1024xf32, #tpu.memory_space<hbm>> -> memref<8x1024xf32, #tpu.memory_space<hbm>>
    %dma_start3A_441 = arith.constant 0 : i32
    %dma_start3A_442 = tpu.memref_slice %arg4[%dma_start3A_437, %multiple_of3A_422, %dma_start3A_441] : memref<4x4096x1024xf32, #tpu.memory_space<hbm>> -> memref<1x8x1024xf32, #tpu.memory_space<hbm>>
    %dma_start3A_443 = tpu.memref_squeeze %dma_start3A_442 : memref<1x8x1024xf32, #tpu.memory_space<hbm>> -> memref<8x1024xf32, #tpu.memory_space<hbm>>
    tpu.enqueue_dma source(%arg7 : memref<8x1024xf32, #tpu.memory_space<vmem>>) target(%dma_start3A_443 : memref<8x1024xf32, #tpu.memory_space<hbm>>) target_semaphore(%arg26 : memref<!tpu.dma_semaphore, #tpu.memory_space<semaphore_mem>>)
    %dma_start3A_444 = arith.constant 3 : i32
    %dma_start3A_445 = arith.constant 0 : i32
    %dma_start3A_446 = tpu.memref_slice %arg4[%dma_start3A_444, %multiple_of3A_422, %dma_start3A_445] : memref<4x4096x1024xf32, #tpu.memory_space<hbm>> -> memref<1x8x1024xf32, #tpu.memory_space<hbm>>
    %dma_start3A_447 = tpu.memref_squeeze %dma_start3A_446 : memref<1x8x1024xf32, #tpu.memory_space<hbm>> -> memref<8x1024xf32, #tpu.memory_space<hbm>>
    %dma_start3A_448 = arith.constant 0 : i32
    %dma_start3A_449 = tpu.memref_slice %arg4[%dma_start3A_444, %multiple_of3A_422, %dma_start3A_448] : memref<4x4096x1024xf32, #tpu.memory_space<hbm>> -> memref<1x8x1024xf32, #tpu.memory_space<hbm>>
    %dma_start3A_450 = tpu.memref_squeeze %dma_start3A_449 : memref<1x8x1024xf32, #tpu.memory_space<hbm>> -> memref<8x1024xf32, #tpu.memory_space<hbm>>
    tpu.enqueue_dma source(%arg8 : memref<8x1024xf32, #tpu.memory_space<vmem>>) target(%dma_start3A_450 : memref<8x1024xf32, #tpu.memory_space<hbm>>) target_semaphore(%arg26 : memref<!tpu.dma_semaphore, #tpu.memory_space<semaphore_mem>>)
    %add3A_451 = arith.constant 104 : i32
    %add3A_452 = arith.addi %mul3A_2, %add3A_451 : i32
    %multiple_of3A_453 = tpu.assume_multiple %add3A_452, 8 : i32
    %dma_wait3A_454 = arith.constant 0 : i32
    %dma_wait3A_455 = arith.constant 0 : i32
    %dma_wait3A_456 = tpu.memref_slice %arg4[%dma_wait3A_454, %multiple_of3A_453, %dma_wait3A_455] : memref<4x4096x1024xf32, #tpu.memory_space<hbm>> -> memref<1x8x1024xf32, #tpu.memory_space<hbm>>
    %dma_wait3A_457 = tpu.memref_squeeze %dma_wait3A_456 : memref<1x8x1024xf32, #tpu.memory_space<hbm>> -> memref<8x1024xf32, #tpu.memory_space<hbm>>
    %dma_wait3A_458 = arith.constant 0 : i32
    %dma_wait3A_459 = tpu.memref_slice %arg4[%dma_wait3A_454, %multiple_of3A_453, %dma_wait3A_458] : memref<4x4096x1024xf32, #tpu.memory_space<hbm>> -> memref<1x8x1024xf32, #tpu.memory_space<hbm>>
    %dma_wait3A_460 = tpu.memref_squeeze %dma_wait3A_459 : memref<1x8x1024xf32, #tpu.memory_space<hbm>> -> memref<8x1024xf32, #tpu.memory_space<hbm>>
    tpu.wait_dma2 semaphore(%arg27 : memref<!tpu.dma_semaphore, #tpu.memory_space<semaphore_mem>>) src(%arg9 : memref<8x1024xf32, #tpu.memory_space<vmem>>) dst(%dma_wait3A_460 : memref<8x1024xf32, #tpu.memory_space<hbm>>)
    %dma_wait3A_461 = arith.constant 1 : i32
    %dma_wait3A_462 = arith.constant 0 : i32
    %dma_wait3A_463 = tpu.memref_slice %arg4[%dma_wait3A_461, %multiple_of3A_453, %dma_wait3A_462] : memref<4x4096x1024xf32, #tpu.memory_space<hbm>> -> memref<1x8x1024xf32, #tpu.memory_space<hbm>>
    %dma_wait3A_464 = tpu.memref_squeeze %dma_wait3A_463 : memref<1x8x1024xf32, #tpu.memory_space<hbm>> -> memref<8x1024xf32, #tpu.memory_space<hbm>>
    %dma_wait3A_465 = arith.constant 0 : i32
    %dma_wait3A_466 = tpu.memref_slice %arg4[%dma_wait3A_461, %multiple_of3A_453, %dma_wait3A_465] : memref<4x4096x1024xf32, #tpu.memory_space<hbm>> -> memref<1x8x1024xf32, #tpu.memory_space<hbm>>
    %dma_wait3A_467 = tpu.memref_squeeze %dma_wait3A_466 : memref<1x8x1024xf32, #tpu.memory_space<hbm>> -> memref<8x1024xf32, #tpu.memory_space<hbm>>
    tpu.wait_dma2 semaphore(%arg27 : memref<!tpu.dma_semaphore, #tpu.memory_space<semaphore_mem>>) src(%arg10 : memref<8x1024xf32, #tpu.memory_space<vmem>>) dst(%dma_wait3A_467 : memref<8x1024xf32, #tpu.memory_space<hbm>>)
    %dma_wait3A_468 = arith.constant 2 : i32
    %dma_wait3A_469 = arith.constant 0 : i32
    %dma_wait3A_470 = tpu.memref_slice %arg4[%dma_wait3A_468, %multiple_of3A_453, %dma_wait3A_469] : memref<4x4096x1024xf32, #tpu.memory_space<hbm>> -> memref<1x8x1024xf32, #tpu.memory_space<hbm>>
    %dma_wait3A_471 = tpu.memref_squeeze %dma_wait3A_470 : memref<1x8x1024xf32, #tpu.memory_space<hbm>> -> memref<8x1024xf32, #tpu.memory_space<hbm>>
    %dma_wait3A_472 = arith.constant 0 : i32
    %dma_wait3A_473 = tpu.memref_slice %arg4[%dma_wait3A_468, %multiple_of3A_453, %dma_wait3A_472] : memref<4x4096x1024xf32, #tpu.memory_space<hbm>> -> memref<1x8x1024xf32, #tpu.memory_space<hbm>>
    %dma_wait3A_474 = tpu.memref_squeeze %dma_wait3A_473 : memref<1x8x1024xf32, #tpu.memory_space<hbm>> -> memref<8x1024xf32, #tpu.memory_space<hbm>>
    tpu.wait_dma2 semaphore(%arg27 : memref<!tpu.dma_semaphore, #tpu.memory_space<semaphore_mem>>) src(%arg11 : memref<8x1024xf32, #tpu.memory_space<vmem>>) dst(%dma_wait3A_474 : memref<8x1024xf32, #tpu.memory_space<hbm>>)
    %dma_wait3A_475 = arith.constant 3 : i32
    %dma_wait3A_476 = arith.constant 0 : i32
    %dma_wait3A_477 = tpu.memref_slice %arg4[%dma_wait3A_475, %multiple_of3A_453, %dma_wait3A_476] : memref<4x4096x1024xf32, #tpu.memory_space<hbm>> -> memref<1x8x1024xf32, #tpu.memory_space<hbm>>
    %dma_wait3A_478 = tpu.memref_squeeze %dma_wait3A_477 : memref<1x8x1024xf32, #tpu.memory_space<hbm>> -> memref<8x1024xf32, #tpu.memory_space<hbm>>
    %dma_wait3A_479 = arith.constant 0 : i32
    %dma_wait3A_480 = tpu.memref_slice %arg4[%dma_wait3A_475, %multiple_of3A_453, %dma_wait3A_479] : memref<4x4096x1024xf32, #tpu.memory_space<hbm>> -> memref<1x8x1024xf32, #tpu.memory_space<hbm>>
    %dma_wait3A_481 = tpu.memref_squeeze %dma_wait3A_480 : memref<1x8x1024xf32, #tpu.memory_space<hbm>> -> memref<8x1024xf32, #tpu.memory_space<hbm>>
    tpu.wait_dma2 semaphore(%arg27 : memref<!tpu.dma_semaphore, #tpu.memory_space<semaphore_mem>>) src(%arg12 : memref<8x1024xf32, #tpu.memory_space<vmem>>) dst(%dma_wait3A_481 : memref<8x1024xf32, #tpu.memory_space<hbm>>)
    %add3A_482 = arith.constant 112 : i32
    %add3A_483 = arith.addi %mul3A_2, %add3A_482 : i32
    %multiple_of3A_484 = tpu.assume_multiple %add3A_483, 8 : i32
    %dma_wait3A_485 = arith.constant 0 : i32
    %dma_wait3A_486 = arith.constant 0 : i32
    %dma_wait3A_487 = tpu.memref_slice %arg4[%dma_wait3A_485, %multiple_of3A_484, %dma_wait3A_486] : memref<4x4096x1024xf32, #tpu.memory_space<hbm>> -> memref<1x8x1024xf32, #tpu.memory_space<hbm>>
    %dma_wait3A_488 = tpu.memref_squeeze %dma_wait3A_487 : memref<1x8x1024xf32, #tpu.memory_space<hbm>> -> memref<8x1024xf32, #tpu.memory_space<hbm>>
    %dma_wait3A_489 = arith.constant 0 : i32
    %dma_wait3A_490 = tpu.memref_slice %arg4[%dma_wait3A_485, %multiple_of3A_484, %dma_wait3A_489] : memref<4x4096x1024xf32, #tpu.memory_space<hbm>> -> memref<1x8x1024xf32, #tpu.memory_space<hbm>>
    %dma_wait3A_491 = tpu.memref_squeeze %dma_wait3A_490 : memref<1x8x1024xf32, #tpu.memory_space<hbm>> -> memref<8x1024xf32, #tpu.memory_space<hbm>>
    tpu.wait_dma2 semaphore(%arg28 : memref<!tpu.dma_semaphore, #tpu.memory_space<semaphore_mem>>) src(%arg13 : memref<8x1024xf32, #tpu.memory_space<vmem>>) dst(%dma_wait3A_491 : memref<8x1024xf32, #tpu.memory_space<hbm>>)
    %dma_wait3A_492 = arith.constant 1 : i32
    %dma_wait3A_493 = arith.constant 0 : i32
    %dma_wait3A_494 = tpu.memref_slice %arg4[%dma_wait3A_492, %multiple_of3A_484, %dma_wait3A_493] : memref<4x4096x1024xf32, #tpu.memory_space<hbm>> -> memref<1x8x1024xf32, #tpu.memory_space<hbm>>
    %dma_wait3A_495 = tpu.memref_squeeze %dma_wait3A_494 : memref<1x8x1024xf32, #tpu.memory_space<hbm>> -> memref<8x1024xf32, #tpu.memory_space<hbm>>
    %dma_wait3A_496 = arith.constant 0 : i32
    %dma_wait3A_497 = tpu.memref_slice %arg4[%dma_wait3A_492, %multiple_of3A_484, %dma_wait3A_496] : memref<4x4096x1024xf32, #tpu.memory_space<hbm>> -> memref<1x8x1024xf32, #tpu.memory_space<hbm>>
    %dma_wait3A_498 = tpu.memref_squeeze %dma_wait3A_497 : memref<1x8x1024xf32, #tpu.memory_space<hbm>> -> memref<8x1024xf32, #tpu.memory_space<hbm>>
    tpu.wait_dma2 semaphore(%arg28 : memref<!tpu.dma_semaphore, #tpu.memory_space<semaphore_mem>>) src(%arg14 : memref<8x1024xf32, #tpu.memory_space<vmem>>) dst(%dma_wait3A_498 : memref<8x1024xf32, #tpu.memory_space<hbm>>)
    %dma_wait3A_499 = arith.constant 2 : i32
    %dma_wait3A_500 = arith.constant 0 : i32
    %dma_wait3A_501 = tpu.memref_slice %arg4[%dma_wait3A_499, %multiple_of3A_484, %dma_wait3A_500] : memref<4x4096x1024xf32, #tpu.memory_space<hbm>> -> memref<1x8x1024xf32, #tpu.memory_space<hbm>>
    %dma_wait3A_502 = tpu.memref_squeeze %dma_wait3A_501 : memref<1x8x1024xf32, #tpu.memory_space<hbm>> -> memref<8x1024xf32, #tpu.memory_space<hbm>>
    %dma_wait3A_503 = arith.constant 0 : i32
    %dma_wait3A_504 = tpu.memref_slice %arg4[%dma_wait3A_499, %multiple_of3A_484, %dma_wait3A_503] : memref<4x4096x1024xf32, #tpu.memory_space<hbm>> -> memref<1x8x1024xf32, #tpu.memory_space<hbm>>
    %dma_wait3A_505 = tpu.memref_squeeze %dma_wait3A_504 : memref<1x8x1024xf32, #tpu.memory_space<hbm>> -> memref<8x1024xf32, #tpu.memory_space<hbm>>
    tpu.wait_dma2 semaphore(%arg28 : memref<!tpu.dma_semaphore, #tpu.memory_space<semaphore_mem>>) src(%arg15 : memref<8x1024xf32, #tpu.memory_space<vmem>>) dst(%dma_wait3A_505 : memref<8x1024xf32, #tpu.memory_space<hbm>>)
    %dma_wait3A_506 = arith.constant 3 : i32
    %dma_wait3A_507 = arith.constant 0 : i32
    %dma_wait3A_508 = tpu.memref_slice %arg4[%dma_wait3A_506, %multiple_of3A_484, %dma_wait3A_507] : memref<4x4096x1024xf32, #tpu.memory_space<hbm>> -> memref<1x8x1024xf32, #tpu.memory_space<hbm>>
    %dma_wait3A_509 = tpu.memref_squeeze %dma_wait3A_508 : memref<1x8x1024xf32, #tpu.memory_space<hbm>> -> memref<8x1024xf32, #tpu.memory_space<hbm>>
    %dma_wait3A_510 = arith.constant 0 : i32
    %dma_wait3A_511 = tpu.memref_slice %arg4[%dma_wait3A_506, %multiple_of3A_484, %dma_wait3A_510] : memref<4x4096x1024xf32, #tpu.memory_space<hbm>> -> memref<1x8x1024xf32, #tpu.memory_space<hbm>>
    %dma_wait3A_512 = tpu.memref_squeeze %dma_wait3A_511 : memref<1x8x1024xf32, #tpu.memory_space<hbm>> -> memref<8x1024xf32, #tpu.memory_space<hbm>>
    tpu.wait_dma2 semaphore(%arg28 : memref<!tpu.dma_semaphore, #tpu.memory_space<semaphore_mem>>) src(%arg16 : memref<8x1024xf32, #tpu.memory_space<vmem>>) dst(%dma_wait3A_512 : memref<8x1024xf32, #tpu.memory_space<hbm>>)
    %add3A_513 = arith.constant 120 : i32
    %add3A_514 = arith.addi %mul3A_2, %add3A_513 : i32
    %multiple_of3A_515 = tpu.assume_multiple %add3A_514, 8 : i32
    %dma_wait3A_516 = arith.constant 0 : i32
    %dma_wait3A_517 = arith.constant 0 : i32
    %dma_wait3A_518 = tpu.memref_slice %arg4[%dma_wait3A_516, %multiple_of3A_515, %dma_wait3A_517] : memref<4x4096x1024xf32, #tpu.memory_space<hbm>> -> memref<1x8x1024xf32, #tpu.memory_space<hbm>>
    %dma_wait3A_519 = tpu.memref_squeeze %dma_wait3A_518 : memref<1x8x1024xf32, #tpu.memory_space<hbm>> -> memref<8x1024xf32, #tpu.memory_space<hbm>>
    %dma_wait3A_520 = arith.constant 0 : i32
    %dma_wait3A_521 = tpu.memref_slice %arg4[%dma_wait3A_516, %multiple_of3A_515, %dma_wait3A_520] : memref<4x4096x1024xf32, #tpu.memory_space<hbm>> -> memref<1x8x1024xf32, #tpu.memory_space<hbm>>
    %dma_wait3A_522 = tpu.memref_squeeze %dma_wait3A_521 : memref<1x8x1024xf32, #tpu.memory_space<hbm>> -> memref<8x1024xf32, #tpu.memory_space<hbm>>
    tpu.wait_dma2 semaphore(%arg26 : memref<!tpu.dma_semaphore, #tpu.memory_space<semaphore_mem>>) src(%arg5 : memref<8x1024xf32, #tpu.memory_space<vmem>>) dst(%dma_wait3A_522 : memref<8x1024xf32, #tpu.memory_space<hbm>>)
    %dma_wait3A_523 = arith.constant 1 : i32
    %dma_wait3A_524 = arith.constant 0 : i32
    %dma_wait3A_525 = tpu.memref_slice %arg4[%dma_wait3A_523, %multiple_of3A_515, %dma_wait3A_524] : memref<4x4096x1024xf32, #tpu.memory_space<hbm>> -> memref<1x8x1024xf32, #tpu.memory_space<hbm>>
    %dma_wait3A_526 = tpu.memref_squeeze %dma_wait3A_525 : memref<1x8x1024xf32, #tpu.memory_space<hbm>> -> memref<8x1024xf32, #tpu.memory_space<hbm>>
    %dma_wait3A_527 = arith.constant 0 : i32
    %dma_wait3A_528 = tpu.memref_slice %arg4[%dma_wait3A_523, %multiple_of3A_515, %dma_wait3A_527] : memref<4x4096x1024xf32, #tpu.memory_space<hbm>> -> memref<1x8x1024xf32, #tpu.memory_space<hbm>>
    %dma_wait3A_529 = tpu.memref_squeeze %dma_wait3A_528 : memref<1x8x1024xf32, #tpu.memory_space<hbm>> -> memref<8x1024xf32, #tpu.memory_space<hbm>>
    tpu.wait_dma2 semaphore(%arg26 : memref<!tpu.dma_semaphore, #tpu.memory_space<semaphore_mem>>) src(%arg6 : memref<8x1024xf32, #tpu.memory_space<vmem>>) dst(%dma_wait3A_529 : memref<8x1024xf32, #tpu.memory_space<hbm>>)
    %dma_wait3A_530 = arith.constant 2 : i32
    %dma_wait3A_531 = arith.constant 0 : i32
    %dma_wait3A_532 = tpu.memref_slice %arg4[%dma_wait3A_530, %multiple_of3A_515, %dma_wait3A_531] : memref<4x4096x1024xf32, #tpu.memory_space<hbm>> -> memref<1x8x1024xf32, #tpu.memory_space<hbm>>
    %dma_wait3A_533 = tpu.memref_squeeze %dma_wait3A_532 : memref<1x8x1024xf32, #tpu.memory_space<hbm>> -> memref<8x1024xf32, #tpu.memory_space<hbm>>
    %dma_wait3A_534 = arith.constant 0 : i32
    %dma_wait3A_535 = tpu.memref_slice %arg4[%dma_wait3A_530, %multiple_of3A_515, %dma_wait3A_534] : memref<4x4096x1024xf32, #tpu.memory_space<hbm>> -> memref<1x8x1024xf32, #tpu.memory_space<hbm>>
    %dma_wait3A_536 = tpu.memref_squeeze %dma_wait3A_535 : memref<1x8x1024xf32, #tpu.memory_space<hbm>> -> memref<8x1024xf32, #tpu.memory_space<hbm>>
    tpu.wait_dma2 semaphore(%arg26 : memref<!tpu.dma_semaphore, #tpu.memory_space<semaphore_mem>>) src(%arg7 : memref<8x1024xf32, #tpu.memory_space<vmem>>) dst(%dma_wait3A_536 : memref<8x1024xf32, #tpu.memory_space<hbm>>)
    %dma_wait3A_537 = arith.constant 3 : i32
    %dma_wait3A_538 = arith.constant 0 : i32
    %dma_wait3A_539 = tpu.memref_slice %arg4[%dma_wait3A_537, %multiple_of3A_515, %dma_wait3A_538] : memref<4x4096x1024xf32, #tpu.memory_space<hbm>> -> memref<1x8x1024xf32, #tpu.memory_space<hbm>>
    %dma_wait3A_540 = tpu.memref_squeeze %dma_wait3A_539 : memref<1x8x1024xf32, #tpu.memory_space<hbm>> -> memref<8x1024xf32, #tpu.memory_space<hbm>>
    %dma_wait3A_541 = arith.constant 0 : i32
    %dma_wait3A_542 = tpu.memref_slice %arg4[%dma_wait3A_537, %multiple_of3A_515, %dma_wait3A_541] : memref<4x4096x1024xf32, #tpu.memory_space<hbm>> -> memref<1x8x1024xf32, #tpu.memory_space<hbm>>
    %dma_wait3A_543 = tpu.memref_squeeze %dma_wait3A_542 : memref<1x8x1024xf32, #tpu.memory_space<hbm>> -> memref<8x1024xf32, #tpu.memory_space<hbm>>
    tpu.wait_dma2 semaphore(%arg26 : memref<!tpu.dma_semaphore, #tpu.memory_space<semaphore_mem>>) src(%arg8 : memref<8x1024xf32, #tpu.memory_space<vmem>>) dst(%dma_wait3A_543 : memref<8x1024xf32, #tpu.memory_space<hbm>>)
    return
  }
}

</mosaic_0001>

<sc_bundles>
// kernel: kernel.3.cloned.1.call-start
scs
__scs_entry_jumppad:
0x0: {  	(pc) =	sbr.rel $0x88, $3  }
0x1: {  	(tag) =	ssettag $0x0;
	lr =	simm.s32 $0x1  }
0x2: {  	[smem:$0x3F9F] =	sst lr;
	_ =	strace $0xD0000000  }
0x3: {  	_ = 	snop  }
0x4: {  	_ = 	snop  }
0x5: {  	_ = 	snop  }
0x6: {  	_ = 	snop  }
0x7: {  	_ = 	snop  }
__scs_overlays_trampoline_lowered:
0x8: {  	[smem:$0x3FAE] =	sst s0  }
0x9: {  	[smem:$0x3FAF] =	sst s1  }
0xa: {  	[smem:$0x3FB0] =	sst s2  }
0xb: {  	[smem:$0x3FB1] =	sst s3  }
0xc: {  	[smem:$0x3FB2] =	sst s4  }
0xd: {  	[smem:$0x3FB3] =	sst s5  }
0xe: {  	[smem:$0x3FB4] =	sst s6  }
0xf: {  	[smem:$0x3FB5] =	sst s7  }
0x10: {  	[smem:$0x3FB6] =	sst s8  }
0x11: {  	[smem:$0x3FB7] =	sst s9;
	s0 =	simm.s32 @!p0 $0x0  }
0x12: {  	s1 =	sld [smem:$0x3F9D];
	s0 =	simm.s32 @p0 $0x1  }
0x13: {  	[smem:$0x3FB8] =	sst s0;
	s0 =	simm.s32 @!p1 $0x0  }
0x14: {  	s2 =	sld [smem:$0x3F9C];
	s0 =	simm.s32 @p1 $0x1  }
0x15: {  	[smem:$0x3FB9] =	sst s0;
	s0 =	simm.s32 @!p2 $0x0  }
0x16: {  	s3 =	sld [smem:$0x3FDB];
	s0 =	simm.s32 @p2 $0x1  }
0x17: {  	s4 =	simm.s32 $0x1BF5;
	[smem:$0x3FBB] =	sst s0  }
0x18: {  	s0 =	sld [smem:$0x3F9E];
	_ =	swait.ge [sflag:s4], $0x0  }
0x19: {  	s7 =	sld [smem:$0x3F9F]  }
0x1a: {  	s8 =	sadd.s32 $0xFFFFE003, lr  }
0x1b: {  	s9 =	sadd.s32 $0xFFFFFEF7, lr;
	s5 =	simm.s32 $0xFFFFFFFF;
	p2 =	slt.u32 s8, $0xFFFFF086  }
0x1c: {  	p1 =	slt.u32 s9, $0xF7A;
	s5 =	simm.s32 @!p2 $0x0  }
0x1d: {  	s5 =	simm.s32 @p1 $0x1;
	p0 =	seq.s32 s7, s2  }
0x1e: {  	s7 =	smul.u32 @!p0 $0xF7A, s2;
	p2 =	seq.s32 @!p0 s5, $0x0  }
0x1f: {  	s9 =	smul.u32 $0xF7A, s1;
	s8 =	simm.s32 @!p0 $0x1BF5;
	p2 =	por !p2, p0  }
0x20: {  	[sflag:s8] =	ssyncset.s32 @!p0 $0xFFFFF086;
	s6 =	sadd.s32 @!p0 s3, s7;
	s7 =	simm.s32 @!p0 $0x108  }
0x21: {  	s3 =	sadd.s32 s3, s9;
	s6 =	sadd.s32 @!p0 $0x88, s6;
	s7 =	simm.s32 @p2 $0x1082  }
0x22: {  	[simem:s7], [sflag:s8] =	dma.local @!p0 [hbm:s6], $0xF7A  }
0x23: {  	s9 =	sor.u32 $0xD0000000, s2;
	s6 =	simm.s32 $0x108;
	_ =	swait.ge @!p0 [sflag:s8], $0x0  }
0x24: {  	s3 =	sadd.s32 $0x88, s3;
	s6 =	simm.s32 @!p1 $0x1082;
	[sflag:s4] =	ssyncset.s32 $0xFFFFF086  }
0x25: {  	[simem:s6], [sflag:s4] =	dma.local [hbm:s3], $0xF7A  }
0x26: {  	[smem:$0x3F9F] =	sst s1;
	(tag) =	ssettag s2;
	_ =	strace s9  }
0x27: {  	s1 =	sld [smem:$0x3FAF]  }
0x28: {  	s2 =	sld [smem:$0x3FB0]  }
0x29: {  	s4 =	sld [smem:$0x3FB2]  }
0x2a: {  	p0 =	seq.s32 s5, $0x0;
	s5 =	sld [smem:$0x3FB3]  }
0x2b: {  	s6 =	sld [smem:$0x3FB4]  }
0x2c: {  	s7 =	sld [smem:$0x3FB5]  }
0x2d: {  	s3 =	simm.s32 $0x108;
	s8 =	sld [smem:$0x3FB6]  }
0x2e: {  	s3 =	simm.s32 @!p0 $0x1082;
	s9 =	sld [smem:$0x3FB7]  }
0x2f: {  	lr =	sadd.s32 s0, s3;
	s0 =	sld [smem:$0x3FAE]  }
0x30: {  	s3 =	sld [smem:$0x3FB1]  }
0x31: {  	[smem:$0x3FBA] =	sst s10  }
0x32: {  	s10 =	sld [smem:$0x3FB8];
	_ =	sdelay $0x3  }
0x33: {  	p0 =	seq.s32 s10, $0x1;
	s10 =	sld [smem:$0x3FBA];
	_ =	sdelay $0x3  }
0x34: {  	[smem:$0x3FBA] =	sst s10  }
0x35: {  	s10 =	sld [smem:$0x3FB9];
	_ =	sdelay $0x3  }
0x36: {  	p1 =	seq.s32 s10, $0x1;
	s10 =	sld [smem:$0x3FBA];
	_ =	sdelay $0x3  }
0x37: {  	[smem:$0x3FBA] =	sst s10  }
0x38: {  	s10 =	sld [smem:$0x3FBB]  }
0x39: {  	_ = 	snop;
	(pc) =	sbr.ind lr, $3  }
0x3a: {  	_ = 	snop  }
0x3b: {  	_ = 	snop  }
0x3c: {  	p2 =	seq.s32 s10, $0x1;
	s10 =	sld [smem:$0x3FBA]  }
0x3d: {  	_ =	shalt  }
0x3e: {  	_ =	shalt  }
0x3f: {  	_ =	shalt  }
0x40: {  	_ =	shalt  }
0x41: {  	_ =	shalt  }
0x42: {  	_ =	shalt  }
0x43: {  	_ =	shalt  }
0x44: {  	_ =	shalt  }
0x45: {  	_ =	shalt  }
0x46: {  	_ =	shalt  }
0x47: {  	_ =	shalt  }
0x48: {  	_ =	shalt  }
0x49: {  	_ =	shalt  }
0x4a: {  	_ =	shalt  }
0x4b: {  	_ =	shalt  }
0x4c: {  	_ =	shalt  }
0x4d: {  	_ =	shalt  }
0x4e: {  	_ =	shalt  }
0x4f: {  	_ =	shalt  }
0x50: {  	_ =	shalt  }
0x51: {  	_ =	shalt  }
0x52: {  	_ =	shalt  }
0x53: {  	_ =	shalt  }
0x54: {  	_ =	shalt  }
0x55: {  	_ =	shalt  }
0x56: {  	_ =	shalt  }
0x57: {  	_ =	shalt  }
0x58: {  	_ =	shalt  }
0x59: {  	_ =	shalt  }
0x5a: {  	_ =	shalt  }
0x5b: {  	_ =	shalt  }
0x5c: {  	_ =	shalt  }
0x5d: {  	_ =	shalt  }
0x5e: {  	_ =	shalt  }
0x5f: {  	_ =	shalt  }
0x60: {  	_ =	shalt  }
0x61: {  	_ =	shalt  }
0x62: {  	_ =	shalt  }
0x63: {  	_ =	shalt  }
0x64: {  	_ =	shalt  }
0x65: {  	_ =	shalt  }
0x66: {  	_ =	shalt  }
0x67: {  	_ =	shalt  }
0x68: {  	_ =	shalt  }
0x69: {  	_ =	shalt  }
0x6a: {  	_ =	shalt  }
0x6b: {  	_ =	shalt  }
0x6c: {  	_ =	shalt  }
0x6d: {  	_ =	shalt  }
0x6e: {  	_ =	shalt  }
0x6f: {  	_ =	shalt  }
0x70: {  	_ =	shalt  }
0x71: {  	_ =	shalt  }
0x72: {  	_ =	shalt  }
0x73: {  	_ =	shalt  }
0x74: {  	_ =	shalt  }
0x75: {  	_ =	shalt  }
0x76: {  	_ =	shalt  }
0x77: {  	_ =	shalt  }
0x78: {  	_ =	shalt  }
0x79: {  	_ =	shalt  }
0x7a: {  	_ =	shalt  }
0x7b: {  	_ =	shalt  }
0x7c: {  	_ =	shalt  }
0x7d: {  	_ =	shalt  }
0x7e: {  	_ =	shalt  }
0x7f: {  	_ =	shalt  }
0x80: {  	_ =	shalt  }
0x81: {  	_ =	shalt  }
0x82: {  	_ =	shalt  }
0x83: {  	_ =	shalt  }
0x84: {  	_ =	shalt  }
0x85: {  	_ =	shalt  }
0x86: {  	_ =	shalt  }
0x87: {  	_ =	shalt  }
.Lfunc_end0:
.L_simem_size_0:
called_computation_lowered:
.L_overlay_start_0:
0x88: {  	s2 =	sld [smem:$0x3FD9]  }
0x89: {  	s3 =	sld [smem:$0x3FFE];
	_ =	sdelay $0x1  }
0x8a: {  	s1 =	srdreg.scid  }
0x8b: {  	s0 =	sand.u32 $0x1, s1  }
0x8c: {  	s18 =	sshll.u32 s0, $0xA;
	s2 =	sadd.s32 s3, s2  }
0x8d: {  	s2 =	sadd.s32 s2, s18  }
0x8e: {  	[smem:$0x3FC6] =	sst s2  }
0x8f: {  	_ = 	snop  }
0x90: {  	s2 =	sld [smem:$0x3FC9]  }
0x91: {  	s19 =	sld [smem:$0x3FC8]  }
0x92: {  	s4 =	sld [smem:$0x3FD0];
	(tm) =	ssettm $0x1  }
0x93: {  	s5 =	sld [smem:$0x3FFB];
	_ =	sdelay $0x3  }
0x94: {  	_ =	strace s5  }
0x95: {  	s5 =	sld [smem:$0x3FFC];
	_ =	sdelay $0x3  }
0x96: {  	_ =	strace s5  }
0x97: {  	s5 =	sld [smem:$0x3FFD];
	_ =	sdelay $0x3  }
0x98: {  	_ =	strace s5  }
0x99: {  	_ =	strace $0x8FFFFFFF  }
0x9a: {  	s20 =	sld [smem:$0x3FDB];
	_ =	sdelay $0x1  }
0x9b: {  	s6 =	simm.s32 $_scs_section_size  }
0x9c: {  	s7 =	simm.s32 $_size__tile_overlayer_lowered;
	s8 =	simm.s32 $_tile_overlayer_lowered  }
0x9d: {  	s23 =	simm.s32 $0x1BFF;
	s22 =	sshll.u32 s8, $0x1;
	s5 =	sadd.s32 s6, s20  }
0x9e: {  	s9 =	simm.s32 $0x0;
	s21 =	sshll.u32 s7, $0x1;
	s7 =	sadd.s32 s22, s5  }
0x9f: {  	[timem:s9], [sflag:s23] =	dma.local [hbm:s7], s21  }
0xa0: {  	_ =	swait.ge [sflag:s23], s21  }
0xa1: {  	s6 =	ssub.s32 $0x0, s21;
	[sflag:s23] =	ssyncset.done $0x0  }
0xa2: {  	[sflag:s23] =	ssyncadd.s32 s6;
	_ =	sdelay $0x1  }
0xa3: {  	s24 =	simm.s32 $0x1B8B  }
0xa4: {  	_ =	swait.ge [sflag:s24], $0x1  }
0xa5: {  	[sflag:s24] =	ssyncset.done $0x0  }
0xa6: {  	s25 =	simm.s32 $0x1B8E;
	[sflag:s24] =	ssyncadd.s32 $0xFFFFFFFF  }
0xa7: {  	s26 =	simm.s32 $execute0_lowered;
	[smem:$0x3FD2] =	sst s25  }
0xa8: {  	s6 =	sshll.u32 s26, $0x1;
	_ =	strace $0x80000046;
	[dreg:$0x1] =	wrdreg $0xFFFFFFFF  }
0xa9: {  	s28 =	simm.s32 $_size_execute0_lowered;
	s5 =	sadd.s32 s5, s6;
	[dreg:$0x0] =	wrdreg $0x0  }
0xaa: {  	s6 =	sshll.u32 s28, $0x1;
	[dreg:$0x2] =	wrdreg s5  }
0xab: {  	[dreg:$0x3] =	wrdreg s6  }
0xac: {  	[dreg:$0x4] =	wrdreg $0xC0  }
0xad: {  	_ =	task [dreg:s9], $0x5FFFF  }
0xae: {  	[dreg:$0x1] =	wrdreg $0xFFFFFFFF  }
0xaf: {  	[dreg:$0x0] =	wrdreg $0x60  }
0xb0: {  	[dreg:$0x2] =	wrdreg s2  }
0xb1: {  	[dreg:$0x3] =	wrdreg s19  }
0xb2: {  	[dreg:$0x4] =	wrdreg s4  }
0xb3: {  	[dreg:$0x5] =	wrdreg $0x9  }
0xb4: {  	_ =	task.clear_ibuf [dreg:s9], $0x6FFFF;
	_ =	strace $0x90000046  }
0xb5: {  	s29 =	simm.s32 $0x9;
	_ =	strace $0x80000048  }
0xb6: {  	_ =	swait.ge [sflag:s29], $0x1  }
0xb7: {  	[sflag:s29] =	ssyncadd.s32 $0xFFFFFFFF  }
0xb8: {  	_ =	strace $0x90000048  }
0xb9: {  	_ =	sfence  }
0xba: {  	s30 =	sld [smem:$0x0];
	_ =	sdelay $0x2  }
0xbb: {  	s31 =	sshll.u32 s1, $0xD;
	s1 =	sshrl.u32 s1, $0x2  }
0xbc: {  	s3 =	sand.u32 $0x4000, s31;
	s1 =	sadd.s32 s1, s30  }
0xbd: {  	s0 =	sor.u32 s3, s0;
	s1 =	sshll.u32 s1, $0x11  }
0xbe: {  	s0 =	sor.u32 s1, s0  }
0xbf: {  	s0 =	sadd.s32 $0x8F2B, s0  }
0xc0: {  	[sflag:s0] =	ssyncadd.remote.s32 $0x1  }
0xc1: {  	_ =	sfence.sel $0xFFFF  }
0xc2: {  	[dreg:$0x0] =	wrdreg $0xFFFFFFFF;
	(pc) =	sbr.abs _section_cstart, $3  }
0xc3: {  	[dreg:$0x1] =	wrdreg $0xFFFFFFFF  }
0xc4: {  	_ =	task.clear_ibuf [dreg:s9], $0x2FFFF;
	_ =	strace $0x9FFFFFFF  }
0xc5: {  	(tm) =	ssettm $0x7FFFFFFF  }
tec
execute0_lowered:
.L_overlay_start_1:
0x0: {  	(tag) =	ssettag $0x1  }
0x1: {  	s1 =	rddreg [dreg:$0x0];
	s0 =	srdreg.scid  }
0x2: {  	s13 =	rddreg [dreg:$0x1];
	s2 =	stileid.u32;
	s0 =	sand.u32 $0x1, s0  }
0x3: {  	s4 =	rddreg [dreg:$0x2];
	s2 =	sshll.u32 s2, $0x8;
	s3 =	sshll.u32 s0, $0x7  }
0x4: {  	s5 =	simm.s32 $0x0;
	s0 =	ssub.s32 $0x2, s0;
	s2 =	sor.u32 s3, s2  }
0x5: {  	[smem:$0x7FF] =	sst s5;
	s6 =	sshrl.u32 s0, $0x1;
	s3 =	sshll.u32 s2, $0x7  }
0x6: {  	_ =	strace $0x80000047;
	s0 =	ssub.s32 s0, s6;
	s26 =	sadd.s32 s13, s3  }
0x7: {  	s7 =	sor.u32 $0x80000, s3;
	s0 =	smax.u32 s0, $0x1;
	[dreg:$0x15] =	wrdreg s26  }
0x8: {  	s31 =	sor.u32 $0x100000, s3;
	s30 =	sadd.s32 s1, s7;
	[smem:$0x7F0] =	sst s0  }
0x9: {  	s8 =	sor.u32 $0x180000, s3;
	s10 =	sadd.s32 s1, s31;
	[dreg:$0x4] =	wrdreg s30  }
0xa: {  	s9 =	sor.u32 $0x400, s3;
	s11 =	sadd.s32 s1, s8;
	[dreg:$0x5] =	wrdreg s10  }
0xb: {  	s12 =	sadd.s32 s13, s9;
	[dreg:$0x6] =	wrdreg s11  }
0xc: {  	s14 =	sadd.s32 s1, s9;
	[dreg:$0x7] =	wrdreg s12  }
0xd: {  	s7 =	sadd.s32 s4, s7;
	[dreg:$0x8] =	wrdreg s14  }
0xe: {  	s6 =	sadd.s32 s4, s31;
	[dreg:$0xc] =	wrdreg s7  }
0xf: {  	s18 =	sor.u32 $0x800, s3;
	s19 =	sadd.s32 s4, s8;
	[dreg:$0xd] =	wrdreg s6  }
0x10: {  	s20 =	sadd.s32 s13, s18;
	[dreg:$0xe] =	wrdreg s19  }
0x11: {  	s21 =	sadd.s32 s1, s18;
	[dreg:$0xf] =	wrdreg s20  }
0x12: {  	s15 =	sor.u32 $0x80400, s3;
	s22 =	sadd.s32 s4, s9;
	[dreg:$0x10] =	wrdreg s21  }
0x13: {  	s17 =	sor.u32 $0x180400, s3;
	s23 =	sadd.s32 s4, s15;
	[dreg:$0x11] =	wrdreg s22  }
0x14: {  	s25 =	sadd.s32 s4, s17;
	[dreg:$0x12] =	wrdreg s23  }
0x15: {  	s31 =	sadd.s32 s4, s3;
	[dreg:$0x14] =	wrdreg s25  }
0x16: {  	s12 =	sadd.s32 s1, s15;
	[dreg:$0x17] =	wrdreg s31  }
0x17: {  	s14 =	sadd.s32 s1, s17;
	[dreg:$0x9] =	wrdreg s12  }
0x18: {  	s10 =	sor.u32 $0x10, s2;
	[dreg:$0xb] =	wrdreg s14  }
0x19: {  	s30 =	sadd.s32 s1, s3;
	[dreg:$0x1a] =	wrdreg s10  }
0x1a: {  	s20 =	sadd.s32 $0x100000, s4;
	[dreg:$0x16] =	wrdreg s30  }
0x1b: {  	s21 =	sadd.s32 $0x3800, s31;
	[smem:$0x7F5] =	sst s20  }
0x1c: {  	s22 =	sadd.s32 $0x103800, s31;
	[smem:$0x7F6] =	sst s21  }
0x1d: {  	s23 =	sadd.s32 $0x83800, s31;
	[smem:$0x7F7] =	sst s22  }
0x1e: {  	s25 =	sadd.s32 $0x83C00, s31;
	[smem:$0x7F8] =	sst s23  }
0x1f: {  	s11 =	sor.u32 $0x100400, s3;
	s26 =	sadd.s32 $0x3C00, s31;
	[smem:$0x7FA] =	sst s25  }
0x20: {  	s16 =	sadd.s32 s1, s11;
	[smem:$0x7FB] =	sst s26  }
0x21: {  	s3 =	sor.u32 $0xC00, s3;
	s24 =	sadd.s32 s4, s11;
	[dreg:$0xa] =	wrdreg s16  }
0x22: {  	s9 =	sadd.s32 s13, s3;
	[dreg:$0x13] =	wrdreg s24  }
0x23: {  	s3 =	sadd.s32 s1, s3;
	[dreg:$0x18] =	wrdreg s9  }
0x24: {  	s11 =	sor.u32 $0x20, s2;
	[dreg:$0x19] =	wrdreg s3  }
0x25: {  	s28 =	simm.s32 $0xA000;
	s12 =	sor.u32 $0x18, s2;
	[dreg:$0x1b] =	wrdreg s11  }
0x26: {  	s29 =	simm.s32 $0x0;
	s13 =	sor.u32 $0x28, s2;
	[dreg:$0x1c] =	wrdreg s12  }
0x27: {  	s7 =	simm.s32 $0x3;
	s2 =	sor.u32 $0x30, s2;
	[dreg:$0x1d] =	wrdreg s13  }
0x28: {  	s14 =	sadd.s32 $0x80800, s30;
	s15 =	sadd.s32 $0x100800, s30;
	[dreg:$0x1e] =	wrdreg s2  }
0x29: {  	s17 =	sadd.s32 $0x100C00, s30;
	s18 =	sadd.s32 $0x80C00, s30;
	[dreg:$0x1f] =	wrdreg s14  }
0x2a: {  	s19 =	sadd.s32 $0x180C00, s30;
	s21 =	simm.s32 $0x2000;
	[smem:$0x7EF] =	sst s15  }
0x2b: {  	s25 =	simm.s32 $0x6000;
	s26 =	simm.s32 $0x8000;
	[smem:$0x7F2] =	sst s17  }
0x2c: {  	s22 =	simm.s32 $0x2;
	s16 =	sadd.s32 $0x180800, s30;
	[smem:$0x7F3] =	sst s18  }
0x2d: {  	s23 =	simm.s32 $0x9;
	[smem:$0x7F4] =	sst s19;
	s24 =	sadd.s32 $0x183800, s31  }
0x2e: {  	s14 =	sadd.s32 $0x100000, s1;
	s30 =	sadd.s32 $0x103C00, s31;
	[smem:$0x7F1] =	sst s16  }
0x2f: {  	s31 =	sadd.s32 $0x183C00, s31;
	s12 =	simm.s32 $0x4000;
	[smem:$0x7F9] =	sst s24  }
0x30: {  	s15 =	simm.s32 $0x1;
	s2 =	simm.s32 $0x0;
	[smem:$0x7FC] =	sst s30  }
0x31: {  	[smem:$0x7FD] =	sst s31;
	s24 =	simm.s32 $0x7;
	s16 =	simm.s32 $0x8  }
.LBB2_1:
0x32: {  	[smem:$0x7EE] =	sst s2  }
0x33: {  	s0 =	rddreg [dreg:$0x15];
	s20 =	simm.s32 $0x18000  }
0x34: {  	[tilespmem:s20], [sflag:$0x4] =	stream.linear.gather [hbm4b:s0+s5], $0x2000, $0x38;
	[tilespmem:$0x1E000] =	vst v63  }
0x35: {  	s30 =	rddreg [dreg:$0x16]  }
0x36: {  	[tilespmem:s5], [sflag:$0x1] =	stream.linear.gather [hbm4b:s30+s5], $0x2000, $0x38;
	[tilespmem:$0x1E000] =	vst v63  }
0x37: {  	s31 =	rddreg [dreg:$0x4]  }
0x38: {  	[tilespmem:s21], [sflag:$0x1] =	stream.linear.gather [hbm4b:s31+s5], $0x2000, $0x38;
	[tilespmem:$0x1E000] =	vst v63  }
0x39: {  	s2 =	rddreg [dreg:$0x5]  }
0x3a: {  	[tilespmem:s12], [sflag:$0x1] =	stream.linear.gather [hbm4b:s2+s5], $0x2000, $0x38;
	[tilespmem:$0x1E000] =	vst v63  }
0x3b: {  	s3 =	rddreg [dreg:$0x6]  }
0x3c: {  	[tilespmem:s25], [sflag:$0x1] =	stream.linear.gather [hbm4b:s3+s5], $0x2000, $0x38;
	[tilespmem:$0x1E000] =	vst v63  }
0x3d: {  	s6 =	rddreg [dreg:$0x7];
	s8 =	simm.s32 $0x1A000  }
0x3e: {  	[tilespmem:s8], [sflag:$0x5] =	stream.linear.gather [hbm4b:s6+s5], $0x2000, $0x38;
	[tilespmem:$0x1E000] =	vst v63  }
0x3f: {  	s9 =	rddreg [dreg:$0x8]  }
0x40: {  	[tilespmem:s26], [sflag:$0x2] =	stream.linear.gather [hbm4b:s9+s5], $0x2000, $0x38;
	[tilespmem:$0x1E000] =	vst v63  }
0x41: {  	s10 =	rddreg [dreg:$0x9]  }
0x42: {  	[tilespmem:s28], [sflag:$0x2] =	stream.linear.gather [hbm4b:s10+s5], $0x2000, $0x38;
	[tilespmem:$0x1E000] =	vst v63  }
0x43: {  	s11 =	rddreg [dreg:$0xa];
	s13 =	simm.s32 $0xC000  }
0x44: {  	[tilespmem:s13], [sflag:$0x2] =	stream.linear.gather [hbm4b:s11+s5], $0x2000, $0x38;
	[tilespmem:$0x1E000] =	vst v63  }
0x45: {  	s17 =	rddreg [dreg:$0xb];
	s18 =	simm.s32 $0xE000;
	s19 =	simm.s32 $0x4  }
0x46: {  	[tilespmem:s18], [sflag:$0x2] =	stream.linear.gather [hbm4b:s17+s5], $0x2000, $0x38;
	[tilespmem:$0x1E000] =	vst v63  }
0x47: {  	_ =	swait.ge [sflag:s19], $0x2000  }
0x48: {  	[sflag:s19] =	ssyncset.done $0x0  }
0x49: {  	[sflag:s19] =	ssyncadd.s32 $0xFFFFE000  }
0x4a: {  	_ =	swait.ge [sflag:s15], $0x2000  }
0x4b: {  	[sflag:s15] =	ssyncset.done $0x0  }
0x4c: {  	[sflag:s15] =	ssyncadd.s32 $0xFFFFE000  }
0x4d: {  	_ =	swait.ge [sflag:s15], $0x2000  }
0x4e: {  	[sflag:s15] =	ssyncset.done $0x0  }
0x4f: {  	[sflag:s15] =	ssyncadd.s32 $0xFFFFE000  }
0x50: {  	_ =	swait.ge [sflag:s15], $0x2000  }
0x51: {  	[sflag:s15] =	ssyncset.done $0x0  }
0x52: {  	[sflag:s15] =	ssyncadd.s32 $0xFFFFE000  }
0x53: {  	s20 =	sand.u32 $0x1C00, s5;
	s30 =	sand.u32 $0x380, s5;
	_ =	swait.ge [sflag:s15], $0x2000  }
0x54: {  	s0 =	sor.u32 s30, s20;
	s3 =	sand.u32 $0x60, s5;
	[sflag:s15] =	ssyncset.done $0x0  }
0x55: {  	s0 =	sor.u32 s3, s0;
	[sflag:s15] =	ssyncadd.s32 $0xFFFFE000  }
0x56: {  	v0 =	vld [tilespmem:s0+$0x18010];
	_ =	sdelay $0x2  }
0x57: {  	s2 =	sor.u32 $0x2000, s0  }
0x58: {  	s8 =	sor.u32 $0x4000, s0;
	s3 =	sor.u32 $0x10, s0;
	s31 =	sor.u32 $0x2010, s0;
	v1 =	vld [tilespmem:s0+$0x18000]  }
0x59: {  	s6 =	simm.s32 $0x4;
	s9 =	sor.u32 $0x6000, s0;
	s10 =	simm.s32 $0x0;
	[tilespmem:s3+$0x0] =	vst.add.f32.msk $0xffff, v0  }
0x5a: {  	s11 =	simm.s32 $0x20;
	s18 =	sor.u32 $0x4010, s0;
	s17 =	simm.s32 $0x100;
	[tilespmem:s31+$0x0] =	vst.add.f32.msk $0xffff, v0  }
.LBB2_2:
0x5b: {  	s3 =	sand.u32 $0x1C00, s17;
	s19 =	sand.u32 $0x380, s6;
	[tilespmem:s18+$0x0] =	vst.add.f32.msk $0xffff, v0;
	s18 =	sor.u32 $0x6010, s0  }
0x5c: {  	s20 =	sand.u32 $0x60, s11;
	s3 =	sor.u32 s19, s3;
	[tilespmem:s18+$0x0] =	vst.add.f32.msk $0xffff, v0  }
0x5d: {  	[tilespmem:s0+$0x0] =	vst.add.f32.msk $0xffff, v1;
	s0 =	sor.u32 s20, s3  }
0x5e: {  	s10 =	sadd.s32 $0x2, s10;
	s3 =	sor.u32 $0x2000, s0;
	s18 =	sor.u32 $0x4000, s0;
	v0 =	vld [tilespmem:s0+$0x18010]  }
0x5f: {  	p0 =	slt.u32 s10, $0x1FE;
	s19 =	sor.u32 $0x6000, s0;
	v2 =	vld [tilespmem:s0+$0x18000]  }
.Ltmp0:
0x60: {  	[tilespmem:s2+$0x0] =	vst.add.f32.msk $0xffff, v1;
	s2 =	smov.u32 s3;
	(pc) =	sbr.rel @p0 .LBB2_2-.Ltmp0, $4  }
0x61: {  	[tilespmem:s8+$0x0] =	vst.add.f32.msk $0xffff, v1;
	s8 =	smov.u32 s18  }
0x62: {  	s3 =	sor.u32 $0x10, s0;
	[tilespmem:s9+$0x0] =	vst.add.f32.msk $0xffff, v1;
	s9 =	smov.u32 s19  }
0x63: {  	s11 =	sadd.s32 $0x20, s11;
	[tilespmem:s3+$0x0] =	vst.add.f32.msk $0xffff, v0;
	s3 =	sor.u32 $0x2010, s0  }
0x64: {  	s17 =	sadd.s32 $0x100, s17;
	s6 =	sadd.s32 $0x4, s6;
	s18 =	sor.u32 $0x4010, s0;
	[tilespmem:s3+$0x0] =	vst.add.f32.msk $0xffff, v0;
	v1 =	vmov v2  }
0x65: {  	[tilespmem:s18+$0x0] =	vst.add.f32.msk $0xffff, v0  }
0x66: {  	s3 =	sor.u32 $0x6010, s0;
	[tilespmem:s0+$0x0] =	vst.add.f32.msk $0xffff, v1  }
0x67: {  	[tilespmem:s3+$0x0] =	vst.add.f32.msk $0xffff, v0  }
0x68: {  	[tilespmem:s2+$0x0] =	vst.add.f32.msk $0xffff, v1  }
0x69: {  	[tilespmem:s8+$0x0] =	vst.add.f32.msk $0xffff, v1  }
0x6a: {  	[tilespmem:s9+$0x0] =	vst.add.f32.msk $0xffff, v1  }
0x6b: {  	s2 =	rddreg [dreg:$0x17]  }
0x6c: {  	s0 =	simm.s32 $0x0;
	s18 =	rddreg [dreg:$0xc]  }
0x6d: {  	[hbm4b:s2+s0] =	stream.linear.scatter [tilespmem:s0], [sflag:$0x7], $0x2000, $0x38;
	[tilespmem:$0x1E000] =	vst v63  }
0x6e: {  	s19 =	rddreg [dreg:$0xd]  }
0x6f: {  	[hbm4b:s18+s0] =	stream.linear.scatter [tilespmem:s21], [sflag:$0x7], $0x2000, $0x38;
	[tilespmem:$0x1E000] =	vst v63  }
0x70: {  	s20 =	rddreg [dreg:$0xe]  }
0x71: {  	[hbm4b:s19+s0] =	stream.linear.scatter [tilespmem:s12], [sflag:$0x7], $0x2000, $0x38;
	[tilespmem:$0x1E000] =	vst v63  }
0x72: {  	s30 =	rddreg [dreg:$0xf]  }
0x73: {  	[hbm4b:s20+s0] =	stream.linear.scatter [tilespmem:s25], [sflag:$0x7], $0x2000, $0x38;
	[tilespmem:$0x1E000] =	vst v63  }
0x74: {  	s31 =	simm.s32 $0x1C000;
	s3 =	rddreg [dreg:$0x10]  }
0x75: {  	[tilespmem:s31], [sflag:$0x6] =	stream.linear.gather [hbm4b:s30+s0], $0x2000, $0x38;
	[tilespmem:$0x1E000] =	vst v63  }
0x76: {  	s6 =	simm.s32 $0x10000;
	s8 =	rddreg [dreg:$0x1f]  }
0x77: {  	[tilespmem:s6], [sflag:$0x3] =	stream.linear.gather [hbm4b:s3+s0], $0x2000, $0x38;
	[tilespmem:$0x1E000] =	vst v63  }
0x78: {  	s9 =	simm.s32 $0x12000;
	s10 =	sld [smem:$0x7EF]  }
0x79: {  	[tilespmem:s9], [sflag:$0x3] =	stream.linear.gather [hbm4b:s8+s0], $0x2000, $0x38;
	[tilespmem:$0x1E000] =	vst v63  }
0x7a: {  	s11 =	simm.s32 $0x14000;
	s13 =	sld [smem:$0x7F1]  }
0x7b: {  	[tilespmem:s11], [sflag:$0x3] =	stream.linear.gather [hbm4b:s10+s0], $0x2000, $0x38;
	[tilespmem:$0x1E000] =	vst v63  }
0x7c: {  	s17 =	simm.s32 $0x16000;
	s18 =	simm.s32 $0x5  }
0x7d: {  	[tilespmem:s17], [sflag:$0x3] =	stream.linear.gather [hbm4b:s13+s0], $0x2000, $0x38;
	[tilespmem:$0x1E000] =	vst v63  }
0x7e: {  	_ =	swait.ge [sflag:s18], $0x2000  }
0x7f: {  	[sflag:s18] =	ssyncset.done $0x0  }
0x80: {  	[sflag:s18] =	ssyncadd.s32 $0xFFFFE000  }
0x81: {  	_ =	swait.ge [sflag:s22], $0x2000  }
0x82: {  	[sflag:s22] =	ssyncset.done $0x0  }
0x83: {  	[sflag:s22] =	ssyncadd.s32 $0xFFFFE000  }
0x84: {  	_ =	swait.ge [sflag:s22], $0x2000  }
0x85: {  	[sflag:s22] =	ssyncset.done $0x0  }
0x86: {  	[sflag:s22] =	ssyncadd.s32 $0xFFFFE000  }
0x87: {  	_ =	swait.ge [sflag:s22], $0x2000  }
0x88: {  	[sflag:s22] =	ssyncset.done $0x0  }
0x89: {  	[sflag:s22] =	ssyncadd.s32 $0xFFFFE000  }
0x8a: {  	s19 =	sand.u32 $0x1C00, s0;
	s20 =	sand.u32 $0x380, s0;
	_ =	swait.ge [sflag:s22], $0x2000  }
0x8b: {  	s2 =	sor.u32 s20, s19;
	s0 =	sand.u32 $0x60, s0;
	[sflag:s22] =	ssyncset.done $0x0  }
0x8c: {  	s10 =	sor.u32 s0, s2;
	[sflag:s22] =	ssyncadd.s32 $0xFFFFE000  }
0x8d: {  	v0 =	vld [tilespmem:s10+$0x1A010];
	_ =	sdelay $0x2  }
0x8e: {  	s19 =	simm.s32 $0x4;
	s11 =	simm.s32 $0x0  }
0x8f: {  	s17 =	simm.s32 $0x20;
	s2 =	sor.u32 $0x8000, s10;
	s30 =	sor.u32 $0x8010, s10;
	v1 =	vld [tilespmem:s10+$0x1A000]  }
0x90: {  	s0 =	sor.u32 $0xA000, s10;
	s8 =	sor.u32 $0xC000, s10;
	s31 =	sor.u32 $0xA010, s10;
	[tilespmem:s30+$0x0] =	vst.add.f32.msk $0xffff, v0  }
0x91: {  	s9 =	sor.u32 $0xE000, s10;
	s6 =	sor.u32 $0xC010, s10;
	s18 =	simm.s32 $0x100;
	[tilespmem:s31+$0x0] =	vst.add.f32.msk $0xffff, v0  }
.LBB2_4:
0x92: {  	s3 =	sand.u32 $0x1C00, s18;
	s20 =	sand.u32 $0x380, s19;
	[tilespmem:s6+$0x0] =	vst.add.f32.msk $0xffff, v0;
	s6 =	sor.u32 $0xE010, s10  }
0x93: {  	s10 =	sand.u32 $0x60, s17;
	s3 =	sor.u32 s20, s3;
	[tilespmem:s6+$0x0] =	vst.add.f32.msk $0xffff, v0  }
0x94: {  	s10 =	sor.u32 s10, s3;
	[tilespmem:s2+$0x0] =	vst.add.f32.msk $0xffff, v1  }
0x95: {  	s11 =	sadd.s32 $0x2, s11;
	s2 =	sor.u32 $0x8000, s10;
	s3 =	sor.u32 $0xA000, s10;
	v0 =	vld [tilespmem:s10+$0x1A010]  }
0x96: {  	p0 =	slt.u32 s11, $0x1FE;
	s6 =	sor.u32 $0xC000, s10;
	s20 =	sor.u32 $0xE000, s10;
	v2 =	vld [tilespmem:s10+$0x1A000]  }
.Ltmp1:
0x97: {  	[tilespmem:s0+$0x0] =	vst.add.f32.msk $0xffff, v1;
	s0 =	smov.u32 s3;
	(pc) =	sbr.rel @p0 .LBB2_4-.Ltmp1, $4  }
0x98: {  	[tilespmem:s8+$0x0] =	vst.add.f32.msk $0xffff, v1;
	s8 =	smov.u32 s6  }
0x99: {  	s3 =	sor.u32 $0x8010, s10;
	[tilespmem:s9+$0x0] =	vst.add.f32.msk $0xffff, v1;
	s9 =	smov.u32 s20  }
0x9a: {  	s17 =	sadd.s32 $0x20, s17;
	[tilespmem:s3+$0x0] =	vst.add.f32.msk $0xffff, v0;
	s3 =	sor.u32 $0xA010, s10  }
0x9b: {  	s18 =	sadd.s32 $0x100, s18;
	s19 =	sadd.s32 $0x4, s19;
	s6 =	sor.u32 $0xC010, s10;
	[tilespmem:s3+$0x0] =	vst.add.f32.msk $0xffff, v0;
	v1 =	vmov v2  }
0x9c: {  	[tilespmem:s6+$0x0] =	vst.add.f32.msk $0xffff, v0  }
0x9d: {  	s3 =	sor.u32 $0xE010, s10;
	[tilespmem:s2+$0x0] =	vst.add.f32.msk $0xffff, v1  }
0x9e: {  	[tilespmem:s3+$0x0] =	vst.add.f32.msk $0xffff, v0  }
0x9f: {  	[tilespmem:s0+$0x0] =	vst.add.f32.msk $0xffff, v1  }
0xa0: {  	[tilespmem:s8+$0x0] =	vst.add.f32.msk $0xffff, v1  }
0xa1: {  	[tilespmem:s9+$0x0] =	vst.add.f32.msk $0xffff, v1  }
0xa2: {  	s0 =	rddreg [dreg:$0x11]  }
0xa3: {  	[hbm4b:s0+s29] =	stream.linear.scatter [tilespmem:s26], [sflag:$0x8], $0x2000, $0x38;
	[tilespmem:$0x1E000] =	vst v63  }
0xa4: {  	s8 =	rddreg [dreg:$0x12]  }
0xa5: {  	[hbm4b:s8+s29] =	stream.linear.scatter [tilespmem:s28], [sflag:$0x8], $0x2000, $0x38;
	[tilespmem:$0x1E000] =	vst v63  }
0xa6: {  	s10 =	simm.s32 $0xC000;
	s9 =	rddreg [dreg:$0x13]  }
0xa7: {  	[hbm4b:s9+s29] =	stream.linear.scatter [tilespmem:s10], [sflag:$0x8], $0x2000, $0x38;
	[tilespmem:$0x1E000] =	vst v63  }
0xa8: {  	s13 =	simm.s32 $0xE000;
	s11 =	rddreg [dreg:$0x14]  }
0xa9: {  	[hbm4b:s11+s29] =	stream.linear.scatter [tilespmem:s13], [sflag:$0x8], $0x2000, $0x38;
	[tilespmem:$0x1E000] =	vst v63  }
0xaa: {  	_ =	swait.ge [sflag:s24], $0x2000  }
0xab: {  	[sflag:s24] =	ssyncset.done $0x0  }
0xac: {  	[sflag:s24] =	ssyncadd.s32 $0xFFFFE000  }
0xad: {  	_ =	swait.ge [sflag:s24], $0x2000  }
0xae: {  	[sflag:s24] =	ssyncset.done $0x0  }
0xaf: {  	[sflag:s24] =	ssyncadd.s32 $0xFFFFE000  }
0xb0: {  	_ =	swait.ge [sflag:s24], $0x2000  }
0xb1: {  	[sflag:s24] =	ssyncset.done $0x0  }
0xb2: {  	[sflag:s24] =	ssyncadd.s32 $0xFFFFE000  }
0xb3: {  	_ =	swait.ge [sflag:s24], $0x2000  }
0xb4: {  	[sflag:s24] =	ssyncset.done $0x0;
	s17 =	rddreg [dreg:$0x18]  }
0xb5: {  	s18 =	simm.s32 $0x18000;
	s19 =	rddreg [dreg:$0x19];
	[sflag:s24] =	ssyncadd.s32 $0xFFFFE000  }
0xb6: {  	[tilespmem:s18], [sflag:$0x4] =	stream.linear.gather [hbm4b:s17+s29], $0x2000, $0x38;
	[tilespmem:$0x1E000] =	vst v63  }
0xb7: {  	s20 =	sld [smem:$0x7F3]  }
0xb8: {  	[tilespmem:s29], [sflag:$0x1] =	stream.linear.gather [hbm4b:s19+s29], $0x2000, $0x38;
	[tilespmem:$0x1E000] =	vst v63  }
0xb9: {  	_ = 	snop  }
0xba: {  	[tilespmem:s21], [sflag:$0x1] =	stream.linear.gather [hbm4b:s20+s29], $0x2000, $0x38;
	[tilespmem:$0x1E000] =	vst v63  }
0xbb: {  	s21 =	sld [smem:$0x7F2];
	_ =	sdelay $0x1  }
0xbc: {  	s31 =	sld [smem:$0x7F4]  }
0xbd: {  	[tilespmem:s12], [sflag:$0x1] =	stream.linear.gather [hbm4b:s21+s29], $0x2000, $0x38;
	[tilespmem:$0x1E000] =	vst v63  }
0xbe: {  	s30 =	simm.s32 $0x0  }
0xbf: {  	[tilespmem:s25], [sflag:$0x1] =	stream.linear.gather [hbm4b:s31+s29], $0x2000, $0x38;
	[tilespmem:$0x1E000] =	vst v63  }
.LBB2_6:
0xc0: {  	s0 =	simm.s32 $0x6  }
0xc1: {  	_ =	swait.ge [sflag:s0], $0x2000  }
0xc2: {  	[sflag:s0] =	ssyncset.done $0x0  }
0xc3: {  	[sflag:s0] =	ssyncadd.s32 $0xFFFFE000  }
0xc4: {  	_ =	swait.ge [sflag:s7], $0x2000  }
0xc5: {  	[sflag:s7] =	ssyncset.done $0x0  }
0xc6: {  	[sflag:s7] =	ssyncadd.s32 $0xFFFFE000  }
0xc7: {  	_ =	swait.ge [sflag:s7], $0x2000  }
0xc8: {  	[sflag:s7] =	ssyncset.done $0x0  }
0xc9: {  	[sflag:s7] =	ssyncadd.s32 $0xFFFFE000  }
0xca: {  	_ =	swait.ge [sflag:s7], $0x2000  }
0xcb: {  	[sflag:s7] =	ssyncset.done $0x0  }
0xcc: {  	[sflag:s7] =	ssyncadd.s32 $0xFFFFE000  }
0xcd: {  	s25 =	sand.u32 $0x1C00, s29;
	s2 =	sand.u32 $0x380, s29;
	_ =	swait.ge [sflag:s7], $0x2000  }
0xce: {  	s3 =	sand.u32 $0x60, s29;
	s0 =	sor.u32 s2, s25;
	[sflag:s7] =	ssyncset.done $0x0  }
0xcf: {  	s10 =	sor.u32 s3, s0;
	[sflag:s7] =	ssyncadd.s32 $0xFFFFE000  }
0xd0: {  	v0 =	vld [tilespmem:s10+$0x1C010];
	_ =	sdelay $0x1  }
0xd1: {  	s13 =	simm.s32 $0x6000  }
0xd2: {  	s12 =	simm.s32 $0x2000;
	s11 =	simm.s32 $0x0;
	s17 =	simm.s32 $0x20  }
0xd3: {  	s18 =	simm.s32 $0x100;
	s19 =	simm.s32 $0x4;
	s3 =	sor.u32 $0x10010, s10;
	v1 =	vld [tilespmem:s10+$0x1C000]  }
0xd4: {  	s9 =	sor.u32 $0x10000, s10;
	s0 =	sor.u32 $0x12000, s10;
	s31 =	sor.u32 $0x12010, s10;
	[tilespmem:s3+$0x0] =	vst.add.f32.msk $0xffff, v0  }
0xd5: {  	s2 =	sor.u32 $0x14000, s10;
	s8 =	sor.u32 $0x16000, s10;
	s6 =	sor.u32 $0x14010, s10;
	[tilespmem:s31+$0x0] =	vst.add.f32.msk $0xffff, v0  }
.LBB2_7:
0xd6: {  	s3 =	sand.u32 $0x1C00, s18;
	s20 =	sand.u32 $0x380, s19;
	[tilespmem:s6+$0x0] =	vst.add.f32.msk $0xffff, v0;
	s6 =	sor.u32 $0x16010, s10  }
0xd7: {  	s10 =	sand.u32 $0x60, s17;
	s3 =	sor.u32 s20, s3;
	[tilespmem:s6+$0x0] =	vst.add.f32.msk $0xffff, v0  }
0xd8: {  	s10 =	sor.u32 s10, s3;
	[tilespmem:s9+$0x0] =	vst.add.f32.msk $0xffff, v1  }
0xd9: {  	s11 =	sadd.s32 $0x2, s11;
	s9 =	sor.u32 $0x10000, s10;
	s3 =	sor.u32 $0x12000, s10;
	v0 =	vld [tilespmem:s10+$0x1C010]  }
0xda: {  	p0 =	slt.u32 s11, $0x1FE;
	s6 =	sor.u32 $0x14000, s10;
	s20 =	sor.u32 $0x16000, s10;
	v2 =	vld [tilespmem:s10+$0x1C000]  }
.Ltmp2:
0xdb: {  	[tilespmem:s0+$0x0] =	vst.add.f32.msk $0xffff, v1;
	s0 =	smov.u32 s3;
	(pc) =	sbr.rel @p0 .LBB2_7-.Ltmp2, $4  }
0xdc: {  	[tilespmem:s2+$0x0] =	vst.add.f32.msk $0xffff, v1;
	s2 =	smov.u32 s6  }
0xdd: {  	s3 =	sor.u32 $0x10010, s10;
	[tilespmem:s8+$0x0] =	vst.add.f32.msk $0xffff, v1;
	s8 =	smov.u32 s20  }
0xde: {  	s17 =	sadd.s32 $0x20, s17;
	[tilespmem:s3+$0x0] =	vst.add.f32.msk $0xffff, v0;
	s3 =	sor.u32 $0x12010, s10  }
0xdf: {  	s18 =	sadd.s32 $0x100, s18;
	s19 =	sadd.s32 $0x4, s19;
	s6 =	sor.u32 $0x14010, s10;
	[tilespmem:s3+$0x0] =	vst.add.f32.msk $0xffff, v0;
	v1 =	vmov v2  }
0xe0: {  	[tilespmem:s6+$0x0] =	vst.add.f32.msk $0xffff, v0  }
0xe1: {  	s3 =	sor.u32 $0x16010, s10;
	[tilespmem:s9+$0x0] =	vst.add.f32.msk $0xffff, v1  }
0xe2: {  	[tilespmem:s3+$0x0] =	vst.add.f32.msk $0xffff, v0  }
0xe3: {  	s31 =	smul.u32 $0x18, s30;
	[tilespmem:s0+$0x0] =	vst.add.f32.msk $0xffff, v1  }
0xe4: {  	s0 =	rddreg [dreg:$0x1a]  }
0xe5: {  	s0 =	sadd.s32 s31, s0  }
0xe6: {  	s25 =	simm.s32 $0x10000;
	[tilespmem:s2+$0x0] =	vst.add.f32.msk $0xffff, v1;
	s0 =	sshll.u32 s0, $0x7  }
0xe7: {  	s3 =	simm.s32 $0x0;
	[tilespmem:s8+$0x0] =	vst.add.f32.msk $0xffff, v1;
	s21 =	sadd.s32 s4, s0;
	s6 =	sand.u32 $0x1FFFFF80, s0  }
0xe8: {  	[hbm4b:s21+s3] =	stream.linear.scatter [tilespmem:s25], [sflag:$0x9], $0x2000, $0x38;
	[tilespmem:$0x1E000] =	vst v63  }
0xe9: {  	s10 =	sld [smem:$0x7F5];
	s2 =	sadd.s32 s4, s6  }
0xea: {  	s9 =	simm.s32 $0x12000;
	s8 =	sadd.s32 $0x80000, s2  }
0xeb: {  	[hbm4b:s8+s3] =	stream.linear.scatter [tilespmem:s9], [sflag:$0x9], $0x2000, $0x38;
	[tilespmem:$0x1E000] =	vst v63  }
0xec: {  	s11 =	simm.s32 $0x14000;
	s0 =	sadd.s32 s0, s10  }
0xed: {  	[hbm4b:s0+s3] =	stream.linear.scatter [tilespmem:s11], [sflag:$0x9], $0x2000, $0x38;
	[tilespmem:$0x1E000] =	vst v63  }
0xee: {  	s18 =	simm.s32 $0x16000;
	s17 =	sadd.s32 $0x180000, s2  }
0xef: {  	[hbm4b:s17+s3] =	stream.linear.scatter [tilespmem:s18], [sflag:$0x9], $0x2000, $0x38;
	[tilespmem:$0x1E000] =	vst v63  }
0xf0: {  	_ =	swait.ge [sflag:s16], $0x2000  }
0xf1: {  	[sflag:s16] =	ssyncset.done $0x0  }
0xf2: {  	[sflag:s16] =	ssyncadd.s32 $0xFFFFE000  }
0xf3: {  	_ =	swait.ge [sflag:s16], $0x2000  }
0xf4: {  	[sflag:s16] =	ssyncset.done $0x0  }
0xf5: {  	[sflag:s16] =	ssyncadd.s32 $0xFFFFE000  }
0xf6: {  	_ =	swait.ge [sflag:s16], $0x2000  }
0xf7: {  	[sflag:s16] =	ssyncset.done $0x0  }
0xf8: {  	[sflag:s16] =	ssyncadd.s32 $0xFFFFE000  }
0xf9: {  	_ =	swait.ge [sflag:s16], $0x2000  }
0xfa: {  	s19 =	rddreg [dreg:$0x1b];
	[sflag:s16] =	ssyncset.done $0x0  }
0xfb: {  	s0 =	sadd.s32 s31, s19;
	[sflag:s16] =	ssyncadd.s32 $0xFFFFE000  }
0xfc: {  	s2 =	sshll.u32 s0, $0x7;
	s20 =	rddreg [dreg:$0x1]  }
0xfd: {  	s21 =	simm.s32 $0x1A000;
	s0 =	sadd.s32 s20, s2  }
0xfe: {  	[tilespmem:s21], [sflag:$0x5] =	stream.linear.gather [hbm4b:s0+s3], $0x2000, $0x38;
	[tilespmem:$0x1E000] =	vst v63  }
0xff: {  	s25 =	sadd.s32 s1, s2  }
0x100: {  	[tilespmem:s26], [sflag:$0x2] =	stream.linear.gather [hbm4b:s25+s3], $0x2000, $0x38;
	[tilespmem:$0x1E000] =	vst v63  }
0x101: {  	s26 =	sand.u32 $0x1FFFFF80, s2  }
0x102: {  	s0 =	sadd.s32 $0x80000, s26  }
0x103: {  	s8 =	sor.u32 $0x100000, s2;
	s11 =	sadd.s32 s1, s0  }
0x104: {  	[tilespmem:s28], [sflag:$0x2] =	stream.linear.gather [hbm4b:s11+s3], $0x2000, $0x38;
	[tilespmem:$0x1E000] =	vst v63  }
0x105: {  	s18 =	simm.s32 $0xC000;
	s17 =	sadd.s32 s1, s8;
	s9 =	sadd.s32 $0x180000, s26  }
0x106: {  	[tilespmem:s18], [sflag:$0x2] =	stream.linear.gather [hbm4b:s17+s3], $0x2000, $0x38;
	[tilespmem:$0x1E000] =	vst v63  }
0x107: {  	s19 =	simm.s32 $0xE000;
	s20 =	simm.s32 $0x4;
	s6 =	sadd.s32 s1, s9  }
0x108: {  	[tilespmem:s19], [sflag:$0x2] =	stream.linear.gather [hbm4b:s6+s3], $0x2000, $0x38;
	[tilespmem:$0x1E000] =	vst v63  }
0x109: {  	_ =	swait.ge [sflag:s20], $0x2000  }
0x10a: {  	[sflag:s20] =	ssyncset.done $0x0  }
0x10b: {  	[sflag:s20] =	ssyncadd.s32 $0xFFFFE000  }
0x10c: {  	_ =	swait.ge [sflag:s15], $0x2000  }
0x10d: {  	[sflag:s15] =	ssyncset.done $0x0  }
0x10e: {  	[sflag:s15] =	ssyncadd.s32 $0xFFFFE000  }
0x10f: {  	_ =	swait.ge [sflag:s15], $0x2000  }
0x110: {  	[sflag:s15] =	ssyncset.done $0x0  }
0x111: {  	[sflag:s15] =	ssyncadd.s32 $0xFFFFE000  }
0x112: {  	_ =	swait.ge [sflag:s15], $0x2000  }
0x113: {  	[sflag:s15] =	ssyncset.done $0x0  }
0x114: {  	[sflag:s15] =	ssyncadd.s32 $0xFFFFE000  }
0x115: {  	s21 =	sand.u32 $0x1C00, s3;
	s25 =	sand.u32 $0x380, s3;
	_ =	swait.ge [sflag:s15], $0x2000  }
0x116: {  	s3 =	sand.u32 $0x60, s3;
	s6 =	sor.u32 s25, s21;
	[sflag:s15] =	ssyncset.done $0x0  }
0x117: {  	s11 =	sor.u32 s3, s6;
	[sflag:s15] =	ssyncadd.s32 $0xFFFFE000  }
0x118: {  	v0 =	vld [tilespmem:s11+$0x18010];
	_ =	sdelay $0x2  }
0x119: {  	s19 =	simm.s32 $0x0  }
0x11a: {  	s6 =	simm.s32 $0x4;
	s17 =	sor.u32 $0x2000, s11;
	s3 =	sor.u32 $0x10, s11;
	v1 =	vld [tilespmem:s11+$0x18000]  }
0x11b: {  	s10 =	sor.u32 $0x4000, s11;
	s18 =	sor.u32 $0x6000, s11;
	s26 =	sor.u32 $0x2010, s11;
	[tilespmem:s3+$0x0] =	vst.add.f32.msk $0xffff, v0  }
0x11c: {  	s28 =	sor.u32 $0x4010, s11;
	s20 =	simm.s32 $0x20;
	[tilespmem:s26+$0x0] =	vst.add.f32.msk $0xffff, v0;
	s26 =	simm.s32 $0x100  }
.LBB2_9:
0x11d: {  	s3 =	sand.u32 $0x1C00, s26;
	s21 =	sand.u32 $0x380, s6;
	[tilespmem:s28+$0x0] =	vst.add.f32.msk $0xffff, v0;
	s28 =	sor.u32 $0x6010, s11  }
0x11e: {  	s25 =	sand.u32 $0x60, s20;
	s3 =	sor.u32 s21, s3;
	[tilespmem:s28+$0x0] =	vst.add.f32.msk $0xffff, v0  }
0x11f: {  	[tilespmem:s11+$0x0] =	vst.add.f32.msk $0xffff, v1;
	s11 =	sor.u32 s25, s3  }
0x120: {  	s19 =	sadd.s32 $0x2, s19;
	s3 =	sor.u32 $0x2000, s11;
	s21 =	sor.u32 $0x4000, s11;
	v0 =	vld [tilespmem:s11+$0x18010]  }
0x121: {  	p0 =	slt.u32 s19, $0x1FE;
	s25 =	sor.u32 $0x6000, s11;
	v2 =	vld [tilespmem:s11+$0x18000]  }
.Ltmp3:
0x122: {  	[tilespmem:s17+$0x0] =	vst.add.f32.msk $0xffff, v1;
	s17 =	smov.u32 s3;
	(pc) =	sbr.rel @p0 .LBB2_9-.Ltmp3, $4  }
0x123: {  	[tilespmem:s10+$0x0] =	vst.add.f32.msk $0xffff, v1;
	s10 =	smov.u32 s21  }
0x124: {  	s3 =	sor.u32 $0x10, s11;
	[tilespmem:s18+$0x0] =	vst.add.f32.msk $0xffff, v1;
	s18 =	smov.u32 s25  }
0x125: {  	s20 =	sadd.s32 $0x20, s20;
	[tilespmem:s3+$0x0] =	vst.add.f32.msk $0xffff, v0;
	s3 =	sor.u32 $0x2010, s11  }
0x126: {  	s26 =	sadd.s32 $0x100, s26;
	s6 =	sadd.s32 $0x4, s6;
	s28 =	sor.u32 $0x4010, s11;
	[tilespmem:s3+$0x0] =	vst.add.f32.msk $0xffff, v0;
	v1 =	vmov v2  }
0x127: {  	[tilespmem:s28+$0x0] =	vst.add.f32.msk $0xffff, v0  }
0x128: {  	s3 =	sor.u32 $0x6010, s11;
	[tilespmem:s11+$0x0] =	vst.add.f32.msk $0xffff, v1  }
0x129: {  	[tilespmem:s3+$0x0] =	vst.add.f32.msk $0xffff, v0  }
0x12a: {  	[tilespmem:s17+$0x0] =	vst.add.f32.msk $0xffff, v1  }
0x12b: {  	s3 =	rddreg [dreg:$0x1c]  }
0x12c: {  	s3 =	sadd.s32 s31, s3  }
0x12d: {  	[tilespmem:s10+$0x0] =	vst.add.f32.msk $0xffff, v1;
	s3 =	sshll.u32 s3, $0x7  }
0x12e: {  	s10 =	simm.s32 $0x0;
	[tilespmem:s18+$0x0] =	vst.add.f32.msk $0xffff, v1;
	s6 =	sadd.s32 s4, s3;
	s21 =	sand.u32 $0x1FFFFF80, s3  }
0x12f: {  	[hbm4b:s6+s10] =	stream.linear.scatter [tilespmem:s10], [sflag:$0x7], $0x2000, $0x38;
	[tilespmem:$0x1E000] =	vst v63  }
0x130: {  	s26 =	sld [smem:$0x7F5];
	s6 =	sadd.s32 s4, s21  }
0x131: {  	s25 =	sadd.s32 $0x80000, s6  }
0x132: {  	[hbm4b:s25+s10] =	stream.linear.scatter [tilespmem:s12], [sflag:$0x7], $0x2000, $0x38;
	[tilespmem:$0x1E000] =	vst v63  }
0x133: {  	s3 =	sadd.s32 s3, s26;
	s12 =	simm.s32 $0x4000  }
0x134: {  	[hbm4b:s3+s10] =	stream.linear.scatter [tilespmem:s12], [sflag:$0x7], $0x2000, $0x38;
	[tilespmem:$0x1E000] =	vst v63  }
0x135: {  	s11 =	sadd.s32 $0x180000, s6  }
0x136: {  	[hbm4b:s11+s10] =	stream.linear.scatter [tilespmem:s13], [sflag:$0x7], $0x2000, $0x38;
	[tilespmem:$0x1E000] =	vst v63  }
0x137: {  	_ =	swait.ge [sflag:s23], $0x2000  }
0x138: {  	[sflag:s23] =	ssyncset.done $0x0  }
0x139: {  	[sflag:s23] =	ssyncadd.s32 $0xFFFFE000  }
0x13a: {  	_ =	swait.ge [sflag:s23], $0x2000  }
0x13b: {  	[sflag:s23] =	ssyncset.done $0x0  }
0x13c: {  	[sflag:s23] =	ssyncadd.s32 $0xFFFFE000  }
0x13d: {  	_ =	swait.ge [sflag:s23], $0x2000  }
0x13e: {  	[sflag:s23] =	ssyncset.done $0x0  }
0x13f: {  	[sflag:s23] =	ssyncadd.s32 $0xFFFFE000  }
0x140: {  	_ =	swait.ge [sflag:s23], $0x2000  }
0x141: {  	s13 =	rddreg [dreg:$0x1d];
	[sflag:s23] =	ssyncset.done $0x0  }
0x142: {  	s3 =	sadd.s32 s31, s13;
	[sflag:s23] =	ssyncadd.s32 $0xFFFFE000  }
0x143: {  	s3 =	sshll.u32 s3, $0x7;
	s17 =	rddreg [dreg:$0x1]  }
0x144: {  	s18 =	simm.s32 $0x1C000;
	s6 =	sadd.s32 s17, s3;
	s21 =	sand.u32 $0x1FFFFF80, s3  }
0x145: {  	[tilespmem:s18], [sflag:$0x6] =	stream.linear.gather [hbm4b:s6+s10], $0x2000, $0x38;
	[tilespmem:$0x1E000] =	vst v63  }
0x146: {  	s20 =	simm.s32 $0x10000;
	s19 =	sadd.s32 s1, s3;
	s6 =	sadd.s32 s1, s21  }
0x147: {  	[tilespmem:s20], [sflag:$0x3] =	stream.linear.gather [hbm4b:s19+s10], $0x2000, $0x38;
	[tilespmem:$0x1E000] =	vst v63  }
0x148: {  	s26 =	simm.s32 $0x12000;
	s25 =	sadd.s32 $0x80000, s6  }
0x149: {  	[tilespmem:s26], [sflag:$0x3] =	stream.linear.gather [hbm4b:s25+s10], $0x2000, $0x38;
	[tilespmem:$0x1E000] =	vst v63  }
0x14a: {  	s13 =	simm.s32 $0x14000;
	s3 =	sadd.s32 s3, s14  }
0x14b: {  	[tilespmem:s13], [sflag:$0x3] =	stream.linear.gather [hbm4b:s3+s10], $0x2000, $0x38;
	[tilespmem:$0x1E000] =	vst v63  }
0x14c: {  	s18 =	simm.s32 $0x16000;
	s17 =	sadd.s32 $0x180000, s6;
	s19 =	simm.s32 $0x5  }
0x14d: {  	[tilespmem:s18], [sflag:$0x3] =	stream.linear.gather [hbm4b:s17+s10], $0x2000, $0x38;
	[tilespmem:$0x1E000] =	vst v63  }
0x14e: {  	_ =	swait.ge [sflag:s19], $0x2000  }
0x14f: {  	[sflag:s19] =	ssyncset.done $0x0  }
0x150: {  	[sflag:s19] =	ssyncadd.s32 $0xFFFFE000  }
0x151: {  	_ =	swait.ge [sflag:s22], $0x2000  }
0x152: {  	[sflag:s22] =	ssyncset.done $0x0  }
0x153: {  	[sflag:s22] =	ssyncadd.s32 $0xFFFFE000  }
0x154: {  	_ =	swait.ge [sflag:s22], $0x2000  }
0x155: {  	[sflag:s22] =	ssyncset.done $0x0  }
0x156: {  	[sflag:s22] =	ssyncadd.s32 $0xFFFFE000  }
0x157: {  	_ =	swait.ge [sflag:s22], $0x2000  }
0x158: {  	[sflag:s22] =	ssyncset.done $0x0  }
0x159: {  	[sflag:s22] =	ssyncadd.s32 $0xFFFFE000  }
0x15a: {  	s21 =	sand.u32 $0x380, s10;
	s20 =	sand.u32 $0x1C00, s10;
	_ =	swait.ge [sflag:s22], $0x2000  }
0x15b: {  	s3 =	sor.u32 s21, s20;
	s10 =	sand.u32 $0x60, s10;
	[sflag:s22] =	ssyncset.done $0x0  }
0x15c: {  	s19 =	sor.u32 s10, s3;
	[sflag:s22] =	ssyncadd.s32 $0xFFFFE000  }
0x15d: {  	v0 =	vld [tilespmem:s19+$0x1A010];
	_ =	sdelay $0x2  }
0x15e: {  	s28 =	simm.s32 $0x100;
	s6 =	simm.s32 $0x4  }
0x15f: {  	s26 =	simm.s32 $0x20;
	s20 =	simm.s32 $0x0;
	s3 =	sor.u32 $0x8010, s19;
	v1 =	vld [tilespmem:s19+$0x1A000]  }
0x160: {  	s11 =	sor.u32 $0x8000, s19;
	s10 =	sor.u32 $0xA000, s19;
	s25 =	sor.u32 $0xA010, s19;
	[tilespmem:s3+$0x0] =	vst.add.f32.msk $0xffff, v0  }
0x161: {  	s17 =	sor.u32 $0xC000, s19;
	s18 =	sor.u32 $0xE000, s19;
	s3 =	sor.u32 $0xC010, s19;
	[tilespmem:s25+$0x0] =	vst.add.f32.msk $0xffff, v0  }
.LBB2_11:
0x162: {  	s21 =	sand.u32 $0x1C00, s28;
	s25 =	sand.u32 $0x380, s6;
	[tilespmem:s3+$0x0] =	vst.add.f32.msk $0xffff, v0;
	s3 =	sor.u32 $0xE010, s19  }
0x163: {  	s19 =	sand.u32 $0x60, s26;
	s21 =	sor.u32 s25, s21;
	[tilespmem:s3+$0x0] =	vst.add.f32.msk $0xffff, v0  }
0x164: {  	s19 =	sor.u32 s19, s21;
	[tilespmem:s11+$0x0] =	vst.add.f32.msk $0xffff, v1  }
0x165: {  	s20 =	sadd.s32 $0x2, s20;
	s11 =	sor.u32 $0x8000, s19;
	s3 =	sor.u32 $0xA000, s19;
	v0 =	vld [tilespmem:s19+$0x1A010]  }
0x166: {  	p0 =	slt.u32 s20, $0x1FE;
	s21 =	sor.u32 $0xC000, s19;
	s25 =	sor.u32 $0xE000, s19;
	v2 =	vld [tilespmem:s19+$0x1A000]  }
.Ltmp4:
0x167: {  	[tilespmem:s10+$0x0] =	vst.add.f32.msk $0xffff, v1;
	s10 =	smov.u32 s3;
	(pc) =	sbr.rel @p0 .LBB2_11-.Ltmp4, $4  }
0x168: {  	[tilespmem:s17+$0x0] =	vst.add.f32.msk $0xffff, v1;
	s17 =	smov.u32 s21  }
0x169: {  	s3 =	sor.u32 $0x8010, s19;
	[tilespmem:s18+$0x0] =	vst.add.f32.msk $0xffff, v1;
	s18 =	smov.u32 s25  }
0x16a: {  	s26 =	sadd.s32 $0x20, s26;
	[tilespmem:s3+$0x0] =	vst.add.f32.msk $0xffff, v0;
	s3 =	sor.u32 $0xA010, s19  }
0x16b: {  	s28 =	sadd.s32 $0x100, s28;
	s6 =	sadd.s32 $0x4, s6;
	[tilespmem:s3+$0x0] =	vst.add.f32.msk $0xffff, v0;
	s3 =	sor.u32 $0xC010, s19;
	v1 =	vmov v2  }
0x16c: {  	[tilespmem:s3+$0x0] =	vst.add.f32.msk $0xffff, v0  }
0x16d: {  	s6 =	sor.u32 $0xE010, s19;
	[tilespmem:s11+$0x0] =	vst.add.f32.msk $0xffff, v1  }
0x16e: {  	[tilespmem:s6+$0x0] =	vst.add.f32.msk $0xffff, v0  }
0x16f: {  	[tilespmem:s10+$0x0] =	vst.add.f32.msk $0xffff, v1  }
0x170: {  	[tilespmem:s17+$0x0] =	vst.add.f32.msk $0xffff, v1  }
0x171: {  	s2 =	sadd.s32 s4, s2;
	s26 =	simm.s32 $0x8000;
	[tilespmem:s18+$0x0] =	vst.add.f32.msk $0xffff, v1  }
0x172: {  	[hbm4b:s2+s5] =	stream.linear.scatter [tilespmem:s26], [sflag:$0x8], $0x2000, $0x38;
	[tilespmem:$0x1E000] =	vst v63  }
0x173: {  	s0 =	sadd.s32 s4, s0;
	s28 =	simm.s32 $0xA000  }
0x174: {  	[hbm4b:s0+s5] =	stream.linear.scatter [tilespmem:s28], [sflag:$0x8], $0x2000, $0x38;
	[tilespmem:$0x1E000] =	vst v63  }
0x175: {  	s8 =	sadd.s32 s4, s8;
	s10 =	simm.s32 $0xC000  }
0x176: {  	[hbm4b:s8+s5] =	stream.linear.scatter [tilespmem:s10], [sflag:$0x8], $0x2000, $0x38;
	[tilespmem:$0x1E000] =	vst v63  }
0x177: {  	s11 =	sadd.s32 s4, s9;
	s13 =	simm.s32 $0xE000  }
0x178: {  	[hbm4b:s11+s5] =	stream.linear.scatter [tilespmem:s13], [sflag:$0x8], $0x2000, $0x38;
	[tilespmem:$0x1E000] =	vst v63  }
0x179: {  	_ =	swait.ge [sflag:s24], $0x2000  }
0x17a: {  	[sflag:s24] =	ssyncset.done $0x0  }
0x17b: {  	[sflag:s24] =	ssyncadd.s32 $0xFFFFE000  }
0x17c: {  	_ =	swait.ge [sflag:s24], $0x2000  }
0x17d: {  	[sflag:s24] =	ssyncset.done $0x0  }
0x17e: {  	[sflag:s24] =	ssyncadd.s32 $0xFFFFE000  }
0x17f: {  	_ =	swait.ge [sflag:s24], $0x2000  }
0x180: {  	[sflag:s24] =	ssyncset.done $0x0  }
0x181: {  	[sflag:s24] =	ssyncadd.s32 $0xFFFFE000  }
0x182: {  	_ =	swait.ge [sflag:s24], $0x2000  }
0x183: {  	s17 =	rddreg [dreg:$0x1e];
	[sflag:s24] =	ssyncset.done $0x0  }
0x184: {  	s0 =	sadd.s32 s31, s17;
	[sflag:s24] =	ssyncadd.s32 $0xFFFFE000  }
0x185: {  	s0 =	sshll.u32 s0, $0x7;
	s18 =	rddreg [dreg:$0x1]  }
0x186: {  	s19 =	simm.s32 $0x18000;
	s2 =	sadd.s32 s18, s0;
	s21 =	sand.u32 $0x1FFFFF80, s0  }
0x187: {  	[tilespmem:s19], [sflag:$0x4] =	stream.linear.gather [hbm4b:s2+s5], $0x2000, $0x38;
	[tilespmem:$0x1E000] =	vst v63  }
0x188: {  	s30 =	sadd.s32 $0x1, s30;
	s20 =	sadd.s32 s1, s0;
	s2 =	sadd.s32 s1, s21  }
0x189: {  	[tilespmem:s5], [sflag:$0x1] =	stream.linear.gather [hbm4b:s20+s5], $0x2000, $0x38;
	[tilespmem:$0x1E000] =	vst v63  }
0x18a: {  	p0 =	sne.s32 s30, $0x4;
	s21 =	simm.s32 $0x2000;
	s25 =	sadd.s32 $0x80000, s2  }
0x18b: {  	[tilespmem:s21], [sflag:$0x1] =	stream.linear.gather [hbm4b:s25+s5], $0x2000, $0x38;
	[tilespmem:$0x1E000] =	vst v63  }
.Ltmp5:
0x18c: {  	_ = 	snop;
	(pc) =	sbr.rel @p0 .LBB2_6-.Ltmp5, $4  }
0x18d: {  	s0 =	sadd.s32 s0, s14  }
0x18e: {  	[tilespmem:s12], [sflag:$0x1] =	stream.linear.gather [hbm4b:s0+s5], $0x2000, $0x38;
	[tilespmem:$0x1E000] =	vst v63  }
0x18f: {  	s31 =	sadd.s32 $0x180000, s2;
	s25 =	simm.s32 $0x6000  }
0x190: {  	[tilespmem:s25], [sflag:$0x1] =	stream.linear.gather [hbm4b:s31+s5], $0x2000, $0x38;
	[tilespmem:$0x1E000] =	vst v63  }
0x191: {  	s0 =	simm.s32 $0x6  }
0x192: {  	_ =	swait.ge [sflag:s0], $0x2000  }
0x193: {  	[sflag:s0] =	ssyncset.done $0x0  }
0x194: {  	[sflag:s0] =	ssyncadd.s32 $0xFFFFE000  }
0x195: {  	_ =	swait.ge [sflag:s7], $0x2000  }
0x196: {  	[sflag:s7] =	ssyncset.done $0x0  }
0x197: {  	[sflag:s7] =	ssyncadd.s32 $0xFFFFE000  }
0x198: {  	_ =	swait.ge [sflag:s7], $0x2000  }
0x199: {  	[sflag:s7] =	ssyncset.done $0x0  }
0x19a: {  	[sflag:s7] =	ssyncadd.s32 $0xFFFFE000  }
0x19b: {  	_ =	swait.ge [sflag:s7], $0x2000  }
0x19c: {  	[sflag:s7] =	ssyncset.done $0x0  }
0x19d: {  	s20 =	simm.s32 $0x0;
	[sflag:s7] =	ssyncadd.s32 $0xFFFFE000  }
0x19e: {  	s2 =	sand.u32 $0x1C00, s20;
	s3 =	sand.u32 $0x380, s20;
	_ =	swait.ge [sflag:s7], $0x2000  }
0x19f: {  	s2 =	sor.u32 s3, s2;
	s0 =	sand.u32 $0x60, s20;
	[sflag:s7] =	ssyncset.done $0x0  }
0x1a0: {  	s10 =	sor.u32 s0, s2;
	[sflag:s7] =	ssyncadd.s32 $0xFFFFE000  }
0x1a1: {  	v0 =	vld [tilespmem:s10+$0x1C010];
	_ =	sdelay $0x2  }
0x1a2: {  	s11 =	simm.s32 $0x0;
	s17 =	simm.s32 $0x20  }
0x1a3: {  	s18 =	simm.s32 $0x100;
	s6 =	simm.s32 $0x4;
	s30 =	sor.u32 $0x10010, s10;
	v1 =	vld [tilespmem:s10+$0x1C000]  }
0x1a4: {  	s2 =	sor.u32 $0x10000, s10;
	s0 =	sor.u32 $0x12000, s10;
	s31 =	sor.u32 $0x12010, s10;
	[tilespmem:s30+$0x0] =	vst.add.f32.msk $0xffff, v0  }
0x1a5: {  	s8 =	sor.u32 $0x14000, s10;
	s9 =	sor.u32 $0x16000, s10;
	s3 =	sor.u32 $0x14010, s10;
	[tilespmem:s31+$0x0] =	vst.add.f32.msk $0xffff, v0  }
.LBB2_14:
0x1a6: {  	s19 =	sand.u32 $0x1C00, s18;
	s20 =	sand.u32 $0x380, s6;
	[tilespmem:s3+$0x0] =	vst.add.f32.msk $0xffff, v0;
	s3 =	sor.u32 $0x16010, s10  }
0x1a7: {  	s10 =	sand.u32 $0x60, s17;
	s19 =	sor.u32 s20, s19;
	[tilespmem:s3+$0x0] =	vst.add.f32.msk $0xffff, v0  }
0x1a8: {  	s10 =	sor.u32 s10, s19;
	[tilespmem:s2+$0x0] =	vst.add.f32.msk $0xffff, v1  }
0x1a9: {  	s11 =	sadd.s32 $0x2, s11;
	s2 =	sor.u32 $0x10000, s10;
	s3 =	sor.u32 $0x12000, s10;
	v0 =	vld [tilespmem:s10+$0x1C010]  }
0x1aa: {  	p0 =	slt.u32 s11, $0x1FE;
	s19 =	sor.u32 $0x14000, s10;
	s20 =	sor.u32 $0x16000, s10;
	v2 =	vld [tilespmem:s10+$0x1C000]  }
.Ltmp6:
0x1ab: {  	[tilespmem:s0+$0x0] =	vst.add.f32.msk $0xffff, v1;
	s0 =	smov.u32 s3;
	(pc) =	sbr.rel @p0 .LBB2_14-.Ltmp6, $4  }
0x1ac: {  	[tilespmem:s8+$0x0] =	vst.add.f32.msk $0xffff, v1;
	s8 =	smov.u32 s19  }
0x1ad: {  	s3 =	sor.u32 $0x10010, s10;
	[tilespmem:s9+$0x0] =	vst.add.f32.msk $0xffff, v1;
	s9 =	smov.u32 s20  }
0x1ae: {  	s17 =	sadd.s32 $0x20, s17;
	[tilespmem:s3+$0x0] =	vst.add.f32.msk $0xffff, v0;
	s3 =	sor.u32 $0x12010, s10  }
0x1af: {  	s18 =	sadd.s32 $0x100, s18;
	s6 =	sadd.s32 $0x4, s6;
	[tilespmem:s3+$0x0] =	vst.add.f32.msk $0xffff, v0;
	s3 =	sor.u32 $0x14010, s10;
	v1 =	vmov v2  }
0x1b0: {  	[tilespmem:s3+$0x0] =	vst.add.f32.msk $0xffff, v0  }
0x1b1: {  	s30 =	sor.u32 $0x16010, s10;
	[tilespmem:s2+$0x0] =	vst.add.f32.msk $0xffff, v1  }
0x1b2: {  	[tilespmem:s30+$0x0] =	vst.add.f32.msk $0xffff, v0  }
0x1b3: {  	[tilespmem:s0+$0x0] =	vst.add.f32.msk $0xffff, v1  }
0x1b4: {  	[tilespmem:s8+$0x0] =	vst.add.f32.msk $0xffff, v1  }
0x1b5: {  	[tilespmem:s9+$0x0] =	vst.add.f32.msk $0xffff, v1  }
0x1b6: {  	s2 =	sld [smem:$0x7F6];
	_ =	sdelay $0x1  }
0x1b7: {  	s31 =	simm.s32 $0x0;
	s6 =	simm.s32 $0x10000;
	s8 =	sld [smem:$0x7F8]  }
0x1b8: {  	[hbm4b:s2+s31] =	stream.linear.scatter [tilespmem:s6], [sflag:$0x9], $0x2000, $0x38;
	[tilespmem:$0x1E000] =	vst v63  }
0x1b9: {  	s9 =	simm.s32 $0x12000;
	s10 =	sld [smem:$0x7F7]  }
0x1ba: {  	[hbm4b:s8+s31] =	stream.linear.scatter [tilespmem:s9], [sflag:$0x9], $0x2000, $0x38;
	[tilespmem:$0x1E000] =	vst v63  }
0x1bb: {  	s11 =	simm.s32 $0x14000;
	s13 =	sld [smem:$0x7F9]  }
0x1bc: {  	[hbm4b:s10+s31] =	stream.linear.scatter [tilespmem:s11], [sflag:$0x9], $0x2000, $0x38;
	[tilespmem:$0x1E000] =	vst v63  }
0x1bd: {  	s17 =	simm.s32 $0x16000;
	s18 =	simm.s32 $0x4  }
0x1be: {  	[hbm4b:s13+s31] =	stream.linear.scatter [tilespmem:s17], [sflag:$0x9], $0x2000, $0x38;
	[tilespmem:$0x1E000] =	vst v63  }
0x1bf: {  	_ =	swait.ge [sflag:s18], $0x2000  }
0x1c0: {  	[sflag:s18] =	ssyncset.done $0x0  }
0x1c1: {  	[sflag:s18] =	ssyncadd.s32 $0xFFFFE000  }
0x1c2: {  	_ =	swait.ge [sflag:s15], $0x2000  }
0x1c3: {  	[sflag:s15] =	ssyncset.done $0x0  }
0x1c4: {  	[sflag:s15] =	ssyncadd.s32 $0xFFFFE000  }
0x1c5: {  	_ =	swait.ge [sflag:s15], $0x2000  }
0x1c6: {  	[sflag:s15] =	ssyncset.done $0x0  }
0x1c7: {  	[sflag:s15] =	ssyncadd.s32 $0xFFFFE000  }
0x1c8: {  	_ =	swait.ge [sflag:s15], $0x2000  }
0x1c9: {  	[sflag:s15] =	ssyncset.done $0x0  }
0x1ca: {  	[sflag:s15] =	ssyncadd.s32 $0xFFFFE000  }
0x1cb: {  	s19 =	sand.u32 $0x1C00, s31;
	s20 =	sand.u32 $0x380, s31;
	_ =	swait.ge [sflag:s15], $0x2000  }
0x1cc: {  	s0 =	sand.u32 $0x60, s31;
	s2 =	sor.u32 s20, s19;
	[sflag:s15] =	ssyncset.done $0x0  }
0x1cd: {  	s0 =	sor.u32 s0, s2;
	[sflag:s15] =	ssyncadd.s32 $0xFFFFE000  }
0x1ce: {  	v0 =	vld [tilespmem:s0+$0x18010];
	_ =	sdelay $0x2  }
0x1cf: {  	s6 =	simm.s32 $0x100  }
0x1d0: {  	s2 =	sor.u32 $0x2000, s0;
	s8 =	sor.u32 $0x4000, s0;
	s30 =	sor.u32 $0x10, s0;
	v1 =	vld [tilespmem:s0+$0x18000]  }
0x1d1: {  	s9 =	sor.u32 $0x6000, s0;
	s3 =	sor.u32 $0x4010, s0;
	s31 =	sor.u32 $0x2010, s0;
	[tilespmem:s30+$0x0] =	vst.add.f32.msk $0xffff, v0  }
0x1d2: {  	s10 =	simm.s32 $0x0;
	s11 =	simm.s32 $0x20;
	s17 =	simm.s32 $0x4;
	[tilespmem:s31+$0x0] =	vst.add.f32.msk $0xffff, v0  }
.LBB2_16:
0x1d3: {  	s18 =	sand.u32 $0x1C00, s6;
	s19 =	sand.u32 $0x380, s17;
	[tilespmem:s3+$0x0] =	vst.add.f32.msk $0xffff, v0;
	s3 =	sor.u32 $0x6010, s0  }
0x1d4: {  	s20 =	sand.u32 $0x60, s11;
	s18 =	sor.u32 s19, s18;
	[tilespmem:s3+$0x0] =	vst.add.f32.msk $0xffff, v0  }
0x1d5: {  	[tilespmem:s0+$0x0] =	vst.add.f32.msk $0xffff, v1;
	s0 =	sor.u32 s20, s18  }
0x1d6: {  	s10 =	sadd.s32 $0x2, s10;
	s3 =	sor.u32 $0x2000, s0;
	s18 =	sor.u32 $0x4000, s0;
	v0 =	vld [tilespmem:s0+$0x18010]  }
0x1d7: {  	p0 =	slt.u32 s10, $0x1FE;
	s19 =	sor.u32 $0x6000, s0;
	v2 =	vld [tilespmem:s0+$0x18000]  }
.Ltmp7:
0x1d8: {  	[tilespmem:s2+$0x0] =	vst.add.f32.msk $0xffff, v1;
	s2 =	smov.u32 s3;
	(pc) =	sbr.rel @p0 .LBB2_16-.Ltmp7, $4  }
0x1d9: {  	[tilespmem:s8+$0x0] =	vst.add.f32.msk $0xffff, v1;
	s8 =	smov.u32 s18  }
0x1da: {  	s3 =	sor.u32 $0x10, s0;
	[tilespmem:s9+$0x0] =	vst.add.f32.msk $0xffff, v1;
	s9 =	smov.u32 s19  }
0x1db: {  	s11 =	sadd.s32 $0x20, s11;
	[tilespmem:s3+$0x0] =	vst.add.f32.msk $0xffff, v0;
	s3 =	sor.u32 $0x2010, s0  }
0x1dc: {  	s6 =	sadd.s32 $0x100, s6;
	s17 =	sadd.s32 $0x4, s17;
	[tilespmem:s3+$0x0] =	vst.add.f32.msk $0xffff, v0;
	s3 =	sor.u32 $0x4010, s0;
	v1 =	vmov v2  }
0x1dd: {  	[tilespmem:s3+$0x0] =	vst.add.f32.msk $0xffff, v0  }
0x1de: {  	s17 =	sor.u32 $0x6010, s0;
	[tilespmem:s0+$0x0] =	vst.add.f32.msk $0xffff, v1  }
0x1df: {  	[tilespmem:s17+$0x0] =	vst.add.f32.msk $0xffff, v0  }
0x1e0: {  	[tilespmem:s2+$0x0] =	vst.add.f32.msk $0xffff, v1  }
0x1e1: {  	[tilespmem:s8+$0x0] =	vst.add.f32.msk $0xffff, v1  }
0x1e2: {  	[tilespmem:s9+$0x0] =	vst.add.f32.msk $0xffff, v1  }
0x1e3: {  	s0 =	sld [smem:$0x7FB];
	_ =	sdelay $0x1  }
0x1e4: {  	s18 =	sld [smem:$0x7FA]  }
0x1e5: {  	[hbm4b:s0+s5] =	stream.linear.scatter [tilespmem:s5], [sflag:$0x7], $0x2000, $0x38;
	[tilespmem:$0x1E000] =	vst v63  }
0x1e6: {  	s19 =	sld [smem:$0x7FC]  }
0x1e7: {  	[hbm4b:s18+s5] =	stream.linear.scatter [tilespmem:s21], [sflag:$0x7], $0x2000, $0x38;
	[tilespmem:$0x1E000] =	vst v63  }
0x1e8: {  	s20 =	sld [smem:$0x7FD]  }
0x1e9: {  	[hbm4b:s19+s5] =	stream.linear.scatter [tilespmem:s12], [sflag:$0x7], $0x2000, $0x38;
	[tilespmem:$0x1E000] =	vst v63  }
0x1ea: {  	_ = 	snop  }
0x1eb: {  	[hbm4b:s20+s5] =	stream.linear.scatter [tilespmem:s25], [sflag:$0x7], $0x2000, $0x38;
	[tilespmem:$0x1E000] =	vst v63  }
0x1ec: {  	_ =	swait.ge [sflag:s16], $0x2000  }
0x1ed: {  	[sflag:s16] =	ssyncset.done $0x0  }
0x1ee: {  	[sflag:s16] =	ssyncadd.s32 $0xFFFFE000  }
0x1ef: {  	_ =	swait.ge [sflag:s16], $0x2000  }
0x1f0: {  	[sflag:s16] =	ssyncset.done $0x0  }
0x1f1: {  	[sflag:s16] =	ssyncadd.s32 $0xFFFFE000  }
0x1f2: {  	_ =	swait.ge [sflag:s16], $0x2000  }
0x1f3: {  	[sflag:s16] =	ssyncset.done $0x0  }
0x1f4: {  	[sflag:s16] =	ssyncadd.s32 $0xFFFFE000  }
0x1f5: {  	_ =	swait.ge [sflag:s16], $0x2000  }
0x1f6: {  	[sflag:s16] =	ssyncset.done $0x0  }
0x1f7: {  	[sflag:s16] =	ssyncadd.s32 $0xFFFFE000  }
0x1f8: {  	_ =	swait.ge [sflag:s23], $0x2000  }
0x1f9: {  	[sflag:s23] =	ssyncset.done $0x0  }
0x1fa: {  	[sflag:s23] =	ssyncadd.s32 $0xFFFFE000  }
0x1fb: {  	_ =	swait.ge [sflag:s23], $0x2000  }
0x1fc: {  	[sflag:s23] =	ssyncset.done $0x0  }
0x1fd: {  	[sflag:s23] =	ssyncadd.s32 $0xFFFFE000  }
0x1fe: {  	_ =	swait.ge [sflag:s23], $0x2000  }
0x1ff: {  	[sflag:s23] =	ssyncset.done $0x0  }
0x200: {  	[sflag:s23] =	ssyncadd.s32 $0xFFFFE000  }
0x201: {  	_ =	swait.ge [sflag:s23], $0x2000  }
0x202: {  	[sflag:s23] =	ssyncset.done $0x0  }
0x203: {  	[sflag:s23] =	ssyncadd.s32 $0xFFFFE000  }
0x204: {  	_ =	swait.ge [sflag:s24], $0x2000  }
0x205: {  	[sflag:s24] =	ssyncset.done $0x0  }
0x206: {  	[sflag:s24] =	ssyncadd.s32 $0xFFFFE000  }
0x207: {  	_ =	swait.ge [sflag:s24], $0x2000  }
0x208: {  	[sflag:s24] =	ssyncset.done $0x0  }
0x209: {  	[sflag:s24] =	ssyncadd.s32 $0xFFFFE000  }
0x20a: {  	_ =	swait.ge [sflag:s24], $0x2000  }
0x20b: {  	[sflag:s24] =	ssyncset.done $0x0  }
0x20c: {  	[sflag:s24] =	ssyncadd.s32 $0xFFFFE000  }
0x20d: {  	_ =	swait.ge [sflag:s24], $0x2000  }
0x20e: {  	s30 =	sld [smem:$0x7EE]  }
0x20f: {  	s31 =	sld [smem:$0x7F0];
	_ =	sdelay $0x1  }
0x210: {  	s2 =	sadd.s32 $0x1, s30  }
0x211: {  	p0 =	sne.s32 s2, s31  }
.Ltmp8:
0x212: {  	_ = 	snop;
	(pc) =	sbr.rel @p0 .LBB2_1-.Ltmp8, $3  }
0x213: {  	_ =	sdelay $0x1  }
0x214: {  	[sflag:s24] =	ssyncset.done $0x0  }
0x215: {  	[sflag:s24] =	ssyncadd.s32 $0xFFFFE000  }
0x216: {  	_ =	sfence.sel $0x180000  }
0x217: {  	[bflag:$0x0] =	sbarrier.arrive $0xFFFF  }
0x218: {  	_ =	strace $0x90000047  }
0x219: {  	s0 =	stileid.u32;
	[bflag:$0x2] =	sbarrier.arrive $0xFFFF  }
0x21a: {  	p0 =	sne.s32 s0, $0x0;
	s0 =	rddreg [dreg:$0x3]  }
0x21b: {  	s0 =	sadd.s32 @!p0 $0x100000, s0  }
0x21c: {  	[sflag:s0] =	ssyncadd.tile.s32 @!p0 $0x1;
	_ =	shalt  }
.Lfunc_end2:
_tile_overlayer_lowered:
.L_overlay_start_2:
0x21d: {  	(tag) =	ssettag $0x2  }
0x21e: {  	s0 =	rddreg [dreg:$0x0];
	s2 =	stileid.u32  }
0x21f: {  	s1 =	rddreg [dreg:$0x1];
	p0 =	sne.s32 s2, $0x0  }
0x220: {  	s3 =	rddreg [dreg:$0x2];
	[bflag:$0x3] =	sbarrier.arrive $0xFFFF;
	s2 =	simm.s32 @!p0 $0x1C0A  }
0x221: {  	[timem:s3], [sflag:s2] =	dma.local @!p0 [hbm:s0], s1  }
0x222: {  	s0 =	simm.s32 @!p0 $0xA  }
0x223: {  	_ =	swait.ge @!p0 [sflag:s0], s1  }
0x224: {  	s1 =	ssub.s32 @!p0 $0x0, s1;
	[sflag:s0] =	ssyncset.done @!p0 $0x0  }
0x225: {  	[sflag:s0] =	ssyncadd.s32 @!p0 s1  }
0x226: {  	[bflag:$0x3] =	sbarrier.arrive $0xFFFF  }
0x227: {  	_ =	shalt  }

</sc_bundles>
